<compile_context>
chip_gen: v7x
topology: tpu7x:2x2x1
jax: 0.10.2.dev20260603
libtpu: 0.0.44.dev20260713+nightly
codegen_flags: <defaults>
</compile_context>

<pallas_src>
import functools

import jax
import jax.numpy as jnp
from jax import lax
from jax.experimental import pallas as pl
from jax.experimental.pallas import tpu as pltpu
from jax.experimental.pallas import tpu_sc as plsc

N = 10000
E = 320000
D = 128
H = 8
DH = 16
DX = D + 16

NC = 2
NS = 16
NW = NC * NS
EW = E // NW
B = 40
CH = EW // B
RPT = 624
TAIL0 = NS * RPT
TAILN = N - TAIL0


def _proj_body(feat_ref, w_ref, al_ref, ar_ref, hext_ref, er_ref):
    h = jnp.dot(feat_ref[...], w_ref[...], preferred_element_type=jnp.float32)
    hext_ref[:, :D] = h
    hext_ref[:, D:DX] = jnp.dot(h, al_ref[...], preferred_element_type=jnp.float32)
    er_ref[...] = jnp.dot(h, ar_ref[...], preferred_element_type=jnp.float32)


_BN = 2000

_proj = pl.pallas_call(
    _proj_body,
    grid=(N // _BN,),
    in_specs=[
        pl.BlockSpec((_BN, D), lambda i: (i, 0)),
        pl.BlockSpec((D, D), lambda i: (0, 0)),
        pl.BlockSpec((D, 16), lambda i: (0, 0)),
        pl.BlockSpec((D, 16), lambda i: (0, 0)),
    ],
    out_specs=[
        pl.BlockSpec((_BN, DX), lambda i: (i, 0)),
        pl.BlockSpec((_BN, 16), lambda i: (i, 0)),
    ],
    out_shape=[
        jax.ShapeDtypeStruct((N, DX), jnp.float32),
        jax.ShapeDtypeStruct((N, 16), jnp.float32),
    ],
)


_sc_mesh = plsc.VectorSubcoreMesh(core_axis_name="c", subcore_axis_name="s")


NBUF = 3


@functools.partial(
    pl.kernel,
    mesh=_sc_mesh,
    compiler_params=pltpu.CompilerParams(use_tc_tiling_on_sc=False),
    out_type=jax.ShapeDtypeStruct((NC, N, DX), jnp.float32),
    scratch_types=[
        pltpu.VMEM((CH, B), jnp.int32),
        pltpu.VMEM((CH, B), jnp.int32),
        pltpu.VMEM((B, DX), jnp.float32),
        pltpu.VMEM((B, DX), jnp.float32),
        pltpu.VMEM((B, DX), jnp.float32),
        pltpu.VMEM((B, 16), jnp.float32),
        pltpu.VMEM((B, 16), jnp.float32),
        pltpu.VMEM((B, 16), jnp.float32),
        pltpu.VMEM_SHARED((N, DX), jnp.float32),
        pltpu.SemaphoreType.DMA,
        pltpu.SemaphoreType.DMA,
        pltpu.SemaphoreType.DMA,
        pltpu.SemaphoreType.DMA,
        pltpu.SemaphoreType.DMA,
        pltpu.SemaphoreType.DMA,
    ],
)
def _edge_kernel(hext_hbm, er_hbm, src_hbm, dst_hbm, zero_hbm, out_hbm,
                 src_all, dst_all, rows0, rows1, rows2, err0, err1, err2,
                 acc, gs0, gs1, gs2, ss0, ss1, ss2):
    c = lax.axis_index("c")
    s = lax.axis_index("s")
    wid = c * NS + s
    r0 = s * RPT
    rows = (rows0, rows1, rows2)
    errs = (err0, err1, err2)
    gsem = (gs0, gs1, gs2)
    ssem = (ss0, ss1, ss2)

    pltpu.sync_copy(zero_hbm.at[pl.ds(r0, RPT)], acc.at[pl.ds(r0, RPT)])

    @pl.when(s == NS - 1)
    def _():
        pltpu.sync_copy(zero_hbm.at[pl.ds(TAIL0, TAILN)],
                        acc.at[pl.ds(TAIL0, TAILN)])

    pltpu.sync_copy(src_hbm.at[pl.ds(wid * CH, CH)], src_all)
    pltpu.sync_copy(dst_hbm.at[pl.ds(wid * CH, CH)], dst_all)
    plsc.subcore_barrier()

    def issue_gather(k, j):
        pltpu.async_copy(hext_hbm.at[src_all.at[k]], rows[j], gsem[j])
        pltpu.async_copy(er_hbm.at[dst_all.at[k]], errs[j], gsem[j])

    def wait_gather(j):
        pltpu.make_async_copy(hext_hbm.at[src_all.at[0]], rows[j], gsem[j]).wait()
        pltpu.make_async_copy(er_hbm.at[dst_all.at[0]], errs[j], gsem[j]).wait()

    def wait_scatter(j):
        pltpu.make_async_copy(rows[j], acc.at[dst_all.at[0]], ssem[j]).wait()

    def compute(k, j):
        rows_v = rows[j]
        err_v = errs[j]

        @plsc.parallel_loop(0, B, unroll=2)
        def edge(b):
            el = rows_v[b, pl.ds(D, 16)]
            er = err_v[b, :]
            e = el + er
            e = jnp.maximum(e, e * 0.2)
            w = jnp.exp(e)
            rows_v[b, pl.ds(D, 16)] = w
            for hh in range(H):
                ws = w[hh]
                blk = rows_v[b, pl.ds(hh * DH, DH)]
                rows_v[b, pl.ds(hh * DH, DH)] = blk * ws
        pltpu.async_copy(rows_v, acc.at[dst_all.at[k]], ssem[j], add=True)

    NMAIN = (CH // NBUF) * NBUF - NBUF
    issue_gather(0, 0)
    issue_gather(1, 1)

    def triple(i, carry):
        for j in range(NBUF):
            kk = i * NBUF + j
            jn = (j + 2) % NBUF
            wait_gather(j)

            @pl.when(kk >= 1)
            def _():
                wait_scatter(jn)

            issue_gather(kk + 2, jn)
            compute(kk, j)
        return carry

    lax.fori_loop(0, NMAIN // NBUF, triple, 0)

    for kk in range(NMAIN, CH):
        j = kk % NBUF
        jn = (j + 2) % NBUF
        wait_gather(j)
        wait_scatter(jn)
        if kk + 2 < CH:
            issue_gather(kk + 2, jn)
        compute(kk, j)
    wait_scatter((CH - 1) % NBUF)

    plsc.subcore_barrier()
    pltpu.sync_copy(acc.at[pl.ds(r0, RPT)], out_hbm.at[c, pl.ds(r0, RPT)])

    @pl.when(s == NS - 1)
    def _():
        pltpu.sync_copy(acc.at[pl.ds(TAIL0, TAILN)],
                        out_hbm.at[c, pl.ds(TAIL0, TAILN)])


def _combine_body(acc_ref, p_ref, bias_ref, out_ref):
    a = acc_ref[0] + acc_ref[1]
    s8 = a[:, D:D + H]
    sx = jnp.dot(s8, p_ref[...], preferred_element_type=jnp.float32)
    out_ref[...] = a[:, :D] / (sx + 1e-9) + bias_ref[...]


_combine = pl.pallas_call(
    _combine_body,
    grid=(N // _BN,),
    in_specs=[
        pl.BlockSpec((NC, _BN, DX), lambda i: (0, i, 0)),
        pl.BlockSpec((H, D), lambda i: (0, 0)),
        pl.BlockSpec((1, D), lambda i: (0, 0)),
    ],
    out_specs=pl.BlockSpec((_BN, D), lambda i: (i, 0)),
    out_shape=jax.ShapeDtypeStruct((N, D), jnp.float32),
)


def kernel(feat, edge_index, W, attn_l, attn_r, bias):
    src = edge_index[0]
    dst = edge_index[1]
    heads = jnp.repeat(jnp.arange(H), DH)
    sel = (heads[:, None] == jnp.arange(16)[None, :]).astype(jnp.float32)
    al16 = attn_l.reshape(D)[:, None] * sel
    ar16 = attn_r.reshape(D)[:, None] * sel
    p = (jnp.arange(H)[:, None] == heads[None, :]).astype(jnp.float32)
    zero = jnp.zeros((N, DX), jnp.float32)

    hext, er = _proj(feat, W, al16, ar16)
    acc = _edge_kernel(hext, er, src.reshape(NW * CH, B),
                       dst.reshape(NW * CH, B), zero)
    return _combine(acc, p, bias.reshape(1, D))

# --- scband reference (transcript-rebuilt; emitter-appended) ---
"""Pipeline reference for scband-gat-p3-first-17437567221934 (READ-ONLY COPY).

The authoritative reference and input builder live on the scoring server;
editing this copy changes nothing except your own understanding.
"""

import jax, jax.numpy as jnp
import numpy as np

N = 10000
E = 320000
IN_FEATS = 128
NUM_HEADS = 8
OUT_HEAD = 16  # hid_feats / num_heads = 128 / 8


def setup_inputs(seed: int = 0) -> dict:
    key = jax.random.key(seed)
    k1, k2, k3, k4, k5 = jax.random.split(key, 5)
    feat = jax.random.normal(k1, (N, IN_FEATS), dtype=jnp.float32)
    edge_index = jax.random.randint(k2, (2, E), 0, N, dtype=jnp.int32)
    # GATConv parameters (DGL layout): fc weight, attn_l, attn_r, bias
    W = jax.random.normal(k3, (IN_FEATS, NUM_HEADS * OUT_HEAD), dtype=jnp.float32) * 0.08
    attn_l = jax.random.normal(k4, (NUM_HEADS, OUT_HEAD), dtype=jnp.float32) * 0.1
    attn_r = jax.random.normal(k5, (NUM_HEADS, OUT_HEAD), dtype=jnp.float32) * 0.1
    bias = jnp.zeros((NUM_HEADS * OUT_HEAD,), dtype=jnp.float32)
    return {"feat": feat, "edge_index": edge_index, "W": W, "attn_l": attn_l, "attn_r": attn_r, "bias": bias}


def reference(feat, edge_index, W, attn_l, attn_r, bias):
    src = edge_index[0]
    dst = edge_index[1]
    # linear projection, reshape to heads
    h = (feat @ W).reshape(N, NUM_HEADS, OUT_HEAD)  # [N, H, Dh]
    # per-node attention logits
    el = jnp.sum(h * attn_l[None, :, :], axis=-1)  # [N, H]
    er = jnp.sum(h * attn_r[None, :, :], axis=-1)  # [N, H]
    # per-edge logits (gather) + leaky relu (negative_slope=0.2, DGL default)
    e = jax.nn.leaky_relu(el[src] + er[dst], negative_slope=0.2)  # [E, H]
    # edge softmax normalized per destination node
    m = jax.ops.segment_max(e, dst, num_segments=N)  # [N, H]
    m = jnp.where(jnp.isfinite(m), m, 0.0)
    a = jnp.exp(e - m[dst])  # [E, H]
    s = jax.ops.segment_sum(a, dst, num_segments=N)  # [N, H]
    alpha = a / (s[dst] + 1e-9)  # [E, H]
    # weighted message aggregation (scatter-add by dst)
    msg = alpha[:, :, None] * h[src]  # [E, H, Dh]
    out = jax.ops.segment_sum(msg, dst, num_segments=N)  # [N, H, Dh]
    out = out + bias.reshape(1, NUM_HEADS, OUT_HEAD)
    # module does .flatten(1)
    return out.reshape(N, NUM_HEADS * OUT_HEAD)

if __name__ == "__main__":
    import jax
    _d = setup_inputs()
    print(jax.jit(kernel)(*tuple(_d.values())))

</pallas_src>

<mosaic_0001>
#map = affine_map<(d0, d1) -> (0, 0)>
#map1 = affine_map<(d0, d1) -> (0, 0, 0)>
module attributes {stable_mosaic.version = 14 : i64} {
  func.func @_edge_kernel(%arg0: i32, %arg1: i32, %arg2: memref<10000x144xf32, #tpu.memory_space<hbm>>, %arg3: memref<10000x16xf32, #tpu.memory_space<hbm>>, %arg4: memref<8000x40xi32, #tpu.memory_space<hbm>>, %arg5: memref<8000x40xi32, #tpu.memory_space<hbm>>, %arg6: memref<10000x144xf32, #tpu.memory_space<hbm>>, %arg7: memref<2x10000x144xf32, #tpu.memory_space<hbm>>, %arg8: memref<250x40xi32, #tpu.memory_space<vmem>>, %arg9: memref<250x40xi32, #tpu.memory_space<vmem>>, %arg10: memref<40x144xf32, #tpu.memory_space<vmem>>, %arg11: memref<40x144xf32, #tpu.memory_space<vmem>>, %arg12: memref<40x144xf32, #tpu.memory_space<vmem>>, %arg13: memref<40x16xf32, #tpu.memory_space<vmem>>, %arg14: memref<40x16xf32, #tpu.memory_space<vmem>>, %arg15: memref<40x16xf32, #tpu.memory_space<vmem>>, %arg16: memref<10000x144xf32, #tpu.memory_space<vmem_shared>>, %arg17: memref<!tpu.dma_semaphore, #tpu.memory_space<semaphore_mem>>, %arg18: memref<!tpu.dma_semaphore, #tpu.memory_space<semaphore_mem>>, %arg19: memref<!tpu.dma_semaphore, #tpu.memory_space<semaphore_mem>>, %arg20: memref<!tpu.dma_semaphore, #tpu.memory_space<semaphore_mem>>, %arg21: memref<!tpu.dma_semaphore, #tpu.memory_space<semaphore_mem>>, %arg22: memref<!tpu.dma_semaphore, #tpu.memory_space<semaphore_mem>>) attributes {dimension_semantics = [#tpu.dimension_semantics<core_parallel>, #tpu.dimension_semantics<subcore_parallel>], iteration_bounds = array<i64: 2, 16>, scalar_prefetch = 0 : i64, scratch_operands = 15 : i64, tpu.core_type = #tpu.core_type<sc_vector_subcore>, window_params = [{transform_indices = #map}, {transform_indices = #map}, {transform_indices = #map}, {transform_indices = #map}, {transform_indices = #map}, {transform_indices = #map1}]} {
    %mul3A = arith.constant 16 : i32
    %mul3A_0 = arith.muli %arg0, %mul3A : i32
    %add3A = arith.addi %mul3A_0, %arg1 : i32
    %mul3A_1 = arith.constant 624 : i32
    %mul3A_2 = arith.muli %arg1, %mul3A_1 : i32
    "tpu.region"() ({
      %run_scoped3A = tpu.sem_alloc : memref<!tpu.dma_semaphore, #tpu.memory_space<semaphore_mem>>
      %dma_start3A_204 = arith.constant 0 : i32
      %dma_start3A_205 = tpu.memref_slice %arg16[%mul3A_2, %dma_start3A_204] : memref<10000x144xf32, #tpu.memory_space<vmem_shared>> -> memref<624x144xf32, #tpu.memory_space<vmem_shared>>
      %dma_start3A_206 = arith.constant 0 : i32
      %dma_start3A_207 = tpu.memref_slice %arg6[%mul3A_2, %dma_start3A_206] : memref<10000x144xf32, #tpu.memory_space<hbm>> -> memref<624x144xf32, #tpu.memory_space<hbm>>
      tpu.enqueue_dma source(%dma_start3A_207 : memref<624x144xf32, #tpu.memory_space<hbm>>) target(%dma_start3A_205 : memref<624x144xf32, #tpu.memory_space<vmem_shared>>) target_semaphore(%run_scoped3A : memref<!tpu.dma_semaphore, #tpu.memory_space<semaphore_mem>>)
      %dma_wait3A_208 = arith.constant 0 : i32
      %dma_wait3A_209 = tpu.memref_slice %arg16[%mul3A_2, %dma_wait3A_208] : memref<10000x144xf32, #tpu.memory_space<vmem_shared>> -> memref<624x144xf32, #tpu.memory_space<vmem_shared>>
      %dma_wait3A_210 = arith.constant 0 : i32
      %dma_wait3A_211 = tpu.memref_slice %arg6[%mul3A_2, %dma_wait3A_210] : memref<10000x144xf32, #tpu.memory_space<hbm>> -> memref<624x144xf32, #tpu.memory_space<hbm>>
      tpu.wait_dma2 semaphore(%run_scoped3A : memref<!tpu.dma_semaphore, #tpu.memory_space<semaphore_mem>>) src(%dma_wait3A_211 : memref<624x144xf32, #tpu.memory_space<hbm>>) dst(%dma_wait3A_209 : memref<624x144xf32, #tpu.memory_space<vmem_shared>>)
      tpu.yield
    }) : () -> ()
    %eq3A = arith.constant 15 : i32
    %eq3A_3 = arith.cmpi eq, %arg1, %eq3A : i32
    %convert_element_type3A = arith.extui %eq3A_3 : i1 to i32
    %cond3A = arith.constant 0 : i32
    %cond3A_4 = arith.cmpi ne, %convert_element_type3A, %cond3A : i32
    scf.if %cond3A_4 {
      "tpu.region"() ({
        %run_scoped3A = tpu.sem_alloc : memref<!tpu.dma_semaphore, #tpu.memory_space<semaphore_mem>>
        %dma_start3A_204 = arith.constant 9984 : i32
        %dma_start3A_205 = arith.constant 0 : i32
        %dma_start3A_206 = tpu.memref_slice %arg16[%dma_start3A_204, %dma_start3A_205] : memref<10000x144xf32, #tpu.memory_space<vmem_shared>> -> memref<16x144xf32, #tpu.memory_space<vmem_shared>>
        %dma_start3A_207 = arith.constant 9984 : i32
        %dma_start3A_208 = arith.constant 0 : i32
        %dma_start3A_209 = tpu.memref_slice %arg6[%dma_start3A_207, %dma_start3A_208] : memref<10000x144xf32, #tpu.memory_space<hbm>> -> memref<16x144xf32, #tpu.memory_space<hbm>>
        tpu.enqueue_dma source(%dma_start3A_209 : memref<16x144xf32, #tpu.memory_space<hbm>>) target(%dma_start3A_206 : memref<16x144xf32, #tpu.memory_space<vmem_shared>>) target_semaphore(%run_scoped3A : memref<!tpu.dma_semaphore, #tpu.memory_space<semaphore_mem>>)
        %dma_wait3A_210 = arith.constant 9984 : i32
        %dma_wait3A_211 = arith.constant 0 : i32
        %dma_wait3A_212 = tpu.memref_slice %arg16[%dma_wait3A_210, %dma_wait3A_211] : memref<10000x144xf32, #tpu.memory_space<vmem_shared>> -> memref<16x144xf32, #tpu.memory_space<vmem_shared>>
        %dma_wait3A_213 = arith.constant 9984 : i32
        %dma_wait3A_214 = arith.constant 0 : i32
        %dma_wait3A_215 = tpu.memref_slice %arg6[%dma_wait3A_213, %dma_wait3A_214] : memref<10000x144xf32, #tpu.memory_space<hbm>> -> memref<16x144xf32, #tpu.memory_space<hbm>>
        tpu.wait_dma2 semaphore(%run_scoped3A : memref<!tpu.dma_semaphore, #tpu.memory_space<semaphore_mem>>) src(%dma_wait3A_215 : memref<16x144xf32, #tpu.memory_space<hbm>>) dst(%dma_wait3A_212 : memref<16x144xf32, #tpu.memory_space<vmem_shared>>)
        tpu.yield
      }) : () -> ()
    } else {
    }
    %mul3A_5 = arith.constant 250 : i32
    %mul3A_6 = arith.muli %add3A, %mul3A_5 : i32
    "tpu.region"() ({
      %run_scoped3A = tpu.sem_alloc : memref<!tpu.dma_semaphore, #tpu.memory_space<semaphore_mem>>
      %dma_start3A_204 = arith.constant 0 : i32
      %dma_start3A_205 = tpu.memref_slice %arg4[%mul3A_6, %dma_start3A_204] : memref<8000x40xi32, #tpu.memory_space<hbm>> -> memref<250x40xi32, #tpu.memory_space<hbm>>
      %dma_start3A_206 = arith.constant 0 : i32
      %dma_start3A_207 = tpu.memref_slice %arg4[%mul3A_6, %dma_start3A_206] : memref<8000x40xi32, #tpu.memory_space<hbm>> -> memref<250x40xi32, #tpu.memory_space<hbm>>
      tpu.enqueue_dma source(%dma_start3A_207 : memref<250x40xi32, #tpu.memory_space<hbm>>) target(%arg8 : memref<250x40xi32, #tpu.memory_space<vmem>>) target_semaphore(%run_scoped3A : memref<!tpu.dma_semaphore, #tpu.memory_space<semaphore_mem>>)
      %dma_wait3A_208 = arith.constant 0 : i32
      %dma_wait3A_209 = tpu.memref_slice %arg4[%mul3A_6, %dma_wait3A_208] : memref<8000x40xi32, #tpu.memory_space<hbm>> -> memref<250x40xi32, #tpu.memory_space<hbm>>
      %dma_wait3A_210 = arith.constant 0 : i32
      %dma_wait3A_211 = tpu.memref_slice %arg4[%mul3A_6, %dma_wait3A_210] : memref<8000x40xi32, #tpu.memory_space<hbm>> -> memref<250x40xi32, #tpu.memory_space<hbm>>
      tpu.wait_dma2 semaphore(%run_scoped3A : memref<!tpu.dma_semaphore, #tpu.memory_space<semaphore_mem>>) src(%dma_wait3A_211 : memref<250x40xi32, #tpu.memory_space<hbm>>) dst(%arg8 : memref<250x40xi32, #tpu.memory_space<vmem>>)
      tpu.yield
    }) : () -> ()
    %mul3A_7 = arith.constant 250 : i32
    %mul3A_8 = arith.muli %add3A, %mul3A_7 : i32
    "tpu.region"() ({
      %run_scoped3A = tpu.sem_alloc : memref<!tpu.dma_semaphore, #tpu.memory_space<semaphore_mem>>
      %dma_start3A_204 = arith.constant 0 : i32
      %dma_start3A_205 = tpu.memref_slice %arg5[%mul3A_8, %dma_start3A_204] : memref<8000x40xi32, #tpu.memory_space<hbm>> -> memref<250x40xi32, #tpu.memory_space<hbm>>
      %dma_start3A_206 = arith.constant 0 : i32
      %dma_start3A_207 = tpu.memref_slice %arg5[%mul3A_8, %dma_start3A_206] : memref<8000x40xi32, #tpu.memory_space<hbm>> -> memref<250x40xi32, #tpu.memory_space<hbm>>
      tpu.enqueue_dma source(%dma_start3A_207 : memref<250x40xi32, #tpu.memory_space<hbm>>) target(%arg9 : memref<250x40xi32, #tpu.memory_space<vmem>>) target_semaphore(%run_scoped3A : memref<!tpu.dma_semaphore, #tpu.memory_space<semaphore_mem>>)
      %dma_wait3A_208 = arith.constant 0 : i32
      %dma_wait3A_209 = tpu.memref_slice %arg5[%mul3A_8, %dma_wait3A_208] : memref<8000x40xi32, #tpu.memory_space<hbm>> -> memref<250x40xi32, #tpu.memory_space<hbm>>
      %dma_wait3A_210 = arith.constant 0 : i32
      %dma_wait3A_211 = tpu.memref_slice %arg5[%mul3A_8, %dma_wait3A_210] : memref<8000x40xi32, #tpu.memory_space<hbm>> -> memref<250x40xi32, #tpu.memory_space<hbm>>
      tpu.wait_dma2 semaphore(%run_scoped3A : memref<!tpu.dma_semaphore, #tpu.memory_space<semaphore_mem>>) src(%dma_wait3A_211 : memref<250x40xi32, #tpu.memory_space<hbm>>) dst(%arg9 : memref<250x40xi32, #tpu.memory_space<vmem>>)
      tpu.yield
    }) : () -> ()
    %barrier3A = arith.constant 0 : index
    tpu.barrier barrier_id(%barrier3A)
    %dma_start3A = arith.constant 0 : i32
    %dma_start3A_9 = arith.constant 0 : i32
    %dma_start3A_10 = tpu.memref_slice %arg8[%dma_start3A, %dma_start3A_9] : memref<250x40xi32, #tpu.memory_space<vmem>> -> memref<1x40xi32, #tpu.memory_space<vmem>>
    %dma_start3A_11 = tpu.memref_squeeze %dma_start3A_10 : memref<1x40xi32, #tpu.memory_space<vmem>> -> memref<40xi32, #tpu.memory_space<vmem>>
    %dma_start3A_12 = arith.constant 0 : i32
    %dma_start3A_13 = arith.constant 0 : i32
    %dma_start3A_14 = tpu.memref_slice %arg2[%dma_start3A_12, %dma_start3A_13] : memref<10000x144xf32, #tpu.memory_space<hbm>> -> memref<10000x144xf32, #tpu.memory_space<hbm>>
    tpu.enqueue_indirect_dma source(%dma_start3A_14 : memref<10000x144xf32, #tpu.memory_space<hbm>>) target(%arg10 : memref<40x144xf32, #tpu.memory_space<vmem>>) offsets(%dma_start3A_11 : memref<40xi32, #tpu.memory_space<vmem>>) semaphore(%arg17 : memref<!tpu.dma_semaphore, #tpu.memory_space<semaphore_mem>>)
    %dma_start3A_15 = arith.constant 0 : i32
    %dma_start3A_16 = arith.constant 0 : i32
    %dma_start3A_17 = tpu.memref_slice %arg9[%dma_start3A_15, %dma_start3A_16] : memref<250x40xi32, #tpu.memory_space<vmem>> -> memref<1x40xi32, #tpu.memory_space<vmem>>
    %dma_start3A_18 = tpu.memref_squeeze %dma_start3A_17 : memref<1x40xi32, #tpu.memory_space<vmem>> -> memref<40xi32, #tpu.memory_space<vmem>>
    %dma_start3A_19 = arith.constant 0 : i32
    %dma_start3A_20 = arith.constant 0 : i32
    %dma_start3A_21 = tpu.memref_slice %arg3[%dma_start3A_19, %dma_start3A_20] : memref<10000x16xf32, #tpu.memory_space<hbm>> -> memref<10000x16xf32, #tpu.memory_space<hbm>>
    tpu.enqueue_indirect_dma source(%dma_start3A_21 : memref<10000x16xf32, #tpu.memory_space<hbm>>) target(%arg13 : memref<40x16xf32, #tpu.memory_space<vmem>>) offsets(%dma_start3A_18 : memref<40xi32, #tpu.memory_space<vmem>>) semaphore(%arg17 : memref<!tpu.dma_semaphore, #tpu.memory_space<semaphore_mem>>)
    %dma_start3A_22 = arith.constant 1 : i32
    %dma_start3A_23 = arith.constant 0 : i32
    %dma_start3A_24 = tpu.memref_slice %arg8[%dma_start3A_22, %dma_start3A_23] : memref<250x40xi32, #tpu.memory_space<vmem>> -> memref<1x40xi32, #tpu.memory_space<vmem>>
    %dma_start3A_25 = tpu.memref_squeeze %dma_start3A_24 : memref<1x40xi32, #tpu.memory_space<vmem>> -> memref<40xi32, #tpu.memory_space<vmem>>
    %dma_start3A_26 = arith.constant 0 : i32
    %dma_start3A_27 = arith.constant 0 : i32
    %dma_start3A_28 = tpu.memref_slice %arg2[%dma_start3A_26, %dma_start3A_27] : memref<10000x144xf32, #tpu.memory_space<hbm>> -> memref<10000x144xf32, #tpu.memory_space<hbm>>
    tpu.enqueue_indirect_dma source(%dma_start3A_28 : memref<10000x144xf32, #tpu.memory_space<hbm>>) target(%arg11 : memref<40x144xf32, #tpu.memory_space<vmem>>) offsets(%dma_start3A_25 : memref<40xi32, #tpu.memory_space<vmem>>) semaphore(%arg18 : memref<!tpu.dma_semaphore, #tpu.memory_space<semaphore_mem>>)
    %dma_start3A_29 = arith.constant 1 : i32
    %dma_start3A_30 = arith.constant 0 : i32
    %dma_start3A_31 = tpu.memref_slice %arg9[%dma_start3A_29, %dma_start3A_30] : memref<250x40xi32, #tpu.memory_space<vmem>> -> memref<1x40xi32, #tpu.memory_space<vmem>>
    %dma_start3A_32 = tpu.memref_squeeze %dma_start3A_31 : memref<1x40xi32, #tpu.memory_space<vmem>> -> memref<40xi32, #tpu.memory_space<vmem>>
    %dma_start3A_33 = arith.constant 0 : i32
    %dma_start3A_34 = arith.constant 0 : i32
    %dma_start3A_35 = tpu.memref_slice %arg3[%dma_start3A_33, %dma_start3A_34] : memref<10000x16xf32, #tpu.memory_space<hbm>> -> memref<10000x16xf32, #tpu.memory_space<hbm>>
    tpu.enqueue_indirect_dma source(%dma_start3A_35 : memref<10000x16xf32, #tpu.memory_space<hbm>>) target(%arg14 : memref<40x16xf32, #tpu.memory_space<vmem>>) offsets(%dma_start3A_32 : memref<40xi32, #tpu.memory_space<vmem>>) semaphore(%arg18 : memref<!tpu.dma_semaphore, #tpu.memory_space<semaphore_mem>>)
    %scan3A = arith.constant 0 : i32
    %scan3A_36 = arith.constant 0 : i32
    %scan3A_37 = arith.constant 82 : i32
    %scan3A_38 = arith.addi %scan3A_36, %scan3A_37 : i32
    %scan3A_39 = arith.constant 1 : i32
    scf.for %scan3A_204 = %scan3A_36 to %scan3A_38 step %scan3A_39  : i32 {
      %mul3A_205 = arith.constant 3 : i32
      %mul3A_206 = arith.muli %scan3A_204, %mul3A_205 : i32
      %add3A_207 = arith.constant 0 : i32
      %add3A_208 = arith.addi %mul3A_206, %add3A_207 : i32
      %dma_wait3A_209 = arith.constant 0 : i32
      %dma_wait3A_210 = arith.constant 0 : i32
      %dma_wait3A_211 = tpu.memref_slice %arg8[%dma_wait3A_209, %dma_wait3A_210] : memref<250x40xi32, #tpu.memory_space<vmem>> -> memref<1x40xi32, #tpu.memory_space<vmem>>
      %dma_wait3A_212 = tpu.memref_squeeze %dma_wait3A_211 : memref<1x40xi32, #tpu.memory_space<vmem>> -> memref<40xi32, #tpu.memory_space<vmem>>
      %dma_wait3A_213 = arith.constant 0 : i32
      %dma_wait3A_214 = arith.constant 0 : i32
      %dma_wait3A_215 = tpu.memref_slice %arg2[%dma_wait3A_213, %dma_wait3A_214] : memref<10000x144xf32, #tpu.memory_space<hbm>> -> memref<10000x144xf32, #tpu.memory_space<hbm>>
      tpu.wait_indirect_dma semaphore(%arg17 : memref<!tpu.dma_semaphore, #tpu.memory_space<semaphore_mem>>) src(%dma_wait3A_215 : memref<10000x144xf32, #tpu.memory_space<hbm>>) dst(%arg10 : memref<40x144xf32, #tpu.memory_space<vmem>>)
      %dma_wait3A_216 = arith.constant 0 : i32
      %dma_wait3A_217 = arith.constant 0 : i32
      %dma_wait3A_218 = tpu.memref_slice %arg9[%dma_wait3A_216, %dma_wait3A_217] : memref<250x40xi32, #tpu.memory_space<vmem>> -> memref<1x40xi32, #tpu.memory_space<vmem>>
      %dma_wait3A_219 = tpu.memref_squeeze %dma_wait3A_218 : memref<1x40xi32, #tpu.memory_space<vmem>> -> memref<40xi32, #tpu.memory_space<vmem>>
      %dma_wait3A_220 = arith.constant 0 : i32
      %dma_wait3A_221 = arith.constant 0 : i32
      %dma_wait3A_222 = tpu.memref_slice %arg3[%dma_wait3A_220, %dma_wait3A_221] : memref<10000x16xf32, #tpu.memory_space<hbm>> -> memref<10000x16xf32, #tpu.memory_space<hbm>>
      tpu.wait_indirect_dma semaphore(%arg17 : memref<!tpu.dma_semaphore, #tpu.memory_space<semaphore_mem>>) src(%dma_wait3A_222 : memref<10000x16xf32, #tpu.memory_space<hbm>>) dst(%arg13 : memref<40x16xf32, #tpu.memory_space<vmem>>)
      %ge3A = arith.constant 1 : i32
      %ge3A_223 = arith.cmpi sge, %add3A_208, %ge3A : i32
      %convert_element_type3A_224 = arith.extui %ge3A_223 : i1 to i32
      %cond3A_225 = arith.constant 0 : i32
      %cond3A_226 = arith.cmpi ne, %convert_element_type3A_224, %cond3A_225 : i32
      scf.if %cond3A_226 {
        %dma_wait3A_342 = arith.constant 0 : i32
        %dma_wait3A_343 = arith.constant 0 : i32
        %dma_wait3A_344 = tpu.memref_slice %arg9[%dma_wait3A_342, %dma_wait3A_343] : memref<250x40xi32, #tpu.memory_space<vmem>> -> memref<1x40xi32, #tpu.memory_space<vmem>>
        %dma_wait3A_345 = tpu.memref_squeeze %dma_wait3A_344 : memref<1x40xi32, #tpu.memory_space<vmem>> -> memref<40xi32, #tpu.memory_space<vmem>>
        %dma_wait3A_346 = arith.constant 0 : i32
        %dma_wait3A_347 = arith.constant 0 : i32
        %dma_wait3A_348 = tpu.memref_slice %arg16[%dma_wait3A_346, %dma_wait3A_347] : memref<10000x144xf32, #tpu.memory_space<vmem_shared>> -> memref<10000x144xf32, #tpu.memory_space<vmem_shared>>
        tpu.wait_indirect_dma semaphore(%arg22 : memref<!tpu.dma_semaphore, #tpu.memory_space<semaphore_mem>>) src(%arg12 : memref<40x144xf32, #tpu.memory_space<vmem>>) dst(%dma_wait3A_348 : memref<10000x144xf32, #tpu.memory_space<vmem_shared>>)
      } else {
      }
      %add3A_227 = arith.constant 2 : i32
      %add3A_228 = arith.addi %add3A_208, %add3A_227 : i32
      %dma_start3A_229 = arith.constant 0 : i32
      %dma_start3A_230 = tpu.memref_slice %arg8[%add3A_228, %dma_start3A_229] : memref<250x40xi32, #tpu.memory_space<vmem>> -> memref<1x40xi32, #tpu.memory_space<vmem>>
      %dma_start3A_231 = tpu.memref_squeeze %dma_start3A_230 : memref<1x40xi32, #tpu.memory_space<vmem>> -> memref<40xi32, #tpu.memory_space<vmem>>
      %dma_start3A_232 = arith.constant 0 : i32
      %dma_start3A_233 = arith.constant 0 : i32
      %dma_start3A_234 = tpu.memref_slice %arg2[%dma_start3A_232, %dma_start3A_233] : memref<10000x144xf32, #tpu.memory_space<hbm>> -> memref<10000x144xf32, #tpu.memory_space<hbm>>
      tpu.enqueue_indirect_dma source(%dma_start3A_234 : memref<10000x144xf32, #tpu.memory_space<hbm>>) target(%arg12 : memref<40x144xf32, #tpu.memory_space<vmem>>) offsets(%dma_start3A_231 : memref<40xi32, #tpu.memory_space<vmem>>) semaphore(%arg19 : memref<!tpu.dma_semaphore, #tpu.memory_space<semaphore_mem>>)
      %dma_start3A_235 = arith.constant 0 : i32
      %dma_start3A_236 = tpu.memref_slice %arg9[%add3A_228, %dma_start3A_235] : memref<250x40xi32, #tpu.memory_space<vmem>> -> memref<1x40xi32, #tpu.memory_space<vmem>>
      %dma_start3A_237 = tpu.memref_squeeze %dma_start3A_236 : memref<1x40xi32, #tpu.memory_space<vmem>> -> memref<40xi32, #tpu.memory_space<vmem>>
      %dma_start3A_238 = arith.constant 0 : i32
      %dma_start3A_239 = arith.constant 0 : i32
      %dma_start3A_240 = tpu.memref_slice %arg3[%dma_start3A_238, %dma_start3A_239] : memref<10000x16xf32, #tpu.memory_space<hbm>> -> memref<10000x16xf32, #tpu.memory_space<hbm>>
      tpu.enqueue_indirect_dma source(%dma_start3A_240 : memref<10000x16xf32, #tpu.memory_space<hbm>>) target(%arg15 : memref<40x16xf32, #tpu.memory_space<vmem>>) offsets(%dma_start3A_237 : memref<40xi32, #tpu.memory_space<vmem>>) semaphore(%arg19 : memref<!tpu.dma_semaphore, #tpu.memory_space<semaphore_mem>>)
      %parallel_loop3A_241 = arith.constant 0 : i32
      %parallel_loop3A_242 = arith.constant 40 : i32
      %parallel_loop3A_243 = arith.constant 1 : i32
      scf.for %parallel_loop3A_342 = %parallel_loop3A_241 to %parallel_loop3A_242 step %parallel_loop3A_243  : i32 {
        %parallel_loop3A_343 = arith.index_cast %parallel_loop3A_342 : i32 to index
        %parallel_loop3A_344 = arith.constant 128 : index
        %parallel_loop3A_345 = tpu.vector_load %arg10[%parallel_loop3A_343, %parallel_loop3A_344] {strides = array<i32>} : memref<40x144xf32, #tpu.memory_space<vmem>>, vector<1x16xf32>,
        %parallel_loop3A_346 = vector.shape_cast %parallel_loop3A_345 : vector<1x16xf32> to vector<16xf32>
        %parallel_loop3A_347 = arith.index_cast %parallel_loop3A_342 : i32 to index
        %parallel_loop3A_348 = arith.constant 0 : index
        %parallel_loop3A_349 = tpu.vector_load %arg13[%parallel_loop3A_347, %parallel_loop3A_348] {strides = array<i32>} : memref<40x16xf32, #tpu.memory_space<vmem>>, vector<1x16xf32>,
        %parallel_loop3A_350 = vector.shape_cast %parallel_loop3A_349 : vector<1x16xf32> to vector<16xf32>
        %parallel_loop3A_351 = arith.addf %parallel_loop3A_346, %parallel_loop3A_350 : vector<16xf32>
        %parallel_loop3A_352 = arith.constant 2.000000e-01 : f32
        %parallel_loop3A_353 = vector.broadcast %parallel_loop3A_352 : f32 to vector<16xf32>
        %parallel_loop3A_354 = arith.mulf %parallel_loop3A_351, %parallel_loop3A_353 : vector<16xf32>
        %parallel_loop3A_355 = arith.maximumf %parallel_loop3A_351, %parallel_loop3A_354 : vector<16xf32>
        %parallel_loop3A_356 = math.exp %parallel_loop3A_355 : vector<16xf32>
        %parallel_loop3A_357 = arith.index_cast %parallel_loop3A_342 : i32 to index
        %parallel_loop3A_358 = arith.constant 128 : index
        %parallel_loop3A_359 = tpu.vector_load %arg10[%parallel_loop3A_357, %parallel_loop3A_358] {strides = array<i32>} : memref<40x144xf32, #tpu.memory_space<vmem>>, vector<1x16xf32>,
        %parallel_loop3A_360 = vector.shape_cast %parallel_loop3A_359 : vector<1x16xf32> to vector<16xf32>
        %parallel_loop3A_361 = vector.shape_cast %parallel_loop3A_356 : vector<16xf32> to vector<1x16xf32>
        tpu.vector_store %arg10[%parallel_loop3A_357, %parallel_loop3A_358], %parallel_loop3A_361 {strides = array<i32>} : memref<40x144xf32, #tpu.memory_space<vmem>>, vector<1x16xf32>,
        %parallel_loop3A_362 = vector.extract_strided_slice %parallel_loop3A_356 {offsets = [0], sizes = [1], strides = [1]} : vector<16xf32> to vector<1xf32>
        %parallel_loop3A_363 = vector.extract %parallel_loop3A_362[0] : f32 from vector<1xf32>
        %parallel_loop3A_364 = arith.index_cast %parallel_loop3A_342 : i32 to index
        %parallel_loop3A_365 = arith.constant 0 : index
        %parallel_loop3A_366 = tpu.vector_load %arg10[%parallel_loop3A_364, %parallel_loop3A_365] {strides = array<i32>} : memref<40x144xf32, #tpu.memory_space<vmem>>, vector<1x16xf32>,
        %parallel_loop3A_367 = vector.shape_cast %parallel_loop3A_366 : vector<1x16xf32> to vector<16xf32>
        %parallel_loop3A_368 = vector.broadcast %parallel_loop3A_363 : f32 to vector<16xf32>
        %parallel_loop3A_369 = arith.mulf %parallel_loop3A_367, %parallel_loop3A_368 : vector<16xf32>
        %parallel_loop3A_370 = arith.index_cast %parallel_loop3A_342 : i32 to index
        %parallel_loop3A_371 = arith.constant 0 : index
        %parallel_loop3A_372 = tpu.vector_load %arg10[%parallel_loop3A_370, %parallel_loop3A_371] {strides = array<i32>} : memref<40x144xf32, #tpu.memory_space<vmem>>, vector<1x16xf32>,
        %parallel_loop3A_373 = vector.shape_cast %parallel_loop3A_372 : vector<1x16xf32> to vector<16xf32>
        %parallel_loop3A_374 = vector.shape_cast %parallel_loop3A_369 : vector<16xf32> to vector<1x16xf32>
        tpu.vector_store %arg10[%parallel_loop3A_370, %parallel_loop3A_371], %parallel_loop3A_374 {strides = array<i32>} : memref<40x144xf32, #tpu.memory_space<vmem>>, vector<1x16xf32>,
        %parallel_loop3A_375 = vector.extract_strided_slice %parallel_loop3A_356 {offsets = [1], sizes = [1], strides = [1]} : vector<16xf32> to vector<1xf32>
        %parallel_loop3A_376 = vector.extract %parallel_loop3A_375[0] : f32 from vector<1xf32>
        %parallel_loop3A_377 = arith.index_cast %parallel_loop3A_342 : i32 to index
        %parallel_loop3A_378 = arith.constant 16 : index
        %parallel_loop3A_379 = tpu.vector_load %arg10[%parallel_loop3A_377, %parallel_loop3A_378] {strides = array<i32>} : memref<40x144xf32, #tpu.memory_space<vmem>>, vector<1x16xf32>,
        %parallel_loop3A_380 = vector.shape_cast %parallel_loop3A_379 : vector<1x16xf32> to vector<16xf32>
        %parallel_loop3A_381 = vector.broadcast %parallel_loop3A_376 : f32 to vector<16xf32>
        %parallel_loop3A_382 = arith.mulf %parallel_loop3A_380, %parallel_loop3A_381 : vector<16xf32>
        %parallel_loop3A_383 = arith.index_cast %parallel_loop3A_342 : i32 to index
        %parallel_loop3A_384 = arith.constant 16 : index
        %parallel_loop3A_385 = tpu.vector_load %arg10[%parallel_loop3A_383, %parallel_loop3A_384] {strides = array<i32>} : memref<40x144xf32, #tpu.memory_space<vmem>>, vector<1x16xf32>,
        %parallel_loop3A_386 = vector.shape_cast %parallel_loop3A_385 : vector<1x16xf32> to vector<16xf32>
        %parallel_loop3A_387 = vector.shape_cast %parallel_loop3A_382 : vector<16xf32> to vector<1x16xf32>
        tpu.vector_store %arg10[%parallel_loop3A_383, %parallel_loop3A_384], %parallel_loop3A_387 {strides = array<i32>} : memref<40x144xf32, #tpu.memory_space<vmem>>, vector<1x16xf32>,
        %parallel_loop3A_388 = vector.extract_strided_slice %parallel_loop3A_356 {offsets = [2], sizes = [1], strides = [1]} : vector<16xf32> to vector<1xf32>
        %parallel_loop3A_389 = vector.extract %parallel_loop3A_388[0] : f32 from vector<1xf32>
        %parallel_loop3A_390 = arith.index_cast %parallel_loop3A_342 : i32 to index
        %parallel_loop3A_391 = arith.constant 32 : index
        %parallel_loop3A_392 = tpu.vector_load %arg10[%parallel_loop3A_390, %parallel_loop3A_391] {strides = array<i32>} : memref<40x144xf32, #tpu.memory_space<vmem>>, vector<1x16xf32>,
        %parallel_loop3A_393 = vector.shape_cast %parallel_loop3A_392 : vector<1x16xf32> to vector<16xf32>
        %parallel_loop3A_394 = vector.broadcast %parallel_loop3A_389 : f32 to vector<16xf32>
        %parallel_loop3A_395 = arith.mulf %parallel_loop3A_393, %parallel_loop3A_394 : vector<16xf32>
        %parallel_loop3A_396 = arith.index_cast %parallel_loop3A_342 : i32 to index
        %parallel_loop3A_397 = arith.constant 32 : index
        %parallel_loop3A_398 = tpu.vector_load %arg10[%parallel_loop3A_396, %parallel_loop3A_397] {strides = array<i32>} : memref<40x144xf32, #tpu.memory_space<vmem>>, vector<1x16xf32>,
        %parallel_loop3A_399 = vector.shape_cast %parallel_loop3A_398 : vector<1x16xf32> to vector<16xf32>
        %parallel_loop3A_400 = vector.shape_cast %parallel_loop3A_395 : vector<16xf32> to vector<1x16xf32>
        tpu.vector_store %arg10[%parallel_loop3A_396, %parallel_loop3A_397], %parallel_loop3A_400 {strides = array<i32>} : memref<40x144xf32, #tpu.memory_space<vmem>>, vector<1x16xf32>,
        %parallel_loop3A_401 = vector.extract_strided_slice %parallel_loop3A_356 {offsets = [3], sizes = [1], strides = [1]} : vector<16xf32> to vector<1xf32>
        %parallel_loop3A_402 = vector.extract %parallel_loop3A_401[0] : f32 from vector<1xf32>
        %parallel_loop3A_403 = arith.index_cast %parallel_loop3A_342 : i32 to index
        %parallel_loop3A_404 = arith.constant 48 : index
        %parallel_loop3A_405 = tpu.vector_load %arg10[%parallel_loop3A_403, %parallel_loop3A_404] {strides = array<i32>} : memref<40x144xf32, #tpu.memory_space<vmem>>, vector<1x16xf32>,
        %parallel_loop3A_406 = vector.shape_cast %parallel_loop3A_405 : vector<1x16xf32> to vector<16xf32>
        %parallel_loop3A_407 = vector.broadcast %parallel_loop3A_402 : f32 to vector<16xf32>
        %parallel_loop3A_408 = arith.mulf %parallel_loop3A_406, %parallel_loop3A_407 : vector<16xf32>
        %parallel_loop3A_409 = arith.index_cast %parallel_loop3A_342 : i32 to index
        %parallel_loop3A_410 = arith.constant 48 : index
        %parallel_loop3A_411 = tpu.vector_load %arg10[%parallel_loop3A_409, %parallel_loop3A_410] {strides = array<i32>} : memref<40x144xf32, #tpu.memory_space<vmem>>, vector<1x16xf32>,
        %parallel_loop3A_412 = vector.shape_cast %parallel_loop3A_411 : vector<1x16xf32> to vector<16xf32>
        %parallel_loop3A_413 = vector.shape_cast %parallel_loop3A_408 : vector<16xf32> to vector<1x16xf32>
        tpu.vector_store %arg10[%parallel_loop3A_409, %parallel_loop3A_410], %parallel_loop3A_413 {strides = array<i32>} : memref<40x144xf32, #tpu.memory_space<vmem>>, vector<1x16xf32>,
        %parallel_loop3A_414 = vector.extract_strided_slice %parallel_loop3A_356 {offsets = [4], sizes = [1], strides = [1]} : vector<16xf32> to vector<1xf32>
        %parallel_loop3A_415 = vector.extract %parallel_loop3A_414[0] : f32 from vector<1xf32>
        %parallel_loop3A_416 = arith.index_cast %parallel_loop3A_342 : i32 to index
        %parallel_loop3A_417 = arith.constant 64 : index
        %parallel_loop3A_418 = tpu.vector_load %arg10[%parallel_loop3A_416, %parallel_loop3A_417] {strides = array<i32>} : memref<40x144xf32, #tpu.memory_space<vmem>>, vector<1x16xf32>,
        %parallel_loop3A_419 = vector.shape_cast %parallel_loop3A_418 : vector<1x16xf32> to vector<16xf32>
        %parallel_loop3A_420 = vector.broadcast %parallel_loop3A_415 : f32 to vector<16xf32>
        %parallel_loop3A_421 = arith.mulf %parallel_loop3A_419, %parallel_loop3A_420 : vector<16xf32>
        %parallel_loop3A_422 = arith.index_cast %parallel_loop3A_342 : i32 to index
        %parallel_loop3A_423 = arith.constant 64 : index
        %parallel_loop3A_424 = tpu.vector_load %arg10[%parallel_loop3A_422, %parallel_loop3A_423] {strides = array<i32>} : memref<40x144xf32, #tpu.memory_space<vmem>>, vector<1x16xf32>,
        %parallel_loop3A_425 = vector.shape_cast %parallel_loop3A_424 : vector<1x16xf32> to vector<16xf32>
        %parallel_loop3A_426 = vector.shape_cast %parallel_loop3A_421 : vector<16xf32> to vector<1x16xf32>
        tpu.vector_store %arg10[%parallel_loop3A_422, %parallel_loop3A_423], %parallel_loop3A_426 {strides = array<i32>} : memref<40x144xf32, #tpu.memory_space<vmem>>, vector<1x16xf32>,
        %parallel_loop3A_427 = vector.extract_strided_slice %parallel_loop3A_356 {offsets = [5], sizes = [1], strides = [1]} : vector<16xf32> to vector<1xf32>
        %parallel_loop3A_428 = vector.extract %parallel_loop3A_427[0] : f32 from vector<1xf32>
        %parallel_loop3A_429 = arith.index_cast %parallel_loop3A_342 : i32 to index
        %parallel_loop3A_430 = arith.constant 80 : index
        %parallel_loop3A_431 = tpu.vector_load %arg10[%parallel_loop3A_429, %parallel_loop3A_430] {strides = array<i32>} : memref<40x144xf32, #tpu.memory_space<vmem>>, vector<1x16xf32>,
        %parallel_loop3A_432 = vector.shape_cast %parallel_loop3A_431 : vector<1x16xf32> to vector<16xf32>
        %parallel_loop3A_433 = vector.broadcast %parallel_loop3A_428 : f32 to vector<16xf32>
        %parallel_loop3A_434 = arith.mulf %parallel_loop3A_432, %parallel_loop3A_433 : vector<16xf32>
        %parallel_loop3A_435 = arith.index_cast %parallel_loop3A_342 : i32 to index
        %parallel_loop3A_436 = arith.constant 80 : index
        %parallel_loop3A_437 = tpu.vector_load %arg10[%parallel_loop3A_435, %parallel_loop3A_436] {strides = array<i32>} : memref<40x144xf32, #tpu.memory_space<vmem>>, vector<1x16xf32>,
        %parallel_loop3A_438 = vector.shape_cast %parallel_loop3A_437 : vector<1x16xf32> to vector<16xf32>
        %parallel_loop3A_439 = vector.shape_cast %parallel_loop3A_434 : vector<16xf32> to vector<1x16xf32>
        tpu.vector_store %arg10[%parallel_loop3A_435, %parallel_loop3A_436], %parallel_loop3A_439 {strides = array<i32>} : memref<40x144xf32, #tpu.memory_space<vmem>>, vector<1x16xf32>,
        %parallel_loop3A_440 = vector.extract_strided_slice %parallel_loop3A_356 {offsets = [6], sizes = [1], strides = [1]} : vector<16xf32> to vector<1xf32>
        %parallel_loop3A_441 = vector.extract %parallel_loop3A_440[0] : f32 from vector<1xf32>
        %parallel_loop3A_442 = arith.index_cast %parallel_loop3A_342 : i32 to index
        %parallel_loop3A_443 = arith.constant 96 : index
        %parallel_loop3A_444 = tpu.vector_load %arg10[%parallel_loop3A_442, %parallel_loop3A_443] {strides = array<i32>} : memref<40x144xf32, #tpu.memory_space<vmem>>, vector<1x16xf32>,
        %parallel_loop3A_445 = vector.shape_cast %parallel_loop3A_444 : vector<1x16xf32> to vector<16xf32>
        %parallel_loop3A_446 = vector.broadcast %parallel_loop3A_441 : f32 to vector<16xf32>
        %parallel_loop3A_447 = arith.mulf %parallel_loop3A_445, %parallel_loop3A_446 : vector<16xf32>
        %parallel_loop3A_448 = arith.index_cast %parallel_loop3A_342 : i32 to index
        %parallel_loop3A_449 = arith.constant 96 : index
        %parallel_loop3A_450 = tpu.vector_load %arg10[%parallel_loop3A_448, %parallel_loop3A_449] {strides = array<i32>} : memref<40x144xf32, #tpu.memory_space<vmem>>, vector<1x16xf32>,
        %parallel_loop3A_451 = vector.shape_cast %parallel_loop3A_450 : vector<1x16xf32> to vector<16xf32>
        %parallel_loop3A_452 = vector.shape_cast %parallel_loop3A_447 : vector<16xf32> to vector<1x16xf32>
        tpu.vector_store %arg10[%parallel_loop3A_448, %parallel_loop3A_449], %parallel_loop3A_452 {strides = array<i32>} : memref<40x144xf32, #tpu.memory_space<vmem>>, vector<1x16xf32>,
        %parallel_loop3A_453 = vector.extract_strided_slice %parallel_loop3A_356 {offsets = [7], sizes = [1], strides = [1]} : vector<16xf32> to vector<1xf32>
        %parallel_loop3A_454 = vector.extract %parallel_loop3A_453[0] : f32 from vector<1xf32>
        %parallel_loop3A_455 = arith.index_cast %parallel_loop3A_342 : i32 to index
        %parallel_loop3A_456 = arith.constant 112 : index
        %parallel_loop3A_457 = tpu.vector_load %arg10[%parallel_loop3A_455, %parallel_loop3A_456] {strides = array<i32>} : memref<40x144xf32, #tpu.memory_space<vmem>>, vector<1x16xf32>,
        %parallel_loop3A_458 = vector.shape_cast %parallel_loop3A_457 : vector<1x16xf32> to vector<16xf32>
        %parallel_loop3A_459 = vector.broadcast %parallel_loop3A_454 : f32 to vector<16xf32>
        %parallel_loop3A_460 = arith.mulf %parallel_loop3A_458, %parallel_loop3A_459 : vector<16xf32>
        %parallel_loop3A_461 = arith.index_cast %parallel_loop3A_342 : i32 to index
        %parallel_loop3A_462 = arith.constant 112 : index
        %parallel_loop3A_463 = tpu.vector_load %arg10[%parallel_loop3A_461, %parallel_loop3A_462] {strides = array<i32>} : memref<40x144xf32, #tpu.memory_space<vmem>>, vector<1x16xf32>,
        %parallel_loop3A_464 = vector.shape_cast %parallel_loop3A_463 : vector<1x16xf32> to vector<16xf32>
        %parallel_loop3A_465 = vector.shape_cast %parallel_loop3A_460 : vector<16xf32> to vector<1x16xf32>
        tpu.vector_store %arg10[%parallel_loop3A_461, %parallel_loop3A_462], %parallel_loop3A_465 {strides = array<i32>} : memref<40x144xf32, #tpu.memory_space<vmem>>, vector<1x16xf32>,
      } {sc.loop_unroll_factor = 2 : i64, sc.parallel_access}
      %dma_start3A_244 = arith.constant 0 : i32
      %dma_start3A_245 = tpu.memref_slice %arg9[%add3A_208, %dma_start3A_244] : memref<250x40xi32, #tpu.memory_space<vmem>> -> memref<1x40xi32, #tpu.memory_space<vmem>>
      %dma_start3A_246 = tpu.memref_squeeze %dma_start3A_245 : memref<1x40xi32, #tpu.memory_space<vmem>> -> memref<40xi32, #tpu.memory_space<vmem>>
      %dma_start3A_247 = arith.constant 0 : i32
      %dma_start3A_248 = arith.constant 0 : i32
      %dma_start3A_249 = tpu.memref_slice %arg16[%dma_start3A_247, %dma_start3A_248] : memref<10000x144xf32, #tpu.memory_space<vmem_shared>> -> memref<10000x144xf32, #tpu.memory_space<vmem_shared>>
      tpu.enqueue_indirect_dma source(%arg10 : memref<40x144xf32, #tpu.memory_space<vmem>>) target(%dma_start3A_249 : memref<10000x144xf32, #tpu.memory_space<vmem_shared>>) offsets(%dma_start3A_246 : memref<40xi32, #tpu.memory_space<vmem>>) semaphore(%arg20 : memref<!tpu.dma_semaphore, #tpu.memory_space<semaphore_mem>>) {add = true}
      %mul3A_250 = arith.constant 3 : i32
      %mul3A_251 = arith.muli %scan3A_204, %mul3A_250 : i32
      %add3A_252 = arith.constant 1 : i32
      %add3A_253 = arith.addi %mul3A_251, %add3A_252 : i32
      %dma_wait3A_254 = arith.constant 0 : i32
      %dma_wait3A_255 = arith.constant 0 : i32
      %dma_wait3A_256 = tpu.memref_slice %arg8[%dma_wait3A_254, %dma_wait3A_255] : memref<250x40xi32, #tpu.memory_space<vmem>> -> memref<1x40xi32, #tpu.memory_space<vmem>>
      %dma_wait3A_257 = tpu.memref_squeeze %dma_wait3A_256 : memref<1x40xi32, #tpu.memory_space<vmem>> -> memref<40xi32, #tpu.memory_space<vmem>>
      %dma_wait3A_258 = arith.constant 0 : i32
      %dma_wait3A_259 = arith.constant 0 : i32
      %dma_wait3A_260 = tpu.memref_slice %arg2[%dma_wait3A_258, %dma_wait3A_259] : memref<10000x144xf32, #tpu.memory_space<hbm>> -> memref<10000x144xf32, #tpu.memory_space<hbm>>
      tpu.wait_indirect_dma semaphore(%arg18 : memref<!tpu.dma_semaphore, #tpu.memory_space<semaphore_mem>>) src(%dma_wait3A_260 : memref<10000x144xf32, #tpu.memory_space<hbm>>) dst(%arg11 : memref<40x144xf32, #tpu.memory_space<vmem>>)
      %dma_wait3A_261 = arith.constant 0 : i32
      %dma_wait3A_262 = arith.constant 0 : i32
      %dma_wait3A_263 = tpu.memref_slice %arg9[%dma_wait3A_261, %dma_wait3A_262] : memref<250x40xi32, #tpu.memory_space<vmem>> -> memref<1x40xi32, #tpu.memory_space<vmem>>
      %dma_wait3A_264 = tpu.memref_squeeze %dma_wait3A_263 : memref<1x40xi32, #tpu.memory_space<vmem>> -> memref<40xi32, #tpu.memory_space<vmem>>
      %dma_wait3A_265 = arith.constant 0 : i32
      %dma_wait3A_266 = arith.constant 0 : i32
      %dma_wait3A_267 = tpu.memref_slice %arg3[%dma_wait3A_265, %dma_wait3A_266] : memref<10000x16xf32, #tpu.memory_space<hbm>> -> memref<10000x16xf32, #tpu.memory_space<hbm>>
      tpu.wait_indirect_dma semaphore(%arg18 : memref<!tpu.dma_semaphore, #tpu.memory_space<semaphore_mem>>) src(%dma_wait3A_267 : memref<10000x16xf32, #tpu.memory_space<hbm>>) dst(%arg14 : memref<40x16xf32, #tpu.memory_space<vmem>>)
      %ge3A_268 = arith.constant 1 : i32
      %ge3A_269 = arith.cmpi sge, %add3A_253, %ge3A_268 : i32
      %convert_element_type3A_270 = arith.extui %ge3A_269 : i1 to i32
      %cond3A_271 = arith.constant 0 : i32
      %cond3A_272 = arith.cmpi ne, %convert_element_type3A_270, %cond3A_271 : i32
      scf.if %cond3A_272 {
        %dma_wait3A_342 = arith.constant 0 : i32
        %dma_wait3A_343 = arith.constant 0 : i32
        %dma_wait3A_344 = tpu.memref_slice %arg9[%dma_wait3A_342, %dma_wait3A_343] : memref<250x40xi32, #tpu.memory_space<vmem>> -> memref<1x40xi32, #tpu.memory_space<vmem>>
        %dma_wait3A_345 = tpu.memref_squeeze %dma_wait3A_344 : memref<1x40xi32, #tpu.memory_space<vmem>> -> memref<40xi32, #tpu.memory_space<vmem>>
        %dma_wait3A_346 = arith.constant 0 : i32
        %dma_wait3A_347 = arith.constant 0 : i32
        %dma_wait3A_348 = tpu.memref_slice %arg16[%dma_wait3A_346, %dma_wait3A_347] : memref<10000x144xf32, #tpu.memory_space<vmem_shared>> -> memref<10000x144xf32, #tpu.memory_space<vmem_shared>>
        tpu.wait_indirect_dma semaphore(%arg20 : memref<!tpu.dma_semaphore, #tpu.memory_space<semaphore_mem>>) src(%arg10 : memref<40x144xf32, #tpu.memory_space<vmem>>) dst(%dma_wait3A_348 : memref<10000x144xf32, #tpu.memory_space<vmem_shared>>)
      } else {
      }
      %add3A_273 = arith.constant 2 : i32
      %add3A_274 = arith.addi %add3A_253, %add3A_273 : i32
      %dma_start3A_275 = arith.constant 0 : i32
      %dma_start3A_276 = tpu.memref_slice %arg8[%add3A_274, %dma_start3A_275] : memref<250x40xi32, #tpu.memory_space<vmem>> -> memref<1x40xi32, #tpu.memory_space<vmem>>
      %dma_start3A_277 = tpu.memref_squeeze %dma_start3A_276 : memref<1x40xi32, #tpu.memory_space<vmem>> -> memref<40xi32, #tpu.memory_space<vmem>>
      %dma_start3A_278 = arith.constant 0 : i32
      %dma_start3A_279 = arith.constant 0 : i32
      %dma_start3A_280 = tpu.memref_slice %arg2[%dma_start3A_278, %dma_start3A_279] : memref<10000x144xf32, #tpu.memory_space<hbm>> -> memref<10000x144xf32, #tpu.memory_space<hbm>>
      tpu.enqueue_indirect_dma source(%dma_start3A_280 : memref<10000x144xf32, #tpu.memory_space<hbm>>) target(%arg10 : memref<40x144xf32, #tpu.memory_space<vmem>>) offsets(%dma_start3A_277 : memref<40xi32, #tpu.memory_space<vmem>>) semaphore(%arg17 : memref<!tpu.dma_semaphore, #tpu.memory_space<semaphore_mem>>)
      %dma_start3A_281 = arith.constant 0 : i32
      %dma_start3A_282 = tpu.memref_slice %arg9[%add3A_274, %dma_start3A_281] : memref<250x40xi32, #tpu.memory_space<vmem>> -> memref<1x40xi32, #tpu.memory_space<vmem>>
      %dma_start3A_283 = tpu.memref_squeeze %dma_start3A_282 : memref<1x40xi32, #tpu.memory_space<vmem>> -> memref<40xi32, #tpu.memory_space<vmem>>
      %dma_start3A_284 = arith.constant 0 : i32
      %dma_start3A_285 = arith.constant 0 : i32
      %dma_start3A_286 = tpu.memref_slice %arg3[%dma_start3A_284, %dma_start3A_285] : memref<10000x16xf32, #tpu.memory_space<hbm>> -> memref<10000x16xf32, #tpu.memory_space<hbm>>
      tpu.enqueue_indirect_dma source(%dma_start3A_286 : memref<10000x16xf32, #tpu.memory_space<hbm>>) target(%arg13 : memref<40x16xf32, #tpu.memory_space<vmem>>) offsets(%dma_start3A_283 : memref<40xi32, #tpu.memory_space<vmem>>) semaphore(%arg17 : memref<!tpu.dma_semaphore, #tpu.memory_space<semaphore_mem>>)
      %parallel_loop3A_287 = arith.constant 0 : i32
      %parallel_loop3A_288 = arith.constant 40 : i32
      %parallel_loop3A_289 = arith.constant 1 : i32
      scf.for %parallel_loop3A_342 = %parallel_loop3A_287 to %parallel_loop3A_288 step %parallel_loop3A_289  : i32 {
        %parallel_loop3A_343 = arith.index_cast %parallel_loop3A_342 : i32 to index
        %parallel_loop3A_344 = arith.constant 128 : index
        %parallel_loop3A_345 = tpu.vector_load %arg11[%parallel_loop3A_343, %parallel_loop3A_344] {strides = array<i32>} : memref<40x144xf32, #tpu.memory_space<vmem>>, vector<1x16xf32>,
        %parallel_loop3A_346 = vector.shape_cast %parallel_loop3A_345 : vector<1x16xf32> to vector<16xf32>
        %parallel_loop3A_347 = arith.index_cast %parallel_loop3A_342 : i32 to index
        %parallel_loop3A_348 = arith.constant 0 : index
        %parallel_loop3A_349 = tpu.vector_load %arg14[%parallel_loop3A_347, %parallel_loop3A_348] {strides = array<i32>} : memref<40x16xf32, #tpu.memory_space<vmem>>, vector<1x16xf32>,
        %parallel_loop3A_350 = vector.shape_cast %parallel_loop3A_349 : vector<1x16xf32> to vector<16xf32>
        %parallel_loop3A_351 = arith.addf %parallel_loop3A_346, %parallel_loop3A_350 : vector<16xf32>
        %parallel_loop3A_352 = arith.constant 2.000000e-01 : f32
        %parallel_loop3A_353 = vector.broadcast %parallel_loop3A_352 : f32 to vector<16xf32>
        %parallel_loop3A_354 = arith.mulf %parallel_loop3A_351, %parallel_loop3A_353 : vector<16xf32>
        %parallel_loop3A_355 = arith.maximumf %parallel_loop3A_351, %parallel_loop3A_354 : vector<16xf32>
        %parallel_loop3A_356 = math.exp %parallel_loop3A_355 : vector<16xf32>
        %parallel_loop3A_357 = arith.index_cast %parallel_loop3A_342 : i32 to index
        %parallel_loop3A_358 = arith.constant 128 : index
        %parallel_loop3A_359 = tpu.vector_load %arg11[%parallel_loop3A_357, %parallel_loop3A_358] {strides = array<i32>} : memref<40x144xf32, #tpu.memory_space<vmem>>, vector<1x16xf32>,
        %parallel_loop3A_360 = vector.shape_cast %parallel_loop3A_359 : vector<1x16xf32> to vector<16xf32>
        %parallel_loop3A_361 = vector.shape_cast %parallel_loop3A_356 : vector<16xf32> to vector<1x16xf32>
        tpu.vector_store %arg11[%parallel_loop3A_357, %parallel_loop3A_358], %parallel_loop3A_361 {strides = array<i32>} : memref<40x144xf32, #tpu.memory_space<vmem>>, vector<1x16xf32>,
        %parallel_loop3A_362 = vector.extract_strided_slice %parallel_loop3A_356 {offsets = [0], sizes = [1], strides = [1]} : vector<16xf32> to vector<1xf32>
        %parallel_loop3A_363 = vector.extract %parallel_loop3A_362[0] : f32 from vector<1xf32>
        %parallel_loop3A_364 = arith.index_cast %parallel_loop3A_342 : i32 to index
        %parallel_loop3A_365 = arith.constant 0 : index
        %parallel_loop3A_366 = tpu.vector_load %arg11[%parallel_loop3A_364, %parallel_loop3A_365] {strides = array<i32>} : memref<40x144xf32, #tpu.memory_space<vmem>>, vector<1x16xf32>,
        %parallel_loop3A_367 = vector.shape_cast %parallel_loop3A_366 : vector<1x16xf32> to vector<16xf32>
        %parallel_loop3A_368 = vector.broadcast %parallel_loop3A_363 : f32 to vector<16xf32>
        %parallel_loop3A_369 = arith.mulf %parallel_loop3A_367, %parallel_loop3A_368 : vector<16xf32>
        %parallel_loop3A_370 = arith.index_cast %parallel_loop3A_342 : i32 to index
        %parallel_loop3A_371 = arith.constant 0 : index
        %parallel_loop3A_372 = tpu.vector_load %arg11[%parallel_loop3A_370, %parallel_loop3A_371] {strides = array<i32>} : memref<40x144xf32, #tpu.memory_space<vmem>>, vector<1x16xf32>,
        %parallel_loop3A_373 = vector.shape_cast %parallel_loop3A_372 : vector<1x16xf32> to vector<16xf32>
        %parallel_loop3A_374 = vector.shape_cast %parallel_loop3A_369 : vector<16xf32> to vector<1x16xf32>
        tpu.vector_store %arg11[%parallel_loop3A_370, %parallel_loop3A_371], %parallel_loop3A_374 {strides = array<i32>} : memref<40x144xf32, #tpu.memory_space<vmem>>, vector<1x16xf32>,
        %parallel_loop3A_375 = vector.extract_strided_slice %parallel_loop3A_356 {offsets = [1], sizes = [1], strides = [1]} : vector<16xf32> to vector<1xf32>
        %parallel_loop3A_376 = vector.extract %parallel_loop3A_375[0] : f32 from vector<1xf32>
        %parallel_loop3A_377 = arith.index_cast %parallel_loop3A_342 : i32 to index
        %parallel_loop3A_378 = arith.constant 16 : index
        %parallel_loop3A_379 = tpu.vector_load %arg11[%parallel_loop3A_377, %parallel_loop3A_378] {strides = array<i32>} : memref<40x144xf32, #tpu.memory_space<vmem>>, vector<1x16xf32>,
        %parallel_loop3A_380 = vector.shape_cast %parallel_loop3A_379 : vector<1x16xf32> to vector<16xf32>
        %parallel_loop3A_381 = vector.broadcast %parallel_loop3A_376 : f32 to vector<16xf32>
        %parallel_loop3A_382 = arith.mulf %parallel_loop3A_380, %parallel_loop3A_381 : vector<16xf32>
        %parallel_loop3A_383 = arith.index_cast %parallel_loop3A_342 : i32 to index
        %parallel_loop3A_384 = arith.constant 16 : index
        %parallel_loop3A_385 = tpu.vector_load %arg11[%parallel_loop3A_383, %parallel_loop3A_384] {strides = array<i32>} : memref<40x144xf32, #tpu.memory_space<vmem>>, vector<1x16xf32>,
        %parallel_loop3A_386 = vector.shape_cast %parallel_loop3A_385 : vector<1x16xf32> to vector<16xf32>
        %parallel_loop3A_387 = vector.shape_cast %parallel_loop3A_382 : vector<16xf32> to vector<1x16xf32>
        tpu.vector_store %arg11[%parallel_loop3A_383, %parallel_loop3A_384], %parallel_loop3A_387 {strides = array<i32>} : memref<40x144xf32, #tpu.memory_space<vmem>>, vector<1x16xf32>,
        %parallel_loop3A_388 = vector.extract_strided_slice %parallel_loop3A_356 {offsets = [2], sizes = [1], strides = [1]} : vector<16xf32> to vector<1xf32>
        %parallel_loop3A_389 = vector.extract %parallel_loop3A_388[0] : f32 from vector<1xf32>
        %parallel_loop3A_390 = arith.index_cast %parallel_loop3A_342 : i32 to index
        %parallel_loop3A_391 = arith.constant 32 : index
        %parallel_loop3A_392 = tpu.vector_load %arg11[%parallel_loop3A_390, %parallel_loop3A_391] {strides = array<i32>} : memref<40x144xf32, #tpu.memory_space<vmem>>, vector<1x16xf32>,
        %parallel_loop3A_393 = vector.shape_cast %parallel_loop3A_392 : vector<1x16xf32> to vector<16xf32>
        %parallel_loop3A_394 = vector.broadcast %parallel_loop3A_389 : f32 to vector<16xf32>
        %parallel_loop3A_395 = arith.mulf %parallel_loop3A_393, %parallel_loop3A_394 : vector<16xf32>
        %parallel_loop3A_396 = arith.index_cast %parallel_loop3A_342 : i32 to index
        %parallel_loop3A_397 = arith.constant 32 : index
        %parallel_loop3A_398 = tpu.vector_load %arg11[%parallel_loop3A_396, %parallel_loop3A_397] {strides = array<i32>} : memref<40x144xf32, #tpu.memory_space<vmem>>, vector<1x16xf32>,
        %parallel_loop3A_399 = vector.shape_cast %parallel_loop3A_398 : vector<1x16xf32> to vector<16xf32>
        %parallel_loop3A_400 = vector.shape_cast %parallel_loop3A_395 : vector<16xf32> to vector<1x16xf32>
        tpu.vector_store %arg11[%parallel_loop3A_396, %parallel_loop3A_397], %parallel_loop3A_400 {strides = array<i32>} : memref<40x144xf32, #tpu.memory_space<vmem>>, vector<1x16xf32>,
        %parallel_loop3A_401 = vector.extract_strided_slice %parallel_loop3A_356 {offsets = [3], sizes = [1], strides = [1]} : vector<16xf32> to vector<1xf32>
        %parallel_loop3A_402 = vector.extract %parallel_loop3A_401[0] : f32 from vector<1xf32>
        %parallel_loop3A_403 = arith.index_cast %parallel_loop3A_342 : i32 to index
        %parallel_loop3A_404 = arith.constant 48 : index
        %parallel_loop3A_405 = tpu.vector_load %arg11[%parallel_loop3A_403, %parallel_loop3A_404] {strides = array<i32>} : memref<40x144xf32, #tpu.memory_space<vmem>>, vector<1x16xf32>,
        %parallel_loop3A_406 = vector.shape_cast %parallel_loop3A_405 : vector<1x16xf32> to vector<16xf32>
        %parallel_loop3A_407 = vector.broadcast %parallel_loop3A_402 : f32 to vector<16xf32>
        %parallel_loop3A_408 = arith.mulf %parallel_loop3A_406, %parallel_loop3A_407 : vector<16xf32>
        %parallel_loop3A_409 = arith.index_cast %parallel_loop3A_342 : i32 to index
        %parallel_loop3A_410 = arith.constant 48 : index
        %parallel_loop3A_411 = tpu.vector_load %arg11[%parallel_loop3A_409, %parallel_loop3A_410] {strides = array<i32>} : memref<40x144xf32, #tpu.memory_space<vmem>>, vector<1x16xf32>,
        %parallel_loop3A_412 = vector.shape_cast %parallel_loop3A_411 : vector<1x16xf32> to vector<16xf32>
        %parallel_loop3A_413 = vector.shape_cast %parallel_loop3A_408 : vector<16xf32> to vector<1x16xf32>
        tpu.vector_store %arg11[%parallel_loop3A_409, %parallel_loop3A_410], %parallel_loop3A_413 {strides = array<i32>} : memref<40x144xf32, #tpu.memory_space<vmem>>, vector<1x16xf32>,
        %parallel_loop3A_414 = vector.extract_strided_slice %parallel_loop3A_356 {offsets = [4], sizes = [1], strides = [1]} : vector<16xf32> to vector<1xf32>
        %parallel_loop3A_415 = vector.extract %parallel_loop3A_414[0] : f32 from vector<1xf32>
        %parallel_loop3A_416 = arith.index_cast %parallel_loop3A_342 : i32 to index
        %parallel_loop3A_417 = arith.constant 64 : index
        %parallel_loop3A_418 = tpu.vector_load %arg11[%parallel_loop3A_416, %parallel_loop3A_417] {strides = array<i32>} : memref<40x144xf32, #tpu.memory_space<vmem>>, vector<1x16xf32>,
        %parallel_loop3A_419 = vector.shape_cast %parallel_loop3A_418 : vector<1x16xf32> to vector<16xf32>
        %parallel_loop3A_420 = vector.broadcast %parallel_loop3A_415 : f32 to vector<16xf32>
        %parallel_loop3A_421 = arith.mulf %parallel_loop3A_419, %parallel_loop3A_420 : vector<16xf32>
        %parallel_loop3A_422 = arith.index_cast %parallel_loop3A_342 : i32 to index
        %parallel_loop3A_423 = arith.constant 64 : index
        %parallel_loop3A_424 = tpu.vector_load %arg11[%parallel_loop3A_422, %parallel_loop3A_423] {strides = array<i32>} : memref<40x144xf32, #tpu.memory_space<vmem>>, vector<1x16xf32>,
        %parallel_loop3A_425 = vector.shape_cast %parallel_loop3A_424 : vector<1x16xf32> to vector<16xf32>
        %parallel_loop3A_426 = vector.shape_cast %parallel_loop3A_421 : vector<16xf32> to vector<1x16xf32>
        tpu.vector_store %arg11[%parallel_loop3A_422, %parallel_loop3A_423], %parallel_loop3A_426 {strides = array<i32>} : memref<40x144xf32, #tpu.memory_space<vmem>>, vector<1x16xf32>,
        %parallel_loop3A_427 = vector.extract_strided_slice %parallel_loop3A_356 {offsets = [5], sizes = [1], strides = [1]} : vector<16xf32> to vector<1xf32>
        %parallel_loop3A_428 = vector.extract %parallel_loop3A_427[0] : f32 from vector<1xf32>
        %parallel_loop3A_429 = arith.index_cast %parallel_loop3A_342 : i32 to index
        %parallel_loop3A_430 = arith.constant 80 : index
        %parallel_loop3A_431 = tpu.vector_load %arg11[%parallel_loop3A_429, %parallel_loop3A_430] {strides = array<i32>} : memref<40x144xf32, #tpu.memory_space<vmem>>, vector<1x16xf32>,
        %parallel_loop3A_432 = vector.shape_cast %parallel_loop3A_431 : vector<1x16xf32> to vector<16xf32>
        %parallel_loop3A_433 = vector.broadcast %parallel_loop3A_428 : f32 to vector<16xf32>
        %parallel_loop3A_434 = arith.mulf %parallel_loop3A_432, %parallel_loop3A_433 : vector<16xf32>
        %parallel_loop3A_435 = arith.index_cast %parallel_loop3A_342 : i32 to index
        %parallel_loop3A_436 = arith.constant 80 : index
        %parallel_loop3A_437 = tpu.vector_load %arg11[%parallel_loop3A_435, %parallel_loop3A_436] {strides = array<i32>} : memref<40x144xf32, #tpu.memory_space<vmem>>, vector<1x16xf32>,
        %parallel_loop3A_438 = vector.shape_cast %parallel_loop3A_437 : vector<1x16xf32> to vector<16xf32>
        %parallel_loop3A_439 = vector.shape_cast %parallel_loop3A_434 : vector<16xf32> to vector<1x16xf32>
        tpu.vector_store %arg11[%parallel_loop3A_435, %parallel_loop3A_436], %parallel_loop3A_439 {strides = array<i32>} : memref<40x144xf32, #tpu.memory_space<vmem>>, vector<1x16xf32>,
        %parallel_loop3A_440 = vector.extract_strided_slice %parallel_loop3A_356 {offsets = [6], sizes = [1], strides = [1]} : vector<16xf32> to vector<1xf32>
        %parallel_loop3A_441 = vector.extract %parallel_loop3A_440[0] : f32 from vector<1xf32>
        %parallel_loop3A_442 = arith.index_cast %parallel_loop3A_342 : i32 to index
        %parallel_loop3A_443 = arith.constant 96 : index
        %parallel_loop3A_444 = tpu.vector_load %arg11[%parallel_loop3A_442, %parallel_loop3A_443] {strides = array<i32>} : memref<40x144xf32, #tpu.memory_space<vmem>>, vector<1x16xf32>,
        %parallel_loop3A_445 = vector.shape_cast %parallel_loop3A_444 : vector<1x16xf32> to vector<16xf32>
        %parallel_loop3A_446 = vector.broadcast %parallel_loop3A_441 : f32 to vector<16xf32>
        %parallel_loop3A_447 = arith.mulf %parallel_loop3A_445, %parallel_loop3A_446 : vector<16xf32>
        %parallel_loop3A_448 = arith.index_cast %parallel_loop3A_342 : i32 to index
        %parallel_loop3A_449 = arith.constant 96 : index
        %parallel_loop3A_450 = tpu.vector_load %arg11[%parallel_loop3A_448, %parallel_loop3A_449] {strides = array<i32>} : memref<40x144xf32, #tpu.memory_space<vmem>>, vector<1x16xf32>,
        %parallel_loop3A_451 = vector.shape_cast %parallel_loop3A_450 : vector<1x16xf32> to vector<16xf32>
        %parallel_loop3A_452 = vector.shape_cast %parallel_loop3A_447 : vector<16xf32> to vector<1x16xf32>
        tpu.vector_store %arg11[%parallel_loop3A_448, %parallel_loop3A_449], %parallel_loop3A_452 {strides = array<i32>} : memref<40x144xf32, #tpu.memory_space<vmem>>, vector<1x16xf32>,
        %parallel_loop3A_453 = vector.extract_strided_slice %parallel_loop3A_356 {offsets = [7], sizes = [1], strides = [1]} : vector<16xf32> to vector<1xf32>
        %parallel_loop3A_454 = vector.extract %parallel_loop3A_453[0] : f32 from vector<1xf32>
        %parallel_loop3A_455 = arith.index_cast %parallel_loop3A_342 : i32 to index
        %parallel_loop3A_456 = arith.constant 112 : index
        %parallel_loop3A_457 = tpu.vector_load %arg11[%parallel_loop3A_455, %parallel_loop3A_456] {strides = array<i32>} : memref<40x144xf32, #tpu.memory_space<vmem>>, vector<1x16xf32>,
        %parallel_loop3A_458 = vector.shape_cast %parallel_loop3A_457 : vector<1x16xf32> to vector<16xf32>
        %parallel_loop3A_459 = vector.broadcast %parallel_loop3A_454 : f32 to vector<16xf32>
        %parallel_loop3A_460 = arith.mulf %parallel_loop3A_458, %parallel_loop3A_459 : vector<16xf32>
        %parallel_loop3A_461 = arith.index_cast %parallel_loop3A_342 : i32 to index
        %parallel_loop3A_462 = arith.constant 112 : index
        %parallel_loop3A_463 = tpu.vector_load %arg11[%parallel_loop3A_461, %parallel_loop3A_462] {strides = array<i32>} : memref<40x144xf32, #tpu.memory_space<vmem>>, vector<1x16xf32>,
        %parallel_loop3A_464 = vector.shape_cast %parallel_loop3A_463 : vector<1x16xf32> to vector<16xf32>
        %parallel_loop3A_465 = vector.shape_cast %parallel_loop3A_460 : vector<16xf32> to vector<1x16xf32>
        tpu.vector_store %arg11[%parallel_loop3A_461, %parallel_loop3A_462], %parallel_loop3A_465 {strides = array<i32>} : memref<40x144xf32, #tpu.memory_space<vmem>>, vector<1x16xf32>,
      } {sc.loop_unroll_factor = 2 : i64, sc.parallel_access}
      %dma_start3A_290 = arith.constant 0 : i32
      %dma_start3A_291 = tpu.memref_slice %arg9[%add3A_253, %dma_start3A_290] : memref<250x40xi32, #tpu.memory_space<vmem>> -> memref<1x40xi32, #tpu.memory_space<vmem>>
      %dma_start3A_292 = tpu.memref_squeeze %dma_start3A_291 : memref<1x40xi32, #tpu.memory_space<vmem>> -> memref<40xi32, #tpu.memory_space<vmem>>
      %dma_start3A_293 = arith.constant 0 : i32
      %dma_start3A_294 = arith.constant 0 : i32
      %dma_start3A_295 = tpu.memref_slice %arg16[%dma_start3A_293, %dma_start3A_294] : memref<10000x144xf32, #tpu.memory_space<vmem_shared>> -> memref<10000x144xf32, #tpu.memory_space<vmem_shared>>
      tpu.enqueue_indirect_dma source(%arg11 : memref<40x144xf32, #tpu.memory_space<vmem>>) target(%dma_start3A_295 : memref<10000x144xf32, #tpu.memory_space<vmem_shared>>) offsets(%dma_start3A_292 : memref<40xi32, #tpu.memory_space<vmem>>) semaphore(%arg21 : memref<!tpu.dma_semaphore, #tpu.memory_space<semaphore_mem>>) {add = true}
      %mul3A_296 = arith.constant 3 : i32
      %mul3A_297 = arith.muli %scan3A_204, %mul3A_296 : i32
      %add3A_298 = arith.constant 2 : i32
      %add3A_299 = arith.addi %mul3A_297, %add3A_298 : i32
      %dma_wait3A_300 = arith.constant 0 : i32
      %dma_wait3A_301 = arith.constant 0 : i32
      %dma_wait3A_302 = tpu.memref_slice %arg8[%dma_wait3A_300, %dma_wait3A_301] : memref<250x40xi32, #tpu.memory_space<vmem>> -> memref<1x40xi32, #tpu.memory_space<vmem>>
      %dma_wait3A_303 = tpu.memref_squeeze %dma_wait3A_302 : memref<1x40xi32, #tpu.memory_space<vmem>> -> memref<40xi32, #tpu.memory_space<vmem>>
      %dma_wait3A_304 = arith.constant 0 : i32
      %dma_wait3A_305 = arith.constant 0 : i32
      %dma_wait3A_306 = tpu.memref_slice %arg2[%dma_wait3A_304, %dma_wait3A_305] : memref<10000x144xf32, #tpu.memory_space<hbm>> -> memref<10000x144xf32, #tpu.memory_space<hbm>>
      tpu.wait_indirect_dma semaphore(%arg19 : memref<!tpu.dma_semaphore, #tpu.memory_space<semaphore_mem>>) src(%dma_wait3A_306 : memref<10000x144xf32, #tpu.memory_space<hbm>>) dst(%arg12 : memref<40x144xf32, #tpu.memory_space<vmem>>)
      %dma_wait3A_307 = arith.constant 0 : i32
      %dma_wait3A_308 = arith.constant 0 : i32
      %dma_wait3A_309 = tpu.memref_slice %arg9[%dma_wait3A_307, %dma_wait3A_308] : memref<250x40xi32, #tpu.memory_space<vmem>> -> memref<1x40xi32, #tpu.memory_space<vmem>>
      %dma_wait3A_310 = tpu.memref_squeeze %dma_wait3A_309 : memref<1x40xi32, #tpu.memory_space<vmem>> -> memref<40xi32, #tpu.memory_space<vmem>>
      %dma_wait3A_311 = arith.constant 0 : i32
      %dma_wait3A_312 = arith.constant 0 : i32
      %dma_wait3A_313 = tpu.memref_slice %arg3[%dma_wait3A_311, %dma_wait3A_312] : memref<10000x16xf32, #tpu.memory_space<hbm>> -> memref<10000x16xf32, #tpu.memory_space<hbm>>
      tpu.wait_indirect_dma semaphore(%arg19 : memref<!tpu.dma_semaphore, #tpu.memory_space<semaphore_mem>>) src(%dma_wait3A_313 : memref<10000x16xf32, #tpu.memory_space<hbm>>) dst(%arg15 : memref<40x16xf32, #tpu.memory_space<vmem>>)
      %ge3A_314 = arith.constant 1 : i32
      %ge3A_315 = arith.cmpi sge, %add3A_299, %ge3A_314 : i32
      %convert_element_type3A_316 = arith.extui %ge3A_315 : i1 to i32
      %cond3A_317 = arith.constant 0 : i32
      %cond3A_318 = arith.cmpi ne, %convert_element_type3A_316, %cond3A_317 : i32
      scf.if %cond3A_318 {
        %dma_wait3A_342 = arith.constant 0 : i32
        %dma_wait3A_343 = arith.constant 0 : i32
        %dma_wait3A_344 = tpu.memref_slice %arg9[%dma_wait3A_342, %dma_wait3A_343] : memref<250x40xi32, #tpu.memory_space<vmem>> -> memref<1x40xi32, #tpu.memory_space<vmem>>
        %dma_wait3A_345 = tpu.memref_squeeze %dma_wait3A_344 : memref<1x40xi32, #tpu.memory_space<vmem>> -> memref<40xi32, #tpu.memory_space<vmem>>
        %dma_wait3A_346 = arith.constant 0 : i32
        %dma_wait3A_347 = arith.constant 0 : i32
        %dma_wait3A_348 = tpu.memref_slice %arg16[%dma_wait3A_346, %dma_wait3A_347] : memref<10000x144xf32, #tpu.memory_space<vmem_shared>> -> memref<10000x144xf32, #tpu.memory_space<vmem_shared>>
        tpu.wait_indirect_dma semaphore(%arg21 : memref<!tpu.dma_semaphore, #tpu.memory_space<semaphore_mem>>) src(%arg11 : memref<40x144xf32, #tpu.memory_space<vmem>>) dst(%dma_wait3A_348 : memref<10000x144xf32, #tpu.memory_space<vmem_shared>>)
      } else {
      }
      %add3A_319 = arith.constant 2 : i32
      %add3A_320 = arith.addi %add3A_299, %add3A_319 : i32
      %dma_start3A_321 = arith.constant 0 : i32
      %dma_start3A_322 = tpu.memref_slice %arg8[%add3A_320, %dma_start3A_321] : memref<250x40xi32, #tpu.memory_space<vmem>> -> memref<1x40xi32, #tpu.memory_space<vmem>>
      %dma_start3A_323 = tpu.memref_squeeze %dma_start3A_322 : memref<1x40xi32, #tpu.memory_space<vmem>> -> memref<40xi32, #tpu.memory_space<vmem>>
      %dma_start3A_324 = arith.constant 0 : i32
      %dma_start3A_325 = arith.constant 0 : i32
      %dma_start3A_326 = tpu.memref_slice %arg2[%dma_start3A_324, %dma_start3A_325] : memref<10000x144xf32, #tpu.memory_space<hbm>> -> memref<10000x144xf32, #tpu.memory_space<hbm>>
      tpu.enqueue_indirect_dma source(%dma_start3A_326 : memref<10000x144xf32, #tpu.memory_space<hbm>>) target(%arg11 : memref<40x144xf32, #tpu.memory_space<vmem>>) offsets(%dma_start3A_323 : memref<40xi32, #tpu.memory_space<vmem>>) semaphore(%arg18 : memref<!tpu.dma_semaphore, #tpu.memory_space<semaphore_mem>>)
      %dma_start3A_327 = arith.constant 0 : i32
      %dma_start3A_328 = tpu.memref_slice %arg9[%add3A_320, %dma_start3A_327] : memref<250x40xi32, #tpu.memory_space<vmem>> -> memref<1x40xi32, #tpu.memory_space<vmem>>
      %dma_start3A_329 = tpu.memref_squeeze %dma_start3A_328 : memref<1x40xi32, #tpu.memory_space<vmem>> -> memref<40xi32, #tpu.memory_space<vmem>>
      %dma_start3A_330 = arith.constant 0 : i32
      %dma_start3A_331 = arith.constant 0 : i32
      %dma_start3A_332 = tpu.memref_slice %arg3[%dma_start3A_330, %dma_start3A_331] : memref<10000x16xf32, #tpu.memory_space<hbm>> -> memref<10000x16xf32, #tpu.memory_space<hbm>>
      tpu.enqueue_indirect_dma source(%dma_start3A_332 : memref<10000x16xf32, #tpu.memory_space<hbm>>) target(%arg14 : memref<40x16xf32, #tpu.memory_space<vmem>>) offsets(%dma_start3A_329 : memref<40xi32, #tpu.memory_space<vmem>>) semaphore(%arg18 : memref<!tpu.dma_semaphore, #tpu.memory_space<semaphore_mem>>)
      %parallel_loop3A_333 = arith.constant 0 : i32
      %parallel_loop3A_334 = arith.constant 40 : i32
      %parallel_loop3A_335 = arith.constant 1 : i32
      scf.for %parallel_loop3A_342 = %parallel_loop3A_333 to %parallel_loop3A_334 step %parallel_loop3A_335  : i32 {
        %parallel_loop3A_343 = arith.index_cast %parallel_loop3A_342 : i32 to index
        %parallel_loop3A_344 = arith.constant 128 : index
        %parallel_loop3A_345 = tpu.vector_load %arg12[%parallel_loop3A_343, %parallel_loop3A_344] {strides = array<i32>} : memref<40x144xf32, #tpu.memory_space<vmem>>, vector<1x16xf32>,
        %parallel_loop3A_346 = vector.shape_cast %parallel_loop3A_345 : vector<1x16xf32> to vector<16xf32>
        %parallel_loop3A_347 = arith.index_cast %parallel_loop3A_342 : i32 to index
        %parallel_loop3A_348 = arith.constant 0 : index
        %parallel_loop3A_349 = tpu.vector_load %arg15[%parallel_loop3A_347, %parallel_loop3A_348] {strides = array<i32>} : memref<40x16xf32, #tpu.memory_space<vmem>>, vector<1x16xf32>,
        %parallel_loop3A_350 = vector.shape_cast %parallel_loop3A_349 : vector<1x16xf32> to vector<16xf32>
        %parallel_loop3A_351 = arith.addf %parallel_loop3A_346, %parallel_loop3A_350 : vector<16xf32>
        %parallel_loop3A_352 = arith.constant 2.000000e-01 : f32
        %parallel_loop3A_353 = vector.broadcast %parallel_loop3A_352 : f32 to vector<16xf32>
        %parallel_loop3A_354 = arith.mulf %parallel_loop3A_351, %parallel_loop3A_353 : vector<16xf32>
        %parallel_loop3A_355 = arith.maximumf %parallel_loop3A_351, %parallel_loop3A_354 : vector<16xf32>
        %parallel_loop3A_356 = math.exp %parallel_loop3A_355 : vector<16xf32>
        %parallel_loop3A_357 = arith.index_cast %parallel_loop3A_342 : i32 to index
        %parallel_loop3A_358 = arith.constant 128 : index
        %parallel_loop3A_359 = tpu.vector_load %arg12[%parallel_loop3A_357, %parallel_loop3A_358] {strides = array<i32>} : memref<40x144xf32, #tpu.memory_space<vmem>>, vector<1x16xf32>,
        %parallel_loop3A_360 = vector.shape_cast %parallel_loop3A_359 : vector<1x16xf32> to vector<16xf32>
        %parallel_loop3A_361 = vector.shape_cast %parallel_loop3A_356 : vector<16xf32> to vector<1x16xf32>
        tpu.vector_store %arg12[%parallel_loop3A_357, %parallel_loop3A_358], %parallel_loop3A_361 {strides = array<i32>} : memref<40x144xf32, #tpu.memory_space<vmem>>, vector<1x16xf32>,
        %parallel_loop3A_362 = vector.extract_strided_slice %parallel_loop3A_356 {offsets = [0], sizes = [1], strides = [1]} : vector<16xf32> to vector<1xf32>
        %parallel_loop3A_363 = vector.extract %parallel_loop3A_362[0] : f32 from vector<1xf32>
        %parallel_loop3A_364 = arith.index_cast %parallel_loop3A_342 : i32 to index
        %parallel_loop3A_365 = arith.constant 0 : index
        %parallel_loop3A_366 = tpu.vector_load %arg12[%parallel_loop3A_364, %parallel_loop3A_365] {strides = array<i32>} : memref<40x144xf32, #tpu.memory_space<vmem>>, vector<1x16xf32>,
        %parallel_loop3A_367 = vector.shape_cast %parallel_loop3A_366 : vector<1x16xf32> to vector<16xf32>
        %parallel_loop3A_368 = vector.broadcast %parallel_loop3A_363 : f32 to vector<16xf32>
        %parallel_loop3A_369 = arith.mulf %parallel_loop3A_367, %parallel_loop3A_368 : vector<16xf32>
        %parallel_loop3A_370 = arith.index_cast %parallel_loop3A_342 : i32 to index
        %parallel_loop3A_371 = arith.constant 0 : index
        %parallel_loop3A_372 = tpu.vector_load %arg12[%parallel_loop3A_370, %parallel_loop3A_371] {strides = array<i32>} : memref<40x144xf32, #tpu.memory_space<vmem>>, vector<1x16xf32>,
        %parallel_loop3A_373 = vector.shape_cast %parallel_loop3A_372 : vector<1x16xf32> to vector<16xf32>
        %parallel_loop3A_374 = vector.shape_cast %parallel_loop3A_369 : vector<16xf32> to vector<1x16xf32>
        tpu.vector_store %arg12[%parallel_loop3A_370, %parallel_loop3A_371], %parallel_loop3A_374 {strides = array<i32>} : memref<40x144xf32, #tpu.memory_space<vmem>>, vector<1x16xf32>,
        %parallel_loop3A_375 = vector.extract_strided_slice %parallel_loop3A_356 {offsets = [1], sizes = [1], strides = [1]} : vector<16xf32> to vector<1xf32>
        %parallel_loop3A_376 = vector.extract %parallel_loop3A_375[0] : f32 from vector<1xf32>
        %parallel_loop3A_377 = arith.index_cast %parallel_loop3A_342 : i32 to index
        %parallel_loop3A_378 = arith.constant 16 : index
        %parallel_loop3A_379 = tpu.vector_load %arg12[%parallel_loop3A_377, %parallel_loop3A_378] {strides = array<i32>} : memref<40x144xf32, #tpu.memory_space<vmem>>, vector<1x16xf32>,
        %parallel_loop3A_380 = vector.shape_cast %parallel_loop3A_379 : vector<1x16xf32> to vector<16xf32>
        %parallel_loop3A_381 = vector.broadcast %parallel_loop3A_376 : f32 to vector<16xf32>
        %parallel_loop3A_382 = arith.mulf %parallel_loop3A_380, %parallel_loop3A_381 : vector<16xf32>
        %parallel_loop3A_383 = arith.index_cast %parallel_loop3A_342 : i32 to index
        %parallel_loop3A_384 = arith.constant 16 : index
        %parallel_loop3A_385 = tpu.vector_load %arg12[%parallel_loop3A_383, %parallel_loop3A_384] {strides = array<i32>} : memref<40x144xf32, #tpu.memory_space<vmem>>, vector<1x16xf32>,
        %parallel_loop3A_386 = vector.shape_cast %parallel_loop3A_385 : vector<1x16xf32> to vector<16xf32>
        %parallel_loop3A_387 = vector.shape_cast %parallel_loop3A_382 : vector<16xf32> to vector<1x16xf32>
        tpu.vector_store %arg12[%parallel_loop3A_383, %parallel_loop3A_384], %parallel_loop3A_387 {strides = array<i32>} : memref<40x144xf32, #tpu.memory_space<vmem>>, vector<1x16xf32>,
        %parallel_loop3A_388 = vector.extract_strided_slice %parallel_loop3A_356 {offsets = [2], sizes = [1], strides = [1]} : vector<16xf32> to vector<1xf32>
        %parallel_loop3A_389 = vector.extract %parallel_loop3A_388[0] : f32 from vector<1xf32>
        %parallel_loop3A_390 = arith.index_cast %parallel_loop3A_342 : i32 to index
        %parallel_loop3A_391 = arith.constant 32 : index
        %parallel_loop3A_392 = tpu.vector_load %arg12[%parallel_loop3A_390, %parallel_loop3A_391] {strides = array<i32>} : memref<40x144xf32, #tpu.memory_space<vmem>>, vector<1x16xf32>,
        %parallel_loop3A_393 = vector.shape_cast %parallel_loop3A_392 : vector<1x16xf32> to vector<16xf32>
        %parallel_loop3A_394 = vector.broadcast %parallel_loop3A_389 : f32 to vector<16xf32>
        %parallel_loop3A_395 = arith.mulf %parallel_loop3A_393, %parallel_loop3A_394 : vector<16xf32>
        %parallel_loop3A_396 = arith.index_cast %parallel_loop3A_342 : i32 to index
        %parallel_loop3A_397 = arith.constant 32 : index
        %parallel_loop3A_398 = tpu.vector_load %arg12[%parallel_loop3A_396, %parallel_loop3A_397] {strides = array<i32>} : memref<40x144xf32, #tpu.memory_space<vmem>>, vector<1x16xf32>,
        %parallel_loop3A_399 = vector.shape_cast %parallel_loop3A_398 : vector<1x16xf32> to vector<16xf32>
        %parallel_loop3A_400 = vector.shape_cast %parallel_loop3A_395 : vector<16xf32> to vector<1x16xf32>
        tpu.vector_store %arg12[%parallel_loop3A_396, %parallel_loop3A_397], %parallel_loop3A_400 {strides = array<i32>} : memref<40x144xf32, #tpu.memory_space<vmem>>, vector<1x16xf32>,
        %parallel_loop3A_401 = vector.extract_strided_slice %parallel_loop3A_356 {offsets = [3], sizes = [1], strides = [1]} : vector<16xf32> to vector<1xf32>
        %parallel_loop3A_402 = vector.extract %parallel_loop3A_401[0] : f32 from vector<1xf32>
        %parallel_loop3A_403 = arith.index_cast %parallel_loop3A_342 : i32 to index
        %parallel_loop3A_404 = arith.constant 48 : index
        %parallel_loop3A_405 = tpu.vector_load %arg12[%parallel_loop3A_403, %parallel_loop3A_404] {strides = array<i32>} : memref<40x144xf32, #tpu.memory_space<vmem>>, vector<1x16xf32>,
        %parallel_loop3A_406 = vector.shape_cast %parallel_loop3A_405 : vector<1x16xf32> to vector<16xf32>
        %parallel_loop3A_407 = vector.broadcast %parallel_loop3A_402 : f32 to vector<16xf32>
        %parallel_loop3A_408 = arith.mulf %parallel_loop3A_406, %parallel_loop3A_407 : vector<16xf32>
        %parallel_loop3A_409 = arith.index_cast %parallel_loop3A_342 : i32 to index
        %parallel_loop3A_410 = arith.constant 48 : index
        %parallel_loop3A_411 = tpu.vector_load %arg12[%parallel_loop3A_409, %parallel_loop3A_410] {strides = array<i32>} : memref<40x144xf32, #tpu.memory_space<vmem>>, vector<1x16xf32>,
        %parallel_loop3A_412 = vector.shape_cast %parallel_loop3A_411 : vector<1x16xf32> to vector<16xf32>
        %parallel_loop3A_413 = vector.shape_cast %parallel_loop3A_408 : vector<16xf32> to vector<1x16xf32>
        tpu.vector_store %arg12[%parallel_loop3A_409, %parallel_loop3A_410], %parallel_loop3A_413 {strides = array<i32>} : memref<40x144xf32, #tpu.memory_space<vmem>>, vector<1x16xf32>,
        %parallel_loop3A_414 = vector.extract_strided_slice %parallel_loop3A_356 {offsets = [4], sizes = [1], strides = [1]} : vector<16xf32> to vector<1xf32>
        %parallel_loop3A_415 = vector.extract %parallel_loop3A_414[0] : f32 from vector<1xf32>
        %parallel_loop3A_416 = arith.index_cast %parallel_loop3A_342 : i32 to index
        %parallel_loop3A_417 = arith.constant 64 : index
        %parallel_loop3A_418 = tpu.vector_load %arg12[%parallel_loop3A_416, %parallel_loop3A_417] {strides = array<i32>} : memref<40x144xf32, #tpu.memory_space<vmem>>, vector<1x16xf32>,
        %parallel_loop3A_419 = vector.shape_cast %parallel_loop3A_418 : vector<1x16xf32> to vector<16xf32>
        %parallel_loop3A_420 = vector.broadcast %parallel_loop3A_415 : f32 to vector<16xf32>
        %parallel_loop3A_421 = arith.mulf %parallel_loop3A_419, %parallel_loop3A_420 : vector<16xf32>
        %parallel_loop3A_422 = arith.index_cast %parallel_loop3A_342 : i32 to index
        %parallel_loop3A_423 = arith.constant 64 : index
        %parallel_loop3A_424 = tpu.vector_load %arg12[%parallel_loop3A_422, %parallel_loop3A_423] {strides = array<i32>} : memref<40x144xf32, #tpu.memory_space<vmem>>, vector<1x16xf32>,
        %parallel_loop3A_425 = vector.shape_cast %parallel_loop3A_424 : vector<1x16xf32> to vector<16xf32>
        %parallel_loop3A_426 = vector.shape_cast %parallel_loop3A_421 : vector<16xf32> to vector<1x16xf32>
        tpu.vector_store %arg12[%parallel_loop3A_422, %parallel_loop3A_423], %parallel_loop3A_426 {strides = array<i32>} : memref<40x144xf32, #tpu.memory_space<vmem>>, vector<1x16xf32>,
        %parallel_loop3A_427 = vector.extract_strided_slice %parallel_loop3A_356 {offsets = [5], sizes = [1], strides = [1]} : vector<16xf32> to vector<1xf32>
        %parallel_loop3A_428 = vector.extract %parallel_loop3A_427[0] : f32 from vector<1xf32>
        %parallel_loop3A_429 = arith.index_cast %parallel_loop3A_342 : i32 to index
        %parallel_loop3A_430 = arith.constant 80 : index
        %parallel_loop3A_431 = tpu.vector_load %arg12[%parallel_loop3A_429, %parallel_loop3A_430] {strides = array<i32>} : memref<40x144xf32, #tpu.memory_space<vmem>>, vector<1x16xf32>,
        %parallel_loop3A_432 = vector.shape_cast %parallel_loop3A_431 : vector<1x16xf32> to vector<16xf32>
        %parallel_loop3A_433 = vector.broadcast %parallel_loop3A_428 : f32 to vector<16xf32>
        %parallel_loop3A_434 = arith.mulf %parallel_loop3A_432, %parallel_loop3A_433 : vector<16xf32>
        %parallel_loop3A_435 = arith.index_cast %parallel_loop3A_342 : i32 to index
        %parallel_loop3A_436 = arith.constant 80 : index
        %parallel_loop3A_437 = tpu.vector_load %arg12[%parallel_loop3A_435, %parallel_loop3A_436] {strides = array<i32>} : memref<40x144xf32, #tpu.memory_space<vmem>>, vector<1x16xf32>,
        %parallel_loop3A_438 = vector.shape_cast %parallel_loop3A_437 : vector<1x16xf32> to vector<16xf32>
        %parallel_loop3A_439 = vector.shape_cast %parallel_loop3A_434 : vector<16xf32> to vector<1x16xf32>
        tpu.vector_store %arg12[%parallel_loop3A_435, %parallel_loop3A_436], %parallel_loop3A_439 {strides = array<i32>} : memref<40x144xf32, #tpu.memory_space<vmem>>, vector<1x16xf32>,
        %parallel_loop3A_440 = vector.extract_strided_slice %parallel_loop3A_356 {offsets = [6], sizes = [1], strides = [1]} : vector<16xf32> to vector<1xf32>
        %parallel_loop3A_441 = vector.extract %parallel_loop3A_440[0] : f32 from vector<1xf32>
        %parallel_loop3A_442 = arith.index_cast %parallel_loop3A_342 : i32 to index
        %parallel_loop3A_443 = arith.constant 96 : index
        %parallel_loop3A_444 = tpu.vector_load %arg12[%parallel_loop3A_442, %parallel_loop3A_443] {strides = array<i32>} : memref<40x144xf32, #tpu.memory_space<vmem>>, vector<1x16xf32>,
        %parallel_loop3A_445 = vector.shape_cast %parallel_loop3A_444 : vector<1x16xf32> to vector<16xf32>
        %parallel_loop3A_446 = vector.broadcast %parallel_loop3A_441 : f32 to vector<16xf32>
        %parallel_loop3A_447 = arith.mulf %parallel_loop3A_445, %parallel_loop3A_446 : vector<16xf32>
        %parallel_loop3A_448 = arith.index_cast %parallel_loop3A_342 : i32 to index
        %parallel_loop3A_449 = arith.constant 96 : index
        %parallel_loop3A_450 = tpu.vector_load %arg12[%parallel_loop3A_448, %parallel_loop3A_449] {strides = array<i32>} : memref<40x144xf32, #tpu.memory_space<vmem>>, vector<1x16xf32>,
        %parallel_loop3A_451 = vector.shape_cast %parallel_loop3A_450 : vector<1x16xf32> to vector<16xf32>
        %parallel_loop3A_452 = vector.shape_cast %parallel_loop3A_447 : vector<16xf32> to vector<1x16xf32>
        tpu.vector_store %arg12[%parallel_loop3A_448, %parallel_loop3A_449], %parallel_loop3A_452 {strides = array<i32>} : memref<40x144xf32, #tpu.memory_space<vmem>>, vector<1x16xf32>,
        %parallel_loop3A_453 = vector.extract_strided_slice %parallel_loop3A_356 {offsets = [7], sizes = [1], strides = [1]} : vector<16xf32> to vector<1xf32>
        %parallel_loop3A_454 = vector.extract %parallel_loop3A_453[0] : f32 from vector<1xf32>
        %parallel_loop3A_455 = arith.index_cast %parallel_loop3A_342 : i32 to index
        %parallel_loop3A_456 = arith.constant 112 : index
        %parallel_loop3A_457 = tpu.vector_load %arg12[%parallel_loop3A_455, %parallel_loop3A_456] {strides = array<i32>} : memref<40x144xf32, #tpu.memory_space<vmem>>, vector<1x16xf32>,
        %parallel_loop3A_458 = vector.shape_cast %parallel_loop3A_457 : vector<1x16xf32> to vector<16xf32>
        %parallel_loop3A_459 = vector.broadcast %parallel_loop3A_454 : f32 to vector<16xf32>
        %parallel_loop3A_460 = arith.mulf %parallel_loop3A_458, %parallel_loop3A_459 : vector<16xf32>
        %parallel_loop3A_461 = arith.index_cast %parallel_loop3A_342 : i32 to index
        %parallel_loop3A_462 = arith.constant 112 : index
        %parallel_loop3A_463 = tpu.vector_load %arg12[%parallel_loop3A_461, %parallel_loop3A_462] {strides = array<i32>} : memref<40x144xf32, #tpu.memory_space<vmem>>, vector<1x16xf32>,
        %parallel_loop3A_464 = vector.shape_cast %parallel_loop3A_463 : vector<1x16xf32> to vector<16xf32>
        %parallel_loop3A_465 = vector.shape_cast %parallel_loop3A_460 : vector<16xf32> to vector<1x16xf32>
        tpu.vector_store %arg12[%parallel_loop3A_461, %parallel_loop3A_462], %parallel_loop3A_465 {strides = array<i32>} : memref<40x144xf32, #tpu.memory_space<vmem>>, vector<1x16xf32>,
      } {sc.loop_unroll_factor = 2 : i64, sc.parallel_access}
      %dma_start3A_336 = arith.constant 0 : i32
      %dma_start3A_337 = tpu.memref_slice %arg9[%add3A_299, %dma_start3A_336] : memref<250x40xi32, #tpu.memory_space<vmem>> -> memref<1x40xi32, #tpu.memory_space<vmem>>
      %dma_start3A_338 = tpu.memref_squeeze %dma_start3A_337 : memref<1x40xi32, #tpu.memory_space<vmem>> -> memref<40xi32, #tpu.memory_space<vmem>>
      %dma_start3A_339 = arith.constant 0 : i32
      %dma_start3A_340 = arith.constant 0 : i32
      %dma_start3A_341 = tpu.memref_slice %arg16[%dma_start3A_339, %dma_start3A_340] : memref<10000x144xf32, #tpu.memory_space<vmem_shared>> -> memref<10000x144xf32, #tpu.memory_space<vmem_shared>>
      tpu.enqueue_indirect_dma source(%arg12 : memref<40x144xf32, #tpu.memory_space<vmem>>) target(%dma_start3A_341 : memref<10000x144xf32, #tpu.memory_space<vmem_shared>>) offsets(%dma_start3A_338 : memref<40xi32, #tpu.memory_space<vmem>>) semaphore(%arg22 : memref<!tpu.dma_semaphore, #tpu.memory_space<semaphore_mem>>) {add = true}
    }
    %scan3A_40 = arith.constant 82 : i32
    %dma_wait3A = arith.constant 0 : i32
    %dma_wait3A_41 = arith.constant 0 : i32
    %dma_wait3A_42 = tpu.memref_slice %arg8[%dma_wait3A, %dma_wait3A_41] : memref<250x40xi32, #tpu.memory_space<vmem>> -> memref<1x40xi32, #tpu.memory_space<vmem>>
    %dma_wait3A_43 = tpu.memref_squeeze %dma_wait3A_42 : memref<1x40xi32, #tpu.memory_space<vmem>> -> memref<40xi32, #tpu.memory_space<vmem>>
    %dma_wait3A_44 = arith.constant 0 : i32
    %dma_wait3A_45 = arith.constant 0 : i32
    %dma_wait3A_46 = tpu.memref_slice %arg2[%dma_wait3A_44, %dma_wait3A_45] : memref<10000x144xf32, #tpu.memory_space<hbm>> -> memref<10000x144xf32, #tpu.memory_space<hbm>>
    tpu.wait_indirect_dma semaphore(%arg17 : memref<!tpu.dma_semaphore, #tpu.memory_space<semaphore_mem>>) src(%dma_wait3A_46 : memref<10000x144xf32, #tpu.memory_space<hbm>>) dst(%arg10 : memref<40x144xf32, #tpu.memory_space<vmem>>)
    %dma_wait3A_47 = arith.constant 0 : i32
    %dma_wait3A_48 = arith.constant 0 : i32
    %dma_wait3A_49 = tpu.memref_slice %arg9[%dma_wait3A_47, %dma_wait3A_48] : memref<250x40xi32, #tpu.memory_space<vmem>> -> memref<1x40xi32, #tpu.memory_space<vmem>>
    %dma_wait3A_50 = tpu.memref_squeeze %dma_wait3A_49 : memref<1x40xi32, #tpu.memory_space<vmem>> -> memref<40xi32, #tpu.memory_space<vmem>>
    %dma_wait3A_51 = arith.constant 0 : i32
    %dma_wait3A_52 = arith.constant 0 : i32
    %dma_wait3A_53 = tpu.memref_slice %arg3[%dma_wait3A_51, %dma_wait3A_52] : memref<10000x16xf32, #tpu.memory_space<hbm>> -> memref<10000x16xf32, #tpu.memory_space<hbm>>
    tpu.wait_indirect_dma semaphore(%arg17 : memref<!tpu.dma_semaphore, #tpu.memory_space<semaphore_mem>>) src(%dma_wait3A_53 : memref<10000x16xf32, #tpu.memory_space<hbm>>) dst(%arg13 : memref<40x16xf32, #tpu.memory_space<vmem>>)
    %dma_wait3A_54 = arith.constant 0 : i32
    %dma_wait3A_55 = arith.constant 0 : i32
    %dma_wait3A_56 = tpu.memref_slice %arg9[%dma_wait3A_54, %dma_wait3A_55] : memref<250x40xi32, #tpu.memory_space<vmem>> -> memref<1x40xi32, #tpu.memory_space<vmem>>
    %dma_wait3A_57 = tpu.memref_squeeze %dma_wait3A_56 : memref<1x40xi32, #tpu.memory_space<vmem>> -> memref<40xi32, #tpu.memory_space<vmem>>
    %dma_wait3A_58 = arith.constant 0 : i32
    %dma_wait3A_59 = arith.constant 0 : i32
    %dma_wait3A_60 = tpu.memref_slice %arg16[%dma_wait3A_58, %dma_wait3A_59] : memref<10000x144xf32, #tpu.memory_space<vmem_shared>> -> memref<10000x144xf32, #tpu.memory_space<vmem_shared>>
    tpu.wait_indirect_dma semaphore(%arg22 : memref<!tpu.dma_semaphore, #tpu.memory_space<semaphore_mem>>) src(%arg12 : memref<40x144xf32, #tpu.memory_space<vmem>>) dst(%dma_wait3A_60 : memref<10000x144xf32, #tpu.memory_space<vmem_shared>>)
    %dma_start3A_61 = arith.constant 248 : i32
    %dma_start3A_62 = arith.constant 0 : i32
    %dma_start3A_63 = tpu.memref_slice %arg8[%dma_start3A_61, %dma_start3A_62] : memref<250x40xi32, #tpu.memory_space<vmem>> -> memref<1x40xi32, #tpu.memory_space<vmem>>
    %dma_start3A_64 = tpu.memref_squeeze %dma_start3A_63 : memref<1x40xi32, #tpu.memory_space<vmem>> -> memref<40xi32, #tpu.memory_space<vmem>>
    %dma_start3A_65 = arith.constant 0 : i32
    %dma_start3A_66 = arith.constant 0 : i32
    %dma_start3A_67 = tpu.memref_slice %arg2[%dma_start3A_65, %dma_start3A_66] : memref<10000x144xf32, #tpu.memory_space<hbm>> -> memref<10000x144xf32, #tpu.memory_space<hbm>>
    tpu.enqueue_indirect_dma source(%dma_start3A_67 : memref<10000x144xf32, #tpu.memory_space<hbm>>) target(%arg12 : memref<40x144xf32, #tpu.memory_space<vmem>>) offsets(%dma_start3A_64 : memref<40xi32, #tpu.memory_space<vmem>>) semaphore(%arg19 : memref<!tpu.dma_semaphore, #tpu.memory_space<semaphore_mem>>)
    %dma_start3A_68 = arith.constant 248 : i32
    %dma_start3A_69 = arith.constant 0 : i32
    %dma_start3A_70 = tpu.memref_slice %arg9[%dma_start3A_68, %dma_start3A_69] : memref<250x40xi32, #tpu.memory_space<vmem>> -> memref<1x40xi32, #tpu.memory_space<vmem>>
    %dma_start3A_71 = tpu.memref_squeeze %dma_start3A_70 : memref<1x40xi32, #tpu.memory_space<vmem>> -> memref<40xi32, #tpu.memory_space<vmem>>
    %dma_start3A_72 = arith.constant 0 : i32
    %dma_start3A_73 = arith.constant 0 : i32
    %dma_start3A_74 = tpu.memref_slice %arg3[%dma_start3A_72, %dma_start3A_73] : memref<10000x16xf32, #tpu.memory_space<hbm>> -> memref<10000x16xf32, #tpu.memory_space<hbm>>
    tpu.enqueue_indirect_dma source(%dma_start3A_74 : memref<10000x16xf32, #tpu.memory_space<hbm>>) target(%arg15 : memref<40x16xf32, #tpu.memory_space<vmem>>) offsets(%dma_start3A_71 : memref<40xi32, #tpu.memory_space<vmem>>) semaphore(%arg19 : memref<!tpu.dma_semaphore, #tpu.memory_space<semaphore_mem>>)
    %parallel_loop3A = arith.constant 0 : i32
    %parallel_loop3A_75 = arith.constant 40 : i32
    %parallel_loop3A_76 = arith.constant 1 : i32
    scf.for %parallel_loop3A_204 = %parallel_loop3A to %parallel_loop3A_75 step %parallel_loop3A_76  : i32 {
      %parallel_loop3A_205 = arith.index_cast %parallel_loop3A_204 : i32 to index
      %parallel_loop3A_206 = arith.constant 128 : index
      %parallel_loop3A_207 = tpu.vector_load %arg10[%parallel_loop3A_205, %parallel_loop3A_206] {strides = array<i32>} : memref<40x144xf32, #tpu.memory_space<vmem>>, vector<1x16xf32>,
      %parallel_loop3A_208 = vector.shape_cast %parallel_loop3A_207 : vector<1x16xf32> to vector<16xf32>
      %parallel_loop3A_209 = arith.index_cast %parallel_loop3A_204 : i32 to index
      %parallel_loop3A_210 = arith.constant 0 : index
      %parallel_loop3A_211 = tpu.vector_load %arg13[%parallel_loop3A_209, %parallel_loop3A_210] {strides = array<i32>} : memref<40x16xf32, #tpu.memory_space<vmem>>, vector<1x16xf32>,
      %parallel_loop3A_212 = vector.shape_cast %parallel_loop3A_211 : vector<1x16xf32> to vector<16xf32>
      %parallel_loop3A_213 = arith.addf %parallel_loop3A_208, %parallel_loop3A_212 : vector<16xf32>
      %parallel_loop3A_214 = arith.constant 2.000000e-01 : f32
      %parallel_loop3A_215 = vector.broadcast %parallel_loop3A_214 : f32 to vector<16xf32>
      %parallel_loop3A_216 = arith.mulf %parallel_loop3A_213, %parallel_loop3A_215 : vector<16xf32>
      %parallel_loop3A_217 = arith.maximumf %parallel_loop3A_213, %parallel_loop3A_216 : vector<16xf32>
      %parallel_loop3A_218 = math.exp %parallel_loop3A_217 : vector<16xf32>
      %parallel_loop3A_219 = arith.index_cast %parallel_loop3A_204 : i32 to index
      %parallel_loop3A_220 = arith.constant 128 : index
      %parallel_loop3A_221 = tpu.vector_load %arg10[%parallel_loop3A_219, %parallel_loop3A_220] {strides = array<i32>} : memref<40x144xf32, #tpu.memory_space<vmem>>, vector<1x16xf32>,
      %parallel_loop3A_222 = vector.shape_cast %parallel_loop3A_221 : vector<1x16xf32> to vector<16xf32>
      %parallel_loop3A_223 = vector.shape_cast %parallel_loop3A_218 : vector<16xf32> to vector<1x16xf32>
      tpu.vector_store %arg10[%parallel_loop3A_219, %parallel_loop3A_220], %parallel_loop3A_223 {strides = array<i32>} : memref<40x144xf32, #tpu.memory_space<vmem>>, vector<1x16xf32>,
      %parallel_loop3A_224 = vector.extract_strided_slice %parallel_loop3A_218 {offsets = [0], sizes = [1], strides = [1]} : vector<16xf32> to vector<1xf32>
      %parallel_loop3A_225 = vector.extract %parallel_loop3A_224[0] : f32 from vector<1xf32>
      %parallel_loop3A_226 = arith.index_cast %parallel_loop3A_204 : i32 to index
      %parallel_loop3A_227 = arith.constant 0 : index
      %parallel_loop3A_228 = tpu.vector_load %arg10[%parallel_loop3A_226, %parallel_loop3A_227] {strides = array<i32>} : memref<40x144xf32, #tpu.memory_space<vmem>>, vector<1x16xf32>,
      %parallel_loop3A_229 = vector.shape_cast %parallel_loop3A_228 : vector<1x16xf32> to vector<16xf32>
      %parallel_loop3A_230 = vector.broadcast %parallel_loop3A_225 : f32 to vector<16xf32>
      %parallel_loop3A_231 = arith.mulf %parallel_loop3A_229, %parallel_loop3A_230 : vector<16xf32>
      %parallel_loop3A_232 = arith.index_cast %parallel_loop3A_204 : i32 to index
      %parallel_loop3A_233 = arith.constant 0 : index
      %parallel_loop3A_234 = tpu.vector_load %arg10[%parallel_loop3A_232, %parallel_loop3A_233] {strides = array<i32>} : memref<40x144xf32, #tpu.memory_space<vmem>>, vector<1x16xf32>,
      %parallel_loop3A_235 = vector.shape_cast %parallel_loop3A_234 : vector<1x16xf32> to vector<16xf32>
      %parallel_loop3A_236 = vector.shape_cast %parallel_loop3A_231 : vector<16xf32> to vector<1x16xf32>
      tpu.vector_store %arg10[%parallel_loop3A_232, %parallel_loop3A_233], %parallel_loop3A_236 {strides = array<i32>} : memref<40x144xf32, #tpu.memory_space<vmem>>, vector<1x16xf32>,
      %parallel_loop3A_237 = vector.extract_strided_slice %parallel_loop3A_218 {offsets = [1], sizes = [1], strides = [1]} : vector<16xf32> to vector<1xf32>
      %parallel_loop3A_238 = vector.extract %parallel_loop3A_237[0] : f32 from vector<1xf32>
      %parallel_loop3A_239 = arith.index_cast %parallel_loop3A_204 : i32 to index
      %parallel_loop3A_240 = arith.constant 16 : index
      %parallel_loop3A_241 = tpu.vector_load %arg10[%parallel_loop3A_239, %parallel_loop3A_240] {strides = array<i32>} : memref<40x144xf32, #tpu.memory_space<vmem>>, vector<1x16xf32>,
      %parallel_loop3A_242 = vector.shape_cast %parallel_loop3A_241 : vector<1x16xf32> to vector<16xf32>
      %parallel_loop3A_243 = vector.broadcast %parallel_loop3A_238 : f32 to vector<16xf32>
      %parallel_loop3A_244 = arith.mulf %parallel_loop3A_242, %parallel_loop3A_243 : vector<16xf32>
      %parallel_loop3A_245 = arith.index_cast %parallel_loop3A_204 : i32 to index
      %parallel_loop3A_246 = arith.constant 16 : index
      %parallel_loop3A_247 = tpu.vector_load %arg10[%parallel_loop3A_245, %parallel_loop3A_246] {strides = array<i32>} : memref<40x144xf32, #tpu.memory_space<vmem>>, vector<1x16xf32>,
      %parallel_loop3A_248 = vector.shape_cast %parallel_loop3A_247 : vector<1x16xf32> to vector<16xf32>
      %parallel_loop3A_249 = vector.shape_cast %parallel_loop3A_244 : vector<16xf32> to vector<1x16xf32>
      tpu.vector_store %arg10[%parallel_loop3A_245, %parallel_loop3A_246], %parallel_loop3A_249 {strides = array<i32>} : memref<40x144xf32, #tpu.memory_space<vmem>>, vector<1x16xf32>,
      %parallel_loop3A_250 = vector.extract_strided_slice %parallel_loop3A_218 {offsets = [2], sizes = [1], strides = [1]} : vector<16xf32> to vector<1xf32>
      %parallel_loop3A_251 = vector.extract %parallel_loop3A_250[0] : f32 from vector<1xf32>
      %parallel_loop3A_252 = arith.index_cast %parallel_loop3A_204 : i32 to index
      %parallel_loop3A_253 = arith.constant 32 : index
      %parallel_loop3A_254 = tpu.vector_load %arg10[%parallel_loop3A_252, %parallel_loop3A_253] {strides = array<i32>} : memref<40x144xf32, #tpu.memory_space<vmem>>, vector<1x16xf32>,
      %parallel_loop3A_255 = vector.shape_cast %parallel_loop3A_254 : vector<1x16xf32> to vector<16xf32>
      %parallel_loop3A_256 = vector.broadcast %parallel_loop3A_251 : f32 to vector<16xf32>
      %parallel_loop3A_257 = arith.mulf %parallel_loop3A_255, %parallel_loop3A_256 : vector<16xf32>
      %parallel_loop3A_258 = arith.index_cast %parallel_loop3A_204 : i32 to index
      %parallel_loop3A_259 = arith.constant 32 : index
      %parallel_loop3A_260 = tpu.vector_load %arg10[%parallel_loop3A_258, %parallel_loop3A_259] {strides = array<i32>} : memref<40x144xf32, #tpu.memory_space<vmem>>, vector<1x16xf32>,
      %parallel_loop3A_261 = vector.shape_cast %parallel_loop3A_260 : vector<1x16xf32> to vector<16xf32>
      %parallel_loop3A_262 = vector.shape_cast %parallel_loop3A_257 : vector<16xf32> to vector<1x16xf32>
      tpu.vector_store %arg10[%parallel_loop3A_258, %parallel_loop3A_259], %parallel_loop3A_262 {strides = array<i32>} : memref<40x144xf32, #tpu.memory_space<vmem>>, vector<1x16xf32>,
      %parallel_loop3A_263 = vector.extract_strided_slice %parallel_loop3A_218 {offsets = [3], sizes = [1], strides = [1]} : vector<16xf32> to vector<1xf32>
      %parallel_loop3A_264 = vector.extract %parallel_loop3A_263[0] : f32 from vector<1xf32>
      %parallel_loop3A_265 = arith.index_cast %parallel_loop3A_204 : i32 to index
      %parallel_loop3A_266 = arith.constant 48 : index
      %parallel_loop3A_267 = tpu.vector_load %arg10[%parallel_loop3A_265, %parallel_loop3A_266] {strides = array<i32>} : memref<40x144xf32, #tpu.memory_space<vmem>>, vector<1x16xf32>,
      %parallel_loop3A_268 = vector.shape_cast %parallel_loop3A_267 : vector<1x16xf32> to vector<16xf32>
      %parallel_loop3A_269 = vector.broadcast %parallel_loop3A_264 : f32 to vector<16xf32>
      %parallel_loop3A_270 = arith.mulf %parallel_loop3A_268, %parallel_loop3A_269 : vector<16xf32>
      %parallel_loop3A_271 = arith.index_cast %parallel_loop3A_204 : i32 to index
      %parallel_loop3A_272 = arith.constant 48 : index
      %parallel_loop3A_273 = tpu.vector_load %arg10[%parallel_loop3A_271, %parallel_loop3A_272] {strides = array<i32>} : memref<40x144xf32, #tpu.memory_space<vmem>>, vector<1x16xf32>,
      %parallel_loop3A_274 = vector.shape_cast %parallel_loop3A_273 : vector<1x16xf32> to vector<16xf32>
      %parallel_loop3A_275 = vector.shape_cast %parallel_loop3A_270 : vector<16xf32> to vector<1x16xf32>
      tpu.vector_store %arg10[%parallel_loop3A_271, %parallel_loop3A_272], %parallel_loop3A_275 {strides = array<i32>} : memref<40x144xf32, #tpu.memory_space<vmem>>, vector<1x16xf32>,
      %parallel_loop3A_276 = vector.extract_strided_slice %parallel_loop3A_218 {offsets = [4], sizes = [1], strides = [1]} : vector<16xf32> to vector<1xf32>
      %parallel_loop3A_277 = vector.extract %parallel_loop3A_276[0] : f32 from vector<1xf32>
      %parallel_loop3A_278 = arith.index_cast %parallel_loop3A_204 : i32 to index
      %parallel_loop3A_279 = arith.constant 64 : index
      %parallel_loop3A_280 = tpu.vector_load %arg10[%parallel_loop3A_278, %parallel_loop3A_279] {strides = array<i32>} : memref<40x144xf32, #tpu.memory_space<vmem>>, vector<1x16xf32>,
      %parallel_loop3A_281 = vector.shape_cast %parallel_loop3A_280 : vector<1x16xf32> to vector<16xf32>
      %parallel_loop3A_282 = vector.broadcast %parallel_loop3A_277 : f32 to vector<16xf32>
      %parallel_loop3A_283 = arith.mulf %parallel_loop3A_281, %parallel_loop3A_282 : vector<16xf32>
      %parallel_loop3A_284 = arith.index_cast %parallel_loop3A_204 : i32 to index
      %parallel_loop3A_285 = arith.constant 64 : index
      %parallel_loop3A_286 = tpu.vector_load %arg10[%parallel_loop3A_284, %parallel_loop3A_285] {strides = array<i32>} : memref<40x144xf32, #tpu.memory_space<vmem>>, vector<1x16xf32>,
      %parallel_loop3A_287 = vector.shape_cast %parallel_loop3A_286 : vector<1x16xf32> to vector<16xf32>
      %parallel_loop3A_288 = vector.shape_cast %parallel_loop3A_283 : vector<16xf32> to vector<1x16xf32>
      tpu.vector_store %arg10[%parallel_loop3A_284, %parallel_loop3A_285], %parallel_loop3A_288 {strides = array<i32>} : memref<40x144xf32, #tpu.memory_space<vmem>>, vector<1x16xf32>,
      %parallel_loop3A_289 = vector.extract_strided_slice %parallel_loop3A_218 {offsets = [5], sizes = [1], strides = [1]} : vector<16xf32> to vector<1xf32>
      %parallel_loop3A_290 = vector.extract %parallel_loop3A_289[0] : f32 from vector<1xf32>
      %parallel_loop3A_291 = arith.index_cast %parallel_loop3A_204 : i32 to index
      %parallel_loop3A_292 = arith.constant 80 : index
      %parallel_loop3A_293 = tpu.vector_load %arg10[%parallel_loop3A_291, %parallel_loop3A_292] {strides = array<i32>} : memref<40x144xf32, #tpu.memory_space<vmem>>, vector<1x16xf32>,
      %parallel_loop3A_294 = vector.shape_cast %parallel_loop3A_293 : vector<1x16xf32> to vector<16xf32>
      %parallel_loop3A_295 = vector.broadcast %parallel_loop3A_290 : f32 to vector<16xf32>
      %parallel_loop3A_296 = arith.mulf %parallel_loop3A_294, %parallel_loop3A_295 : vector<16xf32>
      %parallel_loop3A_297 = arith.index_cast %parallel_loop3A_204 : i32 to index
      %parallel_loop3A_298 = arith.constant 80 : index
      %parallel_loop3A_299 = tpu.vector_load %arg10[%parallel_loop3A_297, %parallel_loop3A_298] {strides = array<i32>} : memref<40x144xf32, #tpu.memory_space<vmem>>, vector<1x16xf32>,
      %parallel_loop3A_300 = vector.shape_cast %parallel_loop3A_299 : vector<1x16xf32> to vector<16xf32>
      %parallel_loop3A_301 = vector.shape_cast %parallel_loop3A_296 : vector<16xf32> to vector<1x16xf32>
      tpu.vector_store %arg10[%parallel_loop3A_297, %parallel_loop3A_298], %parallel_loop3A_301 {strides = array<i32>} : memref<40x144xf32, #tpu.memory_space<vmem>>, vector<1x16xf32>,
      %parallel_loop3A_302 = vector.extract_strided_slice %parallel_loop3A_218 {offsets = [6], sizes = [1], strides = [1]} : vector<16xf32> to vector<1xf32>
      %parallel_loop3A_303 = vector.extract %parallel_loop3A_302[0] : f32 from vector<1xf32>
      %parallel_loop3A_304 = arith.index_cast %parallel_loop3A_204 : i32 to index
      %parallel_loop3A_305 = arith.constant 96 : index
      %parallel_loop3A_306 = tpu.vector_load %arg10[%parallel_loop3A_304, %parallel_loop3A_305] {strides = array<i32>} : memref<40x144xf32, #tpu.memory_space<vmem>>, vector<1x16xf32>,
      %parallel_loop3A_307 = vector.shape_cast %parallel_loop3A_306 : vector<1x16xf32> to vector<16xf32>
      %parallel_loop3A_308 = vector.broadcast %parallel_loop3A_303 : f32 to vector<16xf32>
      %parallel_loop3A_309 = arith.mulf %parallel_loop3A_307, %parallel_loop3A_308 : vector<16xf32>
      %parallel_loop3A_310 = arith.index_cast %parallel_loop3A_204 : i32 to index
      %parallel_loop3A_311 = arith.constant 96 : index
      %parallel_loop3A_312 = tpu.vector_load %arg10[%parallel_loop3A_310, %parallel_loop3A_311] {strides = array<i32>} : memref<40x144xf32, #tpu.memory_space<vmem>>, vector<1x16xf32>,
      %parallel_loop3A_313 = vector.shape_cast %parallel_loop3A_312 : vector<1x16xf32> to vector<16xf32>
      %parallel_loop3A_314 = vector.shape_cast %parallel_loop3A_309 : vector<16xf32> to vector<1x16xf32>
      tpu.vector_store %arg10[%parallel_loop3A_310, %parallel_loop3A_311], %parallel_loop3A_314 {strides = array<i32>} : memref<40x144xf32, #tpu.memory_space<vmem>>, vector<1x16xf32>,
      %parallel_loop3A_315 = vector.extract_strided_slice %parallel_loop3A_218 {offsets = [7], sizes = [1], strides = [1]} : vector<16xf32> to vector<1xf32>
      %parallel_loop3A_316 = vector.extract %parallel_loop3A_315[0] : f32 from vector<1xf32>
      %parallel_loop3A_317 = arith.index_cast %parallel_loop3A_204 : i32 to index
      %parallel_loop3A_318 = arith.constant 112 : index
      %parallel_loop3A_319 = tpu.vector_load %arg10[%parallel_loop3A_317, %parallel_loop3A_318] {strides = array<i32>} : memref<40x144xf32, #tpu.memory_space<vmem>>, vector<1x16xf32>,
      %parallel_loop3A_320 = vector.shape_cast %parallel_loop3A_319 : vector<1x16xf32> to vector<16xf32>
      %parallel_loop3A_321 = vector.broadcast %parallel_loop3A_316 : f32 to vector<16xf32>
      %parallel_loop3A_322 = arith.mulf %parallel_loop3A_320, %parallel_loop3A_321 : vector<16xf32>
      %parallel_loop3A_323 = arith.index_cast %parallel_loop3A_204 : i32 to index
      %parallel_loop3A_324 = arith.constant 112 : index
      %parallel_loop3A_325 = tpu.vector_load %arg10[%parallel_loop3A_323, %parallel_loop3A_324] {strides = array<i32>} : memref<40x144xf32, #tpu.memory_space<vmem>>, vector<1x16xf32>,
      %parallel_loop3A_326 = vector.shape_cast %parallel_loop3A_325 : vector<1x16xf32> to vector<16xf32>
      %parallel_loop3A_327 = vector.shape_cast %parallel_loop3A_322 : vector<16xf32> to vector<1x16xf32>
      tpu.vector_store %arg10[%parallel_loop3A_323, %parallel_loop3A_324], %parallel_loop3A_327 {strides = array<i32>} : memref<40x144xf32, #tpu.memory_space<vmem>>, vector<1x16xf32>,
    } {sc.loop_unroll_factor = 2 : i64, sc.parallel_access}
    %dma_start3A_77 = arith.constant 246 : i32
    %dma_start3A_78 = arith.constant 0 : i32
    %dma_start3A_79 = tpu.memref_slice %arg9[%dma_start3A_77, %dma_start3A_78] : memref<250x40xi32, #tpu.memory_space<vmem>> -> memref<1x40xi32, #tpu.memory_space<vmem>>
    %dma_start3A_80 = tpu.memref_squeeze %dma_start3A_79 : memref<1x40xi32, #tpu.memory_space<vmem>> -> memref<40xi32, #tpu.memory_space<vmem>>
    %dma_start3A_81 = arith.constant 0 : i32
    %dma_start3A_82 = arith.constant 0 : i32
    %dma_start3A_83 = tpu.memref_slice %arg16[%dma_start3A_81, %dma_start3A_82] : memref<10000x144xf32, #tpu.memory_space<vmem_shared>> -> memref<10000x144xf32, #tpu.memory_space<vmem_shared>>
    tpu.enqueue_indirect_dma source(%arg10 : memref<40x144xf32, #tpu.memory_space<vmem>>) target(%dma_start3A_83 : memref<10000x144xf32, #tpu.memory_space<vmem_shared>>) offsets(%dma_start3A_80 : memref<40xi32, #tpu.memory_space<vmem>>) semaphore(%arg20 : memref<!tpu.dma_semaphore, #tpu.memory_space<semaphore_mem>>) {add = true}
    %dma_wait3A_84 = arith.constant 0 : i32
    %dma_wait3A_85 = arith.constant 0 : i32
    %dma_wait3A_86 = tpu.memref_slice %arg8[%dma_wait3A_84, %dma_wait3A_85] : memref<250x40xi32, #tpu.memory_space<vmem>> -> memref<1x40xi32, #tpu.memory_space<vmem>>
    %dma_wait3A_87 = tpu.memref_squeeze %dma_wait3A_86 : memref<1x40xi32, #tpu.memory_space<vmem>> -> memref<40xi32, #tpu.memory_space<vmem>>
    %dma_wait3A_88 = arith.constant 0 : i32
    %dma_wait3A_89 = arith.constant 0 : i32
    %dma_wait3A_90 = tpu.memref_slice %arg2[%dma_wait3A_88, %dma_wait3A_89] : memref<10000x144xf32, #tpu.memory_space<hbm>> -> memref<10000x144xf32, #tpu.memory_space<hbm>>
    tpu.wait_indirect_dma semaphore(%arg18 : memref<!tpu.dma_semaphore, #tpu.memory_space<semaphore_mem>>) src(%dma_wait3A_90 : memref<10000x144xf32, #tpu.memory_space<hbm>>) dst(%arg11 : memref<40x144xf32, #tpu.memory_space<vmem>>)
    %dma_wait3A_91 = arith.constant 0 : i32
    %dma_wait3A_92 = arith.constant 0 : i32
    %dma_wait3A_93 = tpu.memref_slice %arg9[%dma_wait3A_91, %dma_wait3A_92] : memref<250x40xi32, #tpu.memory_space<vmem>> -> memref<1x40xi32, #tpu.memory_space<vmem>>
    %dma_wait3A_94 = tpu.memref_squeeze %dma_wait3A_93 : memref<1x40xi32, #tpu.memory_space<vmem>> -> memref<40xi32, #tpu.memory_space<vmem>>
    %dma_wait3A_95 = arith.constant 0 : i32
    %dma_wait3A_96 = arith.constant 0 : i32
    %dma_wait3A_97 = tpu.memref_slice %arg3[%dma_wait3A_95, %dma_wait3A_96] : memref<10000x16xf32, #tpu.memory_space<hbm>> -> memref<10000x16xf32, #tpu.memory_space<hbm>>
    tpu.wait_indirect_dma semaphore(%arg18 : memref<!tpu.dma_semaphore, #tpu.memory_space<semaphore_mem>>) src(%dma_wait3A_97 : memref<10000x16xf32, #tpu.memory_space<hbm>>) dst(%arg14 : memref<40x16xf32, #tpu.memory_space<vmem>>)
    %dma_wait3A_98 = arith.constant 0 : i32
    %dma_wait3A_99 = arith.constant 0 : i32
    %dma_wait3A_100 = tpu.memref_slice %arg9[%dma_wait3A_98, %dma_wait3A_99] : memref<250x40xi32, #tpu.memory_space<vmem>> -> memref<1x40xi32, #tpu.memory_space<vmem>>
    %dma_wait3A_101 = tpu.memref_squeeze %dma_wait3A_100 : memref<1x40xi32, #tpu.memory_space<vmem>> -> memref<40xi32, #tpu.memory_space<vmem>>
    %dma_wait3A_102 = arith.constant 0 : i32
    %dma_wait3A_103 = arith.constant 0 : i32
    %dma_wait3A_104 = tpu.memref_slice %arg16[%dma_wait3A_102, %dma_wait3A_103] : memref<10000x144xf32, #tpu.memory_space<vmem_shared>> -> memref<10000x144xf32, #tpu.memory_space<vmem_shared>>
    tpu.wait_indirect_dma semaphore(%arg20 : memref<!tpu.dma_semaphore, #tpu.memory_space<semaphore_mem>>) src(%arg10 : memref<40x144xf32, #tpu.memory_space<vmem>>) dst(%dma_wait3A_104 : memref<10000x144xf32, #tpu.memory_space<vmem_shared>>)
    %dma_start3A_105 = arith.constant 249 : i32
    %dma_start3A_106 = arith.constant 0 : i32
    %dma_start3A_107 = tpu.memref_slice %arg8[%dma_start3A_105, %dma_start3A_106] : memref<250x40xi32, #tpu.memory_space<vmem>> -> memref<1x40xi32, #tpu.memory_space<vmem>>
    %dma_start3A_108 = tpu.memref_squeeze %dma_start3A_107 : memref<1x40xi32, #tpu.memory_space<vmem>> -> memref<40xi32, #tpu.memory_space<vmem>>
    %dma_start3A_109 = arith.constant 0 : i32
    %dma_start3A_110 = arith.constant 0 : i32
    %dma_start3A_111 = tpu.memref_slice %arg2[%dma_start3A_109, %dma_start3A_110] : memref<10000x144xf32, #tpu.memory_space<hbm>> -> memref<10000x144xf32, #tpu.memory_space<hbm>>
    tpu.enqueue_indirect_dma source(%dma_start3A_111 : memref<10000x144xf32, #tpu.memory_space<hbm>>) target(%arg10 : memref<40x144xf32, #tpu.memory_space<vmem>>) offsets(%dma_start3A_108 : memref<40xi32, #tpu.memory_space<vmem>>) semaphore(%arg17 : memref<!tpu.dma_semaphore, #tpu.memory_space<semaphore_mem>>)
    %dma_start3A_112 = arith.constant 249 : i32
    %dma_start3A_113 = arith.constant 0 : i32
    %dma_start3A_114 = tpu.memref_slice %arg9[%dma_start3A_112, %dma_start3A_113] : memref<250x40xi32, #tpu.memory_space<vmem>> -> memref<1x40xi32, #tpu.memory_space<vmem>>
    %dma_start3A_115 = tpu.memref_squeeze %dma_start3A_114 : memref<1x40xi32, #tpu.memory_space<vmem>> -> memref<40xi32, #tpu.memory_space<vmem>>
    %dma_start3A_116 = arith.constant 0 : i32
    %dma_start3A_117 = arith.constant 0 : i32
    %dma_start3A_118 = tpu.memref_slice %arg3[%dma_start3A_116, %dma_start3A_117] : memref<10000x16xf32, #tpu.memory_space<hbm>> -> memref<10000x16xf32, #tpu.memory_space<hbm>>
    tpu.enqueue_indirect_dma source(%dma_start3A_118 : memref<10000x16xf32, #tpu.memory_space<hbm>>) target(%arg13 : memref<40x16xf32, #tpu.memory_space<vmem>>) offsets(%dma_start3A_115 : memref<40xi32, #tpu.memory_space<vmem>>) semaphore(%arg17 : memref<!tpu.dma_semaphore, #tpu.memory_space<semaphore_mem>>)
    %parallel_loop3A_119 = arith.constant 0 : i32
    %parallel_loop3A_120 = arith.constant 40 : i32
    %parallel_loop3A_121 = arith.constant 1 : i32
    scf.for %parallel_loop3A_204 = %parallel_loop3A_119 to %parallel_loop3A_120 step %parallel_loop3A_121  : i32 {
      %parallel_loop3A_205 = arith.index_cast %parallel_loop3A_204 : i32 to index
      %parallel_loop3A_206 = arith.constant 128 : index
      %parallel_loop3A_207 = tpu.vector_load %arg11[%parallel_loop3A_205, %parallel_loop3A_206] {strides = array<i32>} : memref<40x144xf32, #tpu.memory_space<vmem>>, vector<1x16xf32>,
      %parallel_loop3A_208 = vector.shape_cast %parallel_loop3A_207 : vector<1x16xf32> to vector<16xf32>
      %parallel_loop3A_209 = arith.index_cast %parallel_loop3A_204 : i32 to index
      %parallel_loop3A_210 = arith.constant 0 : index
      %parallel_loop3A_211 = tpu.vector_load %arg14[%parallel_loop3A_209, %parallel_loop3A_210] {strides = array<i32>} : memref<40x16xf32, #tpu.memory_space<vmem>>, vector<1x16xf32>,
      %parallel_loop3A_212 = vector.shape_cast %parallel_loop3A_211 : vector<1x16xf32> to vector<16xf32>
      %parallel_loop3A_213 = arith.addf %parallel_loop3A_208, %parallel_loop3A_212 : vector<16xf32>
      %parallel_loop3A_214 = arith.constant 2.000000e-01 : f32
      %parallel_loop3A_215 = vector.broadcast %parallel_loop3A_214 : f32 to vector<16xf32>
      %parallel_loop3A_216 = arith.mulf %parallel_loop3A_213, %parallel_loop3A_215 : vector<16xf32>
      %parallel_loop3A_217 = arith.maximumf %parallel_loop3A_213, %parallel_loop3A_216 : vector<16xf32>
      %parallel_loop3A_218 = math.exp %parallel_loop3A_217 : vector<16xf32>
      %parallel_loop3A_219 = arith.index_cast %parallel_loop3A_204 : i32 to index
      %parallel_loop3A_220 = arith.constant 128 : index
      %parallel_loop3A_221 = tpu.vector_load %arg11[%parallel_loop3A_219, %parallel_loop3A_220] {strides = array<i32>} : memref<40x144xf32, #tpu.memory_space<vmem>>, vector<1x16xf32>,
      %parallel_loop3A_222 = vector.shape_cast %parallel_loop3A_221 : vector<1x16xf32> to vector<16xf32>
      %parallel_loop3A_223 = vector.shape_cast %parallel_loop3A_218 : vector<16xf32> to vector<1x16xf32>
      tpu.vector_store %arg11[%parallel_loop3A_219, %parallel_loop3A_220], %parallel_loop3A_223 {strides = array<i32>} : memref<40x144xf32, #tpu.memory_space<vmem>>, vector<1x16xf32>,
      %parallel_loop3A_224 = vector.extract_strided_slice %parallel_loop3A_218 {offsets = [0], sizes = [1], strides = [1]} : vector<16xf32> to vector<1xf32>
      %parallel_loop3A_225 = vector.extract %parallel_loop3A_224[0] : f32 from vector<1xf32>
      %parallel_loop3A_226 = arith.index_cast %parallel_loop3A_204 : i32 to index
      %parallel_loop3A_227 = arith.constant 0 : index
      %parallel_loop3A_228 = tpu.vector_load %arg11[%parallel_loop3A_226, %parallel_loop3A_227] {strides = array<i32>} : memref<40x144xf32, #tpu.memory_space<vmem>>, vector<1x16xf32>,
      %parallel_loop3A_229 = vector.shape_cast %parallel_loop3A_228 : vector<1x16xf32> to vector<16xf32>
      %parallel_loop3A_230 = vector.broadcast %parallel_loop3A_225 : f32 to vector<16xf32>
      %parallel_loop3A_231 = arith.mulf %parallel_loop3A_229, %parallel_loop3A_230 : vector<16xf32>
      %parallel_loop3A_232 = arith.index_cast %parallel_loop3A_204 : i32 to index
      %parallel_loop3A_233 = arith.constant 0 : index
      %parallel_loop3A_234 = tpu.vector_load %arg11[%parallel_loop3A_232, %parallel_loop3A_233] {strides = array<i32>} : memref<40x144xf32, #tpu.memory_space<vmem>>, vector<1x16xf32>,
      %parallel_loop3A_235 = vector.shape_cast %parallel_loop3A_234 : vector<1x16xf32> to vector<16xf32>
      %parallel_loop3A_236 = vector.shape_cast %parallel_loop3A_231 : vector<16xf32> to vector<1x16xf32>
      tpu.vector_store %arg11[%parallel_loop3A_232, %parallel_loop3A_233], %parallel_loop3A_236 {strides = array<i32>} : memref<40x144xf32, #tpu.memory_space<vmem>>, vector<1x16xf32>,
      %parallel_loop3A_237 = vector.extract_strided_slice %parallel_loop3A_218 {offsets = [1], sizes = [1], strides = [1]} : vector<16xf32> to vector<1xf32>
      %parallel_loop3A_238 = vector.extract %parallel_loop3A_237[0] : f32 from vector<1xf32>
      %parallel_loop3A_239 = arith.index_cast %parallel_loop3A_204 : i32 to index
      %parallel_loop3A_240 = arith.constant 16 : index
      %parallel_loop3A_241 = tpu.vector_load %arg11[%parallel_loop3A_239, %parallel_loop3A_240] {strides = array<i32>} : memref<40x144xf32, #tpu.memory_space<vmem>>, vector<1x16xf32>,
      %parallel_loop3A_242 = vector.shape_cast %parallel_loop3A_241 : vector<1x16xf32> to vector<16xf32>
      %parallel_loop3A_243 = vector.broadcast %parallel_loop3A_238 : f32 to vector<16xf32>
      %parallel_loop3A_244 = arith.mulf %parallel_loop3A_242, %parallel_loop3A_243 : vector<16xf32>
      %parallel_loop3A_245 = arith.index_cast %parallel_loop3A_204 : i32 to index
      %parallel_loop3A_246 = arith.constant 16 : index
      %parallel_loop3A_247 = tpu.vector_load %arg11[%parallel_loop3A_245, %parallel_loop3A_246] {strides = array<i32>} : memref<40x144xf32, #tpu.memory_space<vmem>>, vector<1x16xf32>,
      %parallel_loop3A_248 = vector.shape_cast %parallel_loop3A_247 : vector<1x16xf32> to vector<16xf32>
      %parallel_loop3A_249 = vector.shape_cast %parallel_loop3A_244 : vector<16xf32> to vector<1x16xf32>
      tpu.vector_store %arg11[%parallel_loop3A_245, %parallel_loop3A_246], %parallel_loop3A_249 {strides = array<i32>} : memref<40x144xf32, #tpu.memory_space<vmem>>, vector<1x16xf32>,
      %parallel_loop3A_250 = vector.extract_strided_slice %parallel_loop3A_218 {offsets = [2], sizes = [1], strides = [1]} : vector<16xf32> to vector<1xf32>
      %parallel_loop3A_251 = vector.extract %parallel_loop3A_250[0] : f32 from vector<1xf32>
      %parallel_loop3A_252 = arith.index_cast %parallel_loop3A_204 : i32 to index
      %parallel_loop3A_253 = arith.constant 32 : index
      %parallel_loop3A_254 = tpu.vector_load %arg11[%parallel_loop3A_252, %parallel_loop3A_253] {strides = array<i32>} : memref<40x144xf32, #tpu.memory_space<vmem>>, vector<1x16xf32>,
      %parallel_loop3A_255 = vector.shape_cast %parallel_loop3A_254 : vector<1x16xf32> to vector<16xf32>
      %parallel_loop3A_256 = vector.broadcast %parallel_loop3A_251 : f32 to vector<16xf32>
      %parallel_loop3A_257 = arith.mulf %parallel_loop3A_255, %parallel_loop3A_256 : vector<16xf32>
      %parallel_loop3A_258 = arith.index_cast %parallel_loop3A_204 : i32 to index
      %parallel_loop3A_259 = arith.constant 32 : index
      %parallel_loop3A_260 = tpu.vector_load %arg11[%parallel_loop3A_258, %parallel_loop3A_259] {strides = array<i32>} : memref<40x144xf32, #tpu.memory_space<vmem>>, vector<1x16xf32>,
      %parallel_loop3A_261 = vector.shape_cast %parallel_loop3A_260 : vector<1x16xf32> to vector<16xf32>
      %parallel_loop3A_262 = vector.shape_cast %parallel_loop3A_257 : vector<16xf32> to vector<1x16xf32>
      tpu.vector_store %arg11[%parallel_loop3A_258, %parallel_loop3A_259], %parallel_loop3A_262 {strides = array<i32>} : memref<40x144xf32, #tpu.memory_space<vmem>>, vector<1x16xf32>,
      %parallel_loop3A_263 = vector.extract_strided_slice %parallel_loop3A_218 {offsets = [3], sizes = [1], strides = [1]} : vector<16xf32> to vector<1xf32>
      %parallel_loop3A_264 = vector.extract %parallel_loop3A_263[0] : f32 from vector<1xf32>
      %parallel_loop3A_265 = arith.index_cast %parallel_loop3A_204 : i32 to index
      %parallel_loop3A_266 = arith.constant 48 : index
      %parallel_loop3A_267 = tpu.vector_load %arg11[%parallel_loop3A_265, %parallel_loop3A_266] {strides = array<i32>} : memref<40x144xf32, #tpu.memory_space<vmem>>, vector<1x16xf32>,
      %parallel_loop3A_268 = vector.shape_cast %parallel_loop3A_267 : vector<1x16xf32> to vector<16xf32>
      %parallel_loop3A_269 = vector.broadcast %parallel_loop3A_264 : f32 to vector<16xf32>
      %parallel_loop3A_270 = arith.mulf %parallel_loop3A_268, %parallel_loop3A_269 : vector<16xf32>
      %parallel_loop3A_271 = arith.index_cast %parallel_loop3A_204 : i32 to index
      %parallel_loop3A_272 = arith.constant 48 : index
      %parallel_loop3A_273 = tpu.vector_load %arg11[%parallel_loop3A_271, %parallel_loop3A_272] {strides = array<i32>} : memref<40x144xf32, #tpu.memory_space<vmem>>, vector<1x16xf32>,
      %parallel_loop3A_274 = vector.shape_cast %parallel_loop3A_273 : vector<1x16xf32> to vector<16xf32>
      %parallel_loop3A_275 = vector.shape_cast %parallel_loop3A_270 : vector<16xf32> to vector<1x16xf32>
      tpu.vector_store %arg11[%parallel_loop3A_271, %parallel_loop3A_272], %parallel_loop3A_275 {strides = array<i32>} : memref<40x144xf32, #tpu.memory_space<vmem>>, vector<1x16xf32>,
      %parallel_loop3A_276 = vector.extract_strided_slice %parallel_loop3A_218 {offsets = [4], sizes = [1], strides = [1]} : vector<16xf32> to vector<1xf32>
      %parallel_loop3A_277 = vector.extract %parallel_loop3A_276[0] : f32 from vector<1xf32>
      %parallel_loop3A_278 = arith.index_cast %parallel_loop3A_204 : i32 to index
      %parallel_loop3A_279 = arith.constant 64 : index
      %parallel_loop3A_280 = tpu.vector_load %arg11[%parallel_loop3A_278, %parallel_loop3A_279] {strides = array<i32>} : memref<40x144xf32, #tpu.memory_space<vmem>>, vector<1x16xf32>,
      %parallel_loop3A_281 = vector.shape_cast %parallel_loop3A_280 : vector<1x16xf32> to vector<16xf32>
      %parallel_loop3A_282 = vector.broadcast %parallel_loop3A_277 : f32 to vector<16xf32>
      %parallel_loop3A_283 = arith.mulf %parallel_loop3A_281, %parallel_loop3A_282 : vector<16xf32>
      %parallel_loop3A_284 = arith.index_cast %parallel_loop3A_204 : i32 to index
      %parallel_loop3A_285 = arith.constant 64 : index
      %parallel_loop3A_286 = tpu.vector_load %arg11[%parallel_loop3A_284, %parallel_loop3A_285] {strides = array<i32>} : memref<40x144xf32, #tpu.memory_space<vmem>>, vector<1x16xf32>,
      %parallel_loop3A_287 = vector.shape_cast %parallel_loop3A_286 : vector<1x16xf32> to vector<16xf32>
      %parallel_loop3A_288 = vector.shape_cast %parallel_loop3A_283 : vector<16xf32> to vector<1x16xf32>
      tpu.vector_store %arg11[%parallel_loop3A_284, %parallel_loop3A_285], %parallel_loop3A_288 {strides = array<i32>} : memref<40x144xf32, #tpu.memory_space<vmem>>, vector<1x16xf32>,
      %parallel_loop3A_289 = vector.extract_strided_slice %parallel_loop3A_218 {offsets = [5], sizes = [1], strides = [1]} : vector<16xf32> to vector<1xf32>
      %parallel_loop3A_290 = vector.extract %parallel_loop3A_289[0] : f32 from vector<1xf32>
      %parallel_loop3A_291 = arith.index_cast %parallel_loop3A_204 : i32 to index
      %parallel_loop3A_292 = arith.constant 80 : index
      %parallel_loop3A_293 = tpu.vector_load %arg11[%parallel_loop3A_291, %parallel_loop3A_292] {strides = array<i32>} : memref<40x144xf32, #tpu.memory_space<vmem>>, vector<1x16xf32>,
      %parallel_loop3A_294 = vector.shape_cast %parallel_loop3A_293 : vector<1x16xf32> to vector<16xf32>
      %parallel_loop3A_295 = vector.broadcast %parallel_loop3A_290 : f32 to vector<16xf32>
      %parallel_loop3A_296 = arith.mulf %parallel_loop3A_294, %parallel_loop3A_295 : vector<16xf32>
      %parallel_loop3A_297 = arith.index_cast %parallel_loop3A_204 : i32 to index
      %parallel_loop3A_298 = arith.constant 80 : index
      %parallel_loop3A_299 = tpu.vector_load %arg11[%parallel_loop3A_297, %parallel_loop3A_298] {strides = array<i32>} : memref<40x144xf32, #tpu.memory_space<vmem>>, vector<1x16xf32>,
      %parallel_loop3A_300 = vector.shape_cast %parallel_loop3A_299 : vector<1x16xf32> to vector<16xf32>
      %parallel_loop3A_301 = vector.shape_cast %parallel_loop3A_296 : vector<16xf32> to vector<1x16xf32>
      tpu.vector_store %arg11[%parallel_loop3A_297, %parallel_loop3A_298], %parallel_loop3A_301 {strides = array<i32>} : memref<40x144xf32, #tpu.memory_space<vmem>>, vector<1x16xf32>,
      %parallel_loop3A_302 = vector.extract_strided_slice %parallel_loop3A_218 {offsets = [6], sizes = [1], strides = [1]} : vector<16xf32> to vector<1xf32>
      %parallel_loop3A_303 = vector.extract %parallel_loop3A_302[0] : f32 from vector<1xf32>
      %parallel_loop3A_304 = arith.index_cast %parallel_loop3A_204 : i32 to index
      %parallel_loop3A_305 = arith.constant 96 : index
      %parallel_loop3A_306 = tpu.vector_load %arg11[%parallel_loop3A_304, %parallel_loop3A_305] {strides = array<i32>} : memref<40x144xf32, #tpu.memory_space<vmem>>, vector<1x16xf32>,
      %parallel_loop3A_307 = vector.shape_cast %parallel_loop3A_306 : vector<1x16xf32> to vector<16xf32>
      %parallel_loop3A_308 = vector.broadcast %parallel_loop3A_303 : f32 to vector<16xf32>
      %parallel_loop3A_309 = arith.mulf %parallel_loop3A_307, %parallel_loop3A_308 : vector<16xf32>
      %parallel_loop3A_310 = arith.index_cast %parallel_loop3A_204 : i32 to index
      %parallel_loop3A_311 = arith.constant 96 : index
      %parallel_loop3A_312 = tpu.vector_load %arg11[%parallel_loop3A_310, %parallel_loop3A_311] {strides = array<i32>} : memref<40x144xf32, #tpu.memory_space<vmem>>, vector<1x16xf32>,
      %parallel_loop3A_313 = vector.shape_cast %parallel_loop3A_312 : vector<1x16xf32> to vector<16xf32>
      %parallel_loop3A_314 = vector.shape_cast %parallel_loop3A_309 : vector<16xf32> to vector<1x16xf32>
      tpu.vector_store %arg11[%parallel_loop3A_310, %parallel_loop3A_311], %parallel_loop3A_314 {strides = array<i32>} : memref<40x144xf32, #tpu.memory_space<vmem>>, vector<1x16xf32>,
      %parallel_loop3A_315 = vector.extract_strided_slice %parallel_loop3A_218 {offsets = [7], sizes = [1], strides = [1]} : vector<16xf32> to vector<1xf32>
      %parallel_loop3A_316 = vector.extract %parallel_loop3A_315[0] : f32 from vector<1xf32>
      %parallel_loop3A_317 = arith.index_cast %parallel_loop3A_204 : i32 to index
      %parallel_loop3A_318 = arith.constant 112 : index
      %parallel_loop3A_319 = tpu.vector_load %arg11[%parallel_loop3A_317, %parallel_loop3A_318] {strides = array<i32>} : memref<40x144xf32, #tpu.memory_space<vmem>>, vector<1x16xf32>,
      %parallel_loop3A_320 = vector.shape_cast %parallel_loop3A_319 : vector<1x16xf32> to vector<16xf32>
      %parallel_loop3A_321 = vector.broadcast %parallel_loop3A_316 : f32 to vector<16xf32>
      %parallel_loop3A_322 = arith.mulf %parallel_loop3A_320, %parallel_loop3A_321 : vector<16xf32>
      %parallel_loop3A_323 = arith.index_cast %parallel_loop3A_204 : i32 to index
      %parallel_loop3A_324 = arith.constant 112 : index
      %parallel_loop3A_325 = tpu.vector_load %arg11[%parallel_loop3A_323, %parallel_loop3A_324] {strides = array<i32>} : memref<40x144xf32, #tpu.memory_space<vmem>>, vector<1x16xf32>,
      %parallel_loop3A_326 = vector.shape_cast %parallel_loop3A_325 : vector<1x16xf32> to vector<16xf32>
      %parallel_loop3A_327 = vector.shape_cast %parallel_loop3A_322 : vector<16xf32> to vector<1x16xf32>
      tpu.vector_store %arg11[%parallel_loop3A_323, %parallel_loop3A_324], %parallel_loop3A_327 {strides = array<i32>} : memref<40x144xf32, #tpu.memory_space<vmem>>, vector<1x16xf32>,
    } {sc.loop_unroll_factor = 2 : i64, sc.parallel_access}
    %dma_start3A_122 = arith.constant 247 : i32
    %dma_start3A_123 = arith.constant 0 : i32
    %dma_start3A_124 = tpu.memref_slice %arg9[%dma_start3A_122, %dma_start3A_123] : memref<250x40xi32, #tpu.memory_space<vmem>> -> memref<1x40xi32, #tpu.memory_space<vmem>>
    %dma_start3A_125 = tpu.memref_squeeze %dma_start3A_124 : memref<1x40xi32, #tpu.memory_space<vmem>> -> memref<40xi32, #tpu.memory_space<vmem>>
    %dma_start3A_126 = arith.constant 0 : i32
    %dma_start3A_127 = arith.constant 0 : i32
    %dma_start3A_128 = tpu.memref_slice %arg16[%dma_start3A_126, %dma_start3A_127] : memref<10000x144xf32, #tpu.memory_space<vmem_shared>> -> memref<10000x144xf32, #tpu.memory_space<vmem_shared>>
    tpu.enqueue_indirect_dma source(%arg11 : memref<40x144xf32, #tpu.memory_space<vmem>>) target(%dma_start3A_128 : memref<10000x144xf32, #tpu.memory_space<vmem_shared>>) offsets(%dma_start3A_125 : memref<40xi32, #tpu.memory_space<vmem>>) semaphore(%arg21 : memref<!tpu.dma_semaphore, #tpu.memory_space<semaphore_mem>>) {add = true}
    %dma_wait3A_129 = arith.constant 0 : i32
    %dma_wait3A_130 = arith.constant 0 : i32
    %dma_wait3A_131 = tpu.memref_slice %arg8[%dma_wait3A_129, %dma_wait3A_130] : memref<250x40xi32, #tpu.memory_space<vmem>> -> memref<1x40xi32, #tpu.memory_space<vmem>>
    %dma_wait3A_132 = tpu.memref_squeeze %dma_wait3A_131 : memref<1x40xi32, #tpu.memory_space<vmem>> -> memref<40xi32, #tpu.memory_space<vmem>>
    %dma_wait3A_133 = arith.constant 0 : i32
    %dma_wait3A_134 = arith.constant 0 : i32
    %dma_wait3A_135 = tpu.memref_slice %arg2[%dma_wait3A_133, %dma_wait3A_134] : memref<10000x144xf32, #tpu.memory_space<hbm>> -> memref<10000x144xf32, #tpu.memory_space<hbm>>
    tpu.wait_indirect_dma semaphore(%arg19 : memref<!tpu.dma_semaphore, #tpu.memory_space<semaphore_mem>>) src(%dma_wait3A_135 : memref<10000x144xf32, #tpu.memory_space<hbm>>) dst(%arg12 : memref<40x144xf32, #tpu.memory_space<vmem>>)
    %dma_wait3A_136 = arith.constant 0 : i32
    %dma_wait3A_137 = arith.constant 0 : i32
    %dma_wait3A_138 = tpu.memref_slice %arg9[%dma_wait3A_136, %dma_wait3A_137] : memref<250x40xi32, #tpu.memory_space<vmem>> -> memref<1x40xi32, #tpu.memory_space<vmem>>
    %dma_wait3A_139 = tpu.memref_squeeze %dma_wait3A_138 : memref<1x40xi32, #tpu.memory_space<vmem>> -> memref<40xi32, #tpu.memory_space<vmem>>
    %dma_wait3A_140 = arith.constant 0 : i32
    %dma_wait3A_141 = arith.constant 0 : i32
    %dma_wait3A_142 = tpu.memref_slice %arg3[%dma_wait3A_140, %dma_wait3A_141] : memref<10000x16xf32, #tpu.memory_space<hbm>> -> memref<10000x16xf32, #tpu.memory_space<hbm>>
    tpu.wait_indirect_dma semaphore(%arg19 : memref<!tpu.dma_semaphore, #tpu.memory_space<semaphore_mem>>) src(%dma_wait3A_142 : memref<10000x16xf32, #tpu.memory_space<hbm>>) dst(%arg15 : memref<40x16xf32, #tpu.memory_space<vmem>>)
    %dma_wait3A_143 = arith.constant 0 : i32
    %dma_wait3A_144 = arith.constant 0 : i32
    %dma_wait3A_145 = tpu.memref_slice %arg9[%dma_wait3A_143, %dma_wait3A_144] : memref<250x40xi32, #tpu.memory_space<vmem>> -> memref<1x40xi32, #tpu.memory_space<vmem>>
    %dma_wait3A_146 = tpu.memref_squeeze %dma_wait3A_145 : memref<1x40xi32, #tpu.memory_space<vmem>> -> memref<40xi32, #tpu.memory_space<vmem>>
    %dma_wait3A_147 = arith.constant 0 : i32
    %dma_wait3A_148 = arith.constant 0 : i32
    %dma_wait3A_149 = tpu.memref_slice %arg16[%dma_wait3A_147, %dma_wait3A_148] : memref<10000x144xf32, #tpu.memory_space<vmem_shared>> -> memref<10000x144xf32, #tpu.memory_space<vmem_shared>>
    tpu.wait_indirect_dma semaphore(%arg21 : memref<!tpu.dma_semaphore, #tpu.memory_space<semaphore_mem>>) src(%arg11 : memref<40x144xf32, #tpu.memory_space<vmem>>) dst(%dma_wait3A_149 : memref<10000x144xf32, #tpu.memory_space<vmem_shared>>)
    %parallel_loop3A_150 = arith.constant 0 : i32
    %parallel_loop3A_151 = arith.constant 40 : i32
    %parallel_loop3A_152 = arith.constant 1 : i32
    scf.for %parallel_loop3A_204 = %parallel_loop3A_150 to %parallel_loop3A_151 step %parallel_loop3A_152  : i32 {
      %parallel_loop3A_205 = arith.index_cast %parallel_loop3A_204 : i32 to index
      %parallel_loop3A_206 = arith.constant 128 : index
      %parallel_loop3A_207 = tpu.vector_load %arg12[%parallel_loop3A_205, %parallel_loop3A_206] {strides = array<i32>} : memref<40x144xf32, #tpu.memory_space<vmem>>, vector<1x16xf32>,
      %parallel_loop3A_208 = vector.shape_cast %parallel_loop3A_207 : vector<1x16xf32> to vector<16xf32>
      %parallel_loop3A_209 = arith.index_cast %parallel_loop3A_204 : i32 to index
      %parallel_loop3A_210 = arith.constant 0 : index
      %parallel_loop3A_211 = tpu.vector_load %arg15[%parallel_loop3A_209, %parallel_loop3A_210] {strides = array<i32>} : memref<40x16xf32, #tpu.memory_space<vmem>>, vector<1x16xf32>,
      %parallel_loop3A_212 = vector.shape_cast %parallel_loop3A_211 : vector<1x16xf32> to vector<16xf32>
      %parallel_loop3A_213 = arith.addf %parallel_loop3A_208, %parallel_loop3A_212 : vector<16xf32>
      %parallel_loop3A_214 = arith.constant 2.000000e-01 : f32
      %parallel_loop3A_215 = vector.broadcast %parallel_loop3A_214 : f32 to vector<16xf32>
      %parallel_loop3A_216 = arith.mulf %parallel_loop3A_213, %parallel_loop3A_215 : vector<16xf32>
      %parallel_loop3A_217 = arith.maximumf %parallel_loop3A_213, %parallel_loop3A_216 : vector<16xf32>
      %parallel_loop3A_218 = math.exp %parallel_loop3A_217 : vector<16xf32>
      %parallel_loop3A_219 = arith.index_cast %parallel_loop3A_204 : i32 to index
      %parallel_loop3A_220 = arith.constant 128 : index
      %parallel_loop3A_221 = tpu.vector_load %arg12[%parallel_loop3A_219, %parallel_loop3A_220] {strides = array<i32>} : memref<40x144xf32, #tpu.memory_space<vmem>>, vector<1x16xf32>,
      %parallel_loop3A_222 = vector.shape_cast %parallel_loop3A_221 : vector<1x16xf32> to vector<16xf32>
      %parallel_loop3A_223 = vector.shape_cast %parallel_loop3A_218 : vector<16xf32> to vector<1x16xf32>
      tpu.vector_store %arg12[%parallel_loop3A_219, %parallel_loop3A_220], %parallel_loop3A_223 {strides = array<i32>} : memref<40x144xf32, #tpu.memory_space<vmem>>, vector<1x16xf32>,
      %parallel_loop3A_224 = vector.extract_strided_slice %parallel_loop3A_218 {offsets = [0], sizes = [1], strides = [1]} : vector<16xf32> to vector<1xf32>
      %parallel_loop3A_225 = vector.extract %parallel_loop3A_224[0] : f32 from vector<1xf32>
      %parallel_loop3A_226 = arith.index_cast %parallel_loop3A_204 : i32 to index
      %parallel_loop3A_227 = arith.constant 0 : index
      %parallel_loop3A_228 = tpu.vector_load %arg12[%parallel_loop3A_226, %parallel_loop3A_227] {strides = array<i32>} : memref<40x144xf32, #tpu.memory_space<vmem>>, vector<1x16xf32>,
      %parallel_loop3A_229 = vector.shape_cast %parallel_loop3A_228 : vector<1x16xf32> to vector<16xf32>
      %parallel_loop3A_230 = vector.broadcast %parallel_loop3A_225 : f32 to vector<16xf32>
      %parallel_loop3A_231 = arith.mulf %parallel_loop3A_229, %parallel_loop3A_230 : vector<16xf32>
      %parallel_loop3A_232 = arith.index_cast %parallel_loop3A_204 : i32 to index
      %parallel_loop3A_233 = arith.constant 0 : index
      %parallel_loop3A_234 = tpu.vector_load %arg12[%parallel_loop3A_232, %parallel_loop3A_233] {strides = array<i32>} : memref<40x144xf32, #tpu.memory_space<vmem>>, vector<1x16xf32>,
      %parallel_loop3A_235 = vector.shape_cast %parallel_loop3A_234 : vector<1x16xf32> to vector<16xf32>
      %parallel_loop3A_236 = vector.shape_cast %parallel_loop3A_231 : vector<16xf32> to vector<1x16xf32>
      tpu.vector_store %arg12[%parallel_loop3A_232, %parallel_loop3A_233], %parallel_loop3A_236 {strides = array<i32>} : memref<40x144xf32, #tpu.memory_space<vmem>>, vector<1x16xf32>,
      %parallel_loop3A_237 = vector.extract_strided_slice %parallel_loop3A_218 {offsets = [1], sizes = [1], strides = [1]} : vector<16xf32> to vector<1xf32>
      %parallel_loop3A_238 = vector.extract %parallel_loop3A_237[0] : f32 from vector<1xf32>
      %parallel_loop3A_239 = arith.index_cast %parallel_loop3A_204 : i32 to index
      %parallel_loop3A_240 = arith.constant 16 : index
      %parallel_loop3A_241 = tpu.vector_load %arg12[%parallel_loop3A_239, %parallel_loop3A_240] {strides = array<i32>} : memref<40x144xf32, #tpu.memory_space<vmem>>, vector<1x16xf32>,
      %parallel_loop3A_242 = vector.shape_cast %parallel_loop3A_241 : vector<1x16xf32> to vector<16xf32>
      %parallel_loop3A_243 = vector.broadcast %parallel_loop3A_238 : f32 to vector<16xf32>
      %parallel_loop3A_244 = arith.mulf %parallel_loop3A_242, %parallel_loop3A_243 : vector<16xf32>
      %parallel_loop3A_245 = arith.index_cast %parallel_loop3A_204 : i32 to index
      %parallel_loop3A_246 = arith.constant 16 : index
      %parallel_loop3A_247 = tpu.vector_load %arg12[%parallel_loop3A_245, %parallel_loop3A_246] {strides = array<i32>} : memref<40x144xf32, #tpu.memory_space<vmem>>, vector<1x16xf32>,
      %parallel_loop3A_248 = vector.shape_cast %parallel_loop3A_247 : vector<1x16xf32> to vector<16xf32>
      %parallel_loop3A_249 = vector.shape_cast %parallel_loop3A_244 : vector<16xf32> to vector<1x16xf32>
      tpu.vector_store %arg12[%parallel_loop3A_245, %parallel_loop3A_246], %parallel_loop3A_249 {strides = array<i32>} : memref<40x144xf32, #tpu.memory_space<vmem>>, vector<1x16xf32>,
      %parallel_loop3A_250 = vector.extract_strided_slice %parallel_loop3A_218 {offsets = [2], sizes = [1], strides = [1]} : vector<16xf32> to vector<1xf32>
      %parallel_loop3A_251 = vector.extract %parallel_loop3A_250[0] : f32 from vector<1xf32>
      %parallel_loop3A_252 = arith.index_cast %parallel_loop3A_204 : i32 to index
      %parallel_loop3A_253 = arith.constant 32 : index
      %parallel_loop3A_254 = tpu.vector_load %arg12[%parallel_loop3A_252, %parallel_loop3A_253] {strides = array<i32>} : memref<40x144xf32, #tpu.memory_space<vmem>>, vector<1x16xf32>,
      %parallel_loop3A_255 = vector.shape_cast %parallel_loop3A_254 : vector<1x16xf32> to vector<16xf32>
      %parallel_loop3A_256 = vector.broadcast %parallel_loop3A_251 : f32 to vector<16xf32>
      %parallel_loop3A_257 = arith.mulf %parallel_loop3A_255, %parallel_loop3A_256 : vector<16xf32>
      %parallel_loop3A_258 = arith.index_cast %parallel_loop3A_204 : i32 to index
      %parallel_loop3A_259 = arith.constant 32 : index
      %parallel_loop3A_260 = tpu.vector_load %arg12[%parallel_loop3A_258, %parallel_loop3A_259] {strides = array<i32>} : memref<40x144xf32, #tpu.memory_space<vmem>>, vector<1x16xf32>,
      %parallel_loop3A_261 = vector.shape_cast %parallel_loop3A_260 : vector<1x16xf32> to vector<16xf32>
      %parallel_loop3A_262 = vector.shape_cast %parallel_loop3A_257 : vector<16xf32> to vector<1x16xf32>
      tpu.vector_store %arg12[%parallel_loop3A_258, %parallel_loop3A_259], %parallel_loop3A_262 {strides = array<i32>} : memref<40x144xf32, #tpu.memory_space<vmem>>, vector<1x16xf32>,
      %parallel_loop3A_263 = vector.extract_strided_slice %parallel_loop3A_218 {offsets = [3], sizes = [1], strides = [1]} : vector<16xf32> to vector<1xf32>
      %parallel_loop3A_264 = vector.extract %parallel_loop3A_263[0] : f32 from vector<1xf32>
      %parallel_loop3A_265 = arith.index_cast %parallel_loop3A_204 : i32 to index
      %parallel_loop3A_266 = arith.constant 48 : index
      %parallel_loop3A_267 = tpu.vector_load %arg12[%parallel_loop3A_265, %parallel_loop3A_266] {strides = array<i32>} : memref<40x144xf32, #tpu.memory_space<vmem>>, vector<1x16xf32>,
      %parallel_loop3A_268 = vector.shape_cast %parallel_loop3A_267 : vector<1x16xf32> to vector<16xf32>
      %parallel_loop3A_269 = vector.broadcast %parallel_loop3A_264 : f32 to vector<16xf32>
      %parallel_loop3A_270 = arith.mulf %parallel_loop3A_268, %parallel_loop3A_269 : vector<16xf32>
      %parallel_loop3A_271 = arith.index_cast %parallel_loop3A_204 : i32 to index
      %parallel_loop3A_272 = arith.constant 48 : index
      %parallel_loop3A_273 = tpu.vector_load %arg12[%parallel_loop3A_271, %parallel_loop3A_272] {strides = array<i32>} : memref<40x144xf32, #tpu.memory_space<vmem>>, vector<1x16xf32>,
      %parallel_loop3A_274 = vector.shape_cast %parallel_loop3A_273 : vector<1x16xf32> to vector<16xf32>
      %parallel_loop3A_275 = vector.shape_cast %parallel_loop3A_270 : vector<16xf32> to vector<1x16xf32>
      tpu.vector_store %arg12[%parallel_loop3A_271, %parallel_loop3A_272], %parallel_loop3A_275 {strides = array<i32>} : memref<40x144xf32, #tpu.memory_space<vmem>>, vector<1x16xf32>,
      %parallel_loop3A_276 = vector.extract_strided_slice %parallel_loop3A_218 {offsets = [4], sizes = [1], strides = [1]} : vector<16xf32> to vector<1xf32>
      %parallel_loop3A_277 = vector.extract %parallel_loop3A_276[0] : f32 from vector<1xf32>
      %parallel_loop3A_278 = arith.index_cast %parallel_loop3A_204 : i32 to index
      %parallel_loop3A_279 = arith.constant 64 : index
      %parallel_loop3A_280 = tpu.vector_load %arg12[%parallel_loop3A_278, %parallel_loop3A_279] {strides = array<i32>} : memref<40x144xf32, #tpu.memory_space<vmem>>, vector<1x16xf32>,
      %parallel_loop3A_281 = vector.shape_cast %parallel_loop3A_280 : vector<1x16xf32> to vector<16xf32>
      %parallel_loop3A_282 = vector.broadcast %parallel_loop3A_277 : f32 to vector<16xf32>
      %parallel_loop3A_283 = arith.mulf %parallel_loop3A_281, %parallel_loop3A_282 : vector<16xf32>
      %parallel_loop3A_284 = arith.index_cast %parallel_loop3A_204 : i32 to index
      %parallel_loop3A_285 = arith.constant 64 : index
      %parallel_loop3A_286 = tpu.vector_load %arg12[%parallel_loop3A_284, %parallel_loop3A_285] {strides = array<i32>} : memref<40x144xf32, #tpu.memory_space<vmem>>, vector<1x16xf32>,
      %parallel_loop3A_287 = vector.shape_cast %parallel_loop3A_286 : vector<1x16xf32> to vector<16xf32>
      %parallel_loop3A_288 = vector.shape_cast %parallel_loop3A_283 : vector<16xf32> to vector<1x16xf32>
      tpu.vector_store %arg12[%parallel_loop3A_284, %parallel_loop3A_285], %parallel_loop3A_288 {strides = array<i32>} : memref<40x144xf32, #tpu.memory_space<vmem>>, vector<1x16xf32>,
      %parallel_loop3A_289 = vector.extract_strided_slice %parallel_loop3A_218 {offsets = [5], sizes = [1], strides = [1]} : vector<16xf32> to vector<1xf32>
      %parallel_loop3A_290 = vector.extract %parallel_loop3A_289[0] : f32 from vector<1xf32>
      %parallel_loop3A_291 = arith.index_cast %parallel_loop3A_204 : i32 to index
      %parallel_loop3A_292 = arith.constant 80 : index
      %parallel_loop3A_293 = tpu.vector_load %arg12[%parallel_loop3A_291, %parallel_loop3A_292] {strides = array<i32>} : memref<40x144xf32, #tpu.memory_space<vmem>>, vector<1x16xf32>,
      %parallel_loop3A_294 = vector.shape_cast %parallel_loop3A_293 : vector<1x16xf32> to vector<16xf32>
      %parallel_loop3A_295 = vector.broadcast %parallel_loop3A_290 : f32 to vector<16xf32>
      %parallel_loop3A_296 = arith.mulf %parallel_loop3A_294, %parallel_loop3A_295 : vector<16xf32>
      %parallel_loop3A_297 = arith.index_cast %parallel_loop3A_204 : i32 to index
      %parallel_loop3A_298 = arith.constant 80 : index
      %parallel_loop3A_299 = tpu.vector_load %arg12[%parallel_loop3A_297, %parallel_loop3A_298] {strides = array<i32>} : memref<40x144xf32, #tpu.memory_space<vmem>>, vector<1x16xf32>,
      %parallel_loop3A_300 = vector.shape_cast %parallel_loop3A_299 : vector<1x16xf32> to vector<16xf32>
      %parallel_loop3A_301 = vector.shape_cast %parallel_loop3A_296 : vector<16xf32> to vector<1x16xf32>
      tpu.vector_store %arg12[%parallel_loop3A_297, %parallel_loop3A_298], %parallel_loop3A_301 {strides = array<i32>} : memref<40x144xf32, #tpu.memory_space<vmem>>, vector<1x16xf32>,
      %parallel_loop3A_302 = vector.extract_strided_slice %parallel_loop3A_218 {offsets = [6], sizes = [1], strides = [1]} : vector<16xf32> to vector<1xf32>
      %parallel_loop3A_303 = vector.extract %parallel_loop3A_302[0] : f32 from vector<1xf32>
      %parallel_loop3A_304 = arith.index_cast %parallel_loop3A_204 : i32 to index
      %parallel_loop3A_305 = arith.constant 96 : index
      %parallel_loop3A_306 = tpu.vector_load %arg12[%parallel_loop3A_304, %parallel_loop3A_305] {strides = array<i32>} : memref<40x144xf32, #tpu.memory_space<vmem>>, vector<1x16xf32>,
      %parallel_loop3A_307 = vector.shape_cast %parallel_loop3A_306 : vector<1x16xf32> to vector<16xf32>
      %parallel_loop3A_308 = vector.broadcast %parallel_loop3A_303 : f32 to vector<16xf32>
      %parallel_loop3A_309 = arith.mulf %parallel_loop3A_307, %parallel_loop3A_308 : vector<16xf32>
      %parallel_loop3A_310 = arith.index_cast %parallel_loop3A_204 : i32 to index
      %parallel_loop3A_311 = arith.constant 96 : index
      %parallel_loop3A_312 = tpu.vector_load %arg12[%parallel_loop3A_310, %parallel_loop3A_311] {strides = array<i32>} : memref<40x144xf32, #tpu.memory_space<vmem>>, vector<1x16xf32>,
      %parallel_loop3A_313 = vector.shape_cast %parallel_loop3A_312 : vector<1x16xf32> to vector<16xf32>
      %parallel_loop3A_314 = vector.shape_cast %parallel_loop3A_309 : vector<16xf32> to vector<1x16xf32>
      tpu.vector_store %arg12[%parallel_loop3A_310, %parallel_loop3A_311], %parallel_loop3A_314 {strides = array<i32>} : memref<40x144xf32, #tpu.memory_space<vmem>>, vector<1x16xf32>,
      %parallel_loop3A_315 = vector.extract_strided_slice %parallel_loop3A_218 {offsets = [7], sizes = [1], strides = [1]} : vector<16xf32> to vector<1xf32>
      %parallel_loop3A_316 = vector.extract %parallel_loop3A_315[0] : f32 from vector<1xf32>
      %parallel_loop3A_317 = arith.index_cast %parallel_loop3A_204 : i32 to index
      %parallel_loop3A_318 = arith.constant 112 : index
      %parallel_loop3A_319 = tpu.vector_load %arg12[%parallel_loop3A_317, %parallel_loop3A_318] {strides = array<i32>} : memref<40x144xf32, #tpu.memory_space<vmem>>, vector<1x16xf32>,
      %parallel_loop3A_320 = vector.shape_cast %parallel_loop3A_319 : vector<1x16xf32> to vector<16xf32>
      %parallel_loop3A_321 = vector.broadcast %parallel_loop3A_316 : f32 to vector<16xf32>
      %parallel_loop3A_322 = arith.mulf %parallel_loop3A_320, %parallel_loop3A_321 : vector<16xf32>
      %parallel_loop3A_323 = arith.index_cast %parallel_loop3A_204 : i32 to index
      %parallel_loop3A_324 = arith.constant 112 : index
      %parallel_loop3A_325 = tpu.vector_load %arg12[%parallel_loop3A_323, %parallel_loop3A_324] {strides = array<i32>} : memref<40x144xf32, #tpu.memory_space<vmem>>, vector<1x16xf32>,
      %parallel_loop3A_326 = vector.shape_cast %parallel_loop3A_325 : vector<1x16xf32> to vector<16xf32>
      %parallel_loop3A_327 = vector.shape_cast %parallel_loop3A_322 : vector<16xf32> to vector<1x16xf32>
      tpu.vector_store %arg12[%parallel_loop3A_323, %parallel_loop3A_324], %parallel_loop3A_327 {strides = array<i32>} : memref<40x144xf32, #tpu.memory_space<vmem>>, vector<1x16xf32>,
    } {sc.loop_unroll_factor = 2 : i64, sc.parallel_access}
    %dma_start3A_153 = arith.constant 248 : i32
    %dma_start3A_154 = arith.constant 0 : i32
    %dma_start3A_155 = tpu.memref_slice %arg9[%dma_start3A_153, %dma_start3A_154] : memref<250x40xi32, #tpu.memory_space<vmem>> -> memref<1x40xi32, #tpu.memory_space<vmem>>
    %dma_start3A_156 = tpu.memref_squeeze %dma_start3A_155 : memref<1x40xi32, #tpu.memory_space<vmem>> -> memref<40xi32, #tpu.memory_space<vmem>>
    %dma_start3A_157 = arith.constant 0 : i32
    %dma_start3A_158 = arith.constant 0 : i32
    %dma_start3A_159 = tpu.memref_slice %arg16[%dma_start3A_157, %dma_start3A_158] : memref<10000x144xf32, #tpu.memory_space<vmem_shared>> -> memref<10000x144xf32, #tpu.memory_space<vmem_shared>>
    tpu.enqueue_indirect_dma source(%arg12 : memref<40x144xf32, #tpu.memory_space<vmem>>) target(%dma_start3A_159 : memref<10000x144xf32, #tpu.memory_space<vmem_shared>>) offsets(%dma_start3A_156 : memref<40xi32, #tpu.memory_space<vmem>>) semaphore(%arg22 : memref<!tpu.dma_semaphore, #tpu.memory_space<semaphore_mem>>) {add = true}
    %dma_wait3A_160 = arith.constant 0 : i32
    %dma_wait3A_161 = arith.constant 0 : i32
    %dma_wait3A_162 = tpu.memref_slice %arg8[%dma_wait3A_160, %dma_wait3A_161] : memref<250x40xi32, #tpu.memory_space<vmem>> -> memref<1x40xi32, #tpu.memory_space<vmem>>
    %dma_wait3A_163 = tpu.memref_squeeze %dma_wait3A_162 : memref<1x40xi32, #tpu.memory_space<vmem>> -> memref<40xi32, #tpu.memory_space<vmem>>
    %dma_wait3A_164 = arith.constant 0 : i32
    %dma_wait3A_165 = arith.constant 0 : i32
    %dma_wait3A_166 = tpu.memref_slice %arg2[%dma_wait3A_164, %dma_wait3A_165] : memref<10000x144xf32, #tpu.memory_space<hbm>> -> memref<10000x144xf32, #tpu.memory_space<hbm>>
    tpu.wait_indirect_dma semaphore(%arg17 : memref<!tpu.dma_semaphore, #tpu.memory_space<semaphore_mem>>) src(%dma_wait3A_166 : memref<10000x144xf32, #tpu.memory_space<hbm>>) dst(%arg10 : memref<40x144xf32, #tpu.memory_space<vmem>>)
    %dma_wait3A_167 = arith.constant 0 : i32
    %dma_wait3A_168 = arith.constant 0 : i32
    %dma_wait3A_169 = tpu.memref_slice %arg9[%dma_wait3A_167, %dma_wait3A_168] : memref<250x40xi32, #tpu.memory_space<vmem>> -> memref<1x40xi32, #tpu.memory_space<vmem>>
    %dma_wait3A_170 = tpu.memref_squeeze %dma_wait3A_169 : memref<1x40xi32, #tpu.memory_space<vmem>> -> memref<40xi32, #tpu.memory_space<vmem>>
    %dma_wait3A_171 = arith.constant 0 : i32
    %dma_wait3A_172 = arith.constant 0 : i32
    %dma_wait3A_173 = tpu.memref_slice %arg3[%dma_wait3A_171, %dma_wait3A_172] : memref<10000x16xf32, #tpu.memory_space<hbm>> -> memref<10000x16xf32, #tpu.memory_space<hbm>>
    tpu.wait_indirect_dma semaphore(%arg17 : memref<!tpu.dma_semaphore, #tpu.memory_space<semaphore_mem>>) src(%dma_wait3A_173 : memref<10000x16xf32, #tpu.memory_space<hbm>>) dst(%arg13 : memref<40x16xf32, #tpu.memory_space<vmem>>)
    %dma_wait3A_174 = arith.constant 0 : i32
    %dma_wait3A_175 = arith.constant 0 : i32
    %dma_wait3A_176 = tpu.memref_slice %arg9[%dma_wait3A_174, %dma_wait3A_175] : memref<250x40xi32, #tpu.memory_space<vmem>> -> memref<1x40xi32, #tpu.memory_space<vmem>>
    %dma_wait3A_177 = tpu.memref_squeeze %dma_wait3A_176 : memref<1x40xi32, #tpu.memory_space<vmem>> -> memref<40xi32, #tpu.memory_space<vmem>>
    %dma_wait3A_178 = arith.constant 0 : i32
    %dma_wait3A_179 = arith.constant 0 : i32
    %dma_wait3A_180 = tpu.memref_slice %arg16[%dma_wait3A_178, %dma_wait3A_179] : memref<10000x144xf32, #tpu.memory_space<vmem_shared>> -> memref<10000x144xf32, #tpu.memory_space<vmem_shared>>
    tpu.wait_indirect_dma semaphore(%arg22 : memref<!tpu.dma_semaphore, #tpu.memory_space<semaphore_mem>>) src(%arg12 : memref<40x144xf32, #tpu.memory_space<vmem>>) dst(%dma_wait3A_180 : memref<10000x144xf32, #tpu.memory_space<vmem_shared>>)
    %parallel_loop3A_181 = arith.constant 0 : i32
    %parallel_loop3A_182 = arith.constant 40 : i32
    %parallel_loop3A_183 = arith.constant 1 : i32
    scf.for %parallel_loop3A_204 = %parallel_loop3A_181 to %parallel_loop3A_182 step %parallel_loop3A_183  : i32 {
      %parallel_loop3A_205 = arith.index_cast %parallel_loop3A_204 : i32 to index
      %parallel_loop3A_206 = arith.constant 128 : index
      %parallel_loop3A_207 = tpu.vector_load %arg10[%parallel_loop3A_205, %parallel_loop3A_206] {strides = array<i32>} : memref<40x144xf32, #tpu.memory_space<vmem>>, vector<1x16xf32>,
      %parallel_loop3A_208 = vector.shape_cast %parallel_loop3A_207 : vector<1x16xf32> to vector<16xf32>
      %parallel_loop3A_209 = arith.index_cast %parallel_loop3A_204 : i32 to index
      %parallel_loop3A_210 = arith.constant 0 : index
      %parallel_loop3A_211 = tpu.vector_load %arg13[%parallel_loop3A_209, %parallel_loop3A_210] {strides = array<i32>} : memref<40x16xf32, #tpu.memory_space<vmem>>, vector<1x16xf32>,
      %parallel_loop3A_212 = vector.shape_cast %parallel_loop3A_211 : vector<1x16xf32> to vector<16xf32>
      %parallel_loop3A_213 = arith.addf %parallel_loop3A_208, %parallel_loop3A_212 : vector<16xf32>
      %parallel_loop3A_214 = arith.constant 2.000000e-01 : f32
      %parallel_loop3A_215 = vector.broadcast %parallel_loop3A_214 : f32 to vector<16xf32>
      %parallel_loop3A_216 = arith.mulf %parallel_loop3A_213, %parallel_loop3A_215 : vector<16xf32>
      %parallel_loop3A_217 = arith.maximumf %parallel_loop3A_213, %parallel_loop3A_216 : vector<16xf32>
      %parallel_loop3A_218 = math.exp %parallel_loop3A_217 : vector<16xf32>
      %parallel_loop3A_219 = arith.index_cast %parallel_loop3A_204 : i32 to index
      %parallel_loop3A_220 = arith.constant 128 : index
      %parallel_loop3A_221 = tpu.vector_load %arg10[%parallel_loop3A_219, %parallel_loop3A_220] {strides = array<i32>} : memref<40x144xf32, #tpu.memory_space<vmem>>, vector<1x16xf32>,
      %parallel_loop3A_222 = vector.shape_cast %parallel_loop3A_221 : vector<1x16xf32> to vector<16xf32>
      %parallel_loop3A_223 = vector.shape_cast %parallel_loop3A_218 : vector<16xf32> to vector<1x16xf32>
      tpu.vector_store %arg10[%parallel_loop3A_219, %parallel_loop3A_220], %parallel_loop3A_223 {strides = array<i32>} : memref<40x144xf32, #tpu.memory_space<vmem>>, vector<1x16xf32>,
      %parallel_loop3A_224 = vector.extract_strided_slice %parallel_loop3A_218 {offsets = [0], sizes = [1], strides = [1]} : vector<16xf32> to vector<1xf32>
      %parallel_loop3A_225 = vector.extract %parallel_loop3A_224[0] : f32 from vector<1xf32>
      %parallel_loop3A_226 = arith.index_cast %parallel_loop3A_204 : i32 to index
      %parallel_loop3A_227 = arith.constant 0 : index
      %parallel_loop3A_228 = tpu.vector_load %arg10[%parallel_loop3A_226, %parallel_loop3A_227] {strides = array<i32>} : memref<40x144xf32, #tpu.memory_space<vmem>>, vector<1x16xf32>,
      %parallel_loop3A_229 = vector.shape_cast %parallel_loop3A_228 : vector<1x16xf32> to vector<16xf32>
      %parallel_loop3A_230 = vector.broadcast %parallel_loop3A_225 : f32 to vector<16xf32>
      %parallel_loop3A_231 = arith.mulf %parallel_loop3A_229, %parallel_loop3A_230 : vector<16xf32>
      %parallel_loop3A_232 = arith.index_cast %parallel_loop3A_204 : i32 to index
      %parallel_loop3A_233 = arith.constant 0 : index
      %parallel_loop3A_234 = tpu.vector_load %arg10[%parallel_loop3A_232, %parallel_loop3A_233] {strides = array<i32>} : memref<40x144xf32, #tpu.memory_space<vmem>>, vector<1x16xf32>,
      %parallel_loop3A_235 = vector.shape_cast %parallel_loop3A_234 : vector<1x16xf32> to vector<16xf32>
      %parallel_loop3A_236 = vector.shape_cast %parallel_loop3A_231 : vector<16xf32> to vector<1x16xf32>
      tpu.vector_store %arg10[%parallel_loop3A_232, %parallel_loop3A_233], %parallel_loop3A_236 {strides = array<i32>} : memref<40x144xf32, #tpu.memory_space<vmem>>, vector<1x16xf32>,
      %parallel_loop3A_237 = vector.extract_strided_slice %parallel_loop3A_218 {offsets = [1], sizes = [1], strides = [1]} : vector<16xf32> to vector<1xf32>
      %parallel_loop3A_238 = vector.extract %parallel_loop3A_237[0] : f32 from vector<1xf32>
      %parallel_loop3A_239 = arith.index_cast %parallel_loop3A_204 : i32 to index
      %parallel_loop3A_240 = arith.constant 16 : index
      %parallel_loop3A_241 = tpu.vector_load %arg10[%parallel_loop3A_239, %parallel_loop3A_240] {strides = array<i32>} : memref<40x144xf32, #tpu.memory_space<vmem>>, vector<1x16xf32>,
      %parallel_loop3A_242 = vector.shape_cast %parallel_loop3A_241 : vector<1x16xf32> to vector<16xf32>
      %parallel_loop3A_243 = vector.broadcast %parallel_loop3A_238 : f32 to vector<16xf32>
      %parallel_loop3A_244 = arith.mulf %parallel_loop3A_242, %parallel_loop3A_243 : vector<16xf32>
      %parallel_loop3A_245 = arith.index_cast %parallel_loop3A_204 : i32 to index
      %parallel_loop3A_246 = arith.constant 16 : index
      %parallel_loop3A_247 = tpu.vector_load %arg10[%parallel_loop3A_245, %parallel_loop3A_246] {strides = array<i32>} : memref<40x144xf32, #tpu.memory_space<vmem>>, vector<1x16xf32>,
      %parallel_loop3A_248 = vector.shape_cast %parallel_loop3A_247 : vector<1x16xf32> to vector<16xf32>
      %parallel_loop3A_249 = vector.shape_cast %parallel_loop3A_244 : vector<16xf32> to vector<1x16xf32>
      tpu.vector_store %arg10[%parallel_loop3A_245, %parallel_loop3A_246], %parallel_loop3A_249 {strides = array<i32>} : memref<40x144xf32, #tpu.memory_space<vmem>>, vector<1x16xf32>,
      %parallel_loop3A_250 = vector.extract_strided_slice %parallel_loop3A_218 {offsets = [2], sizes = [1], strides = [1]} : vector<16xf32> to vector<1xf32>
      %parallel_loop3A_251 = vector.extract %parallel_loop3A_250[0] : f32 from vector<1xf32>
      %parallel_loop3A_252 = arith.index_cast %parallel_loop3A_204 : i32 to index
      %parallel_loop3A_253 = arith.constant 32 : index
      %parallel_loop3A_254 = tpu.vector_load %arg10[%parallel_loop3A_252, %parallel_loop3A_253] {strides = array<i32>} : memref<40x144xf32, #tpu.memory_space<vmem>>, vector<1x16xf32>,
      %parallel_loop3A_255 = vector.shape_cast %parallel_loop3A_254 : vector<1x16xf32> to vector<16xf32>
      %parallel_loop3A_256 = vector.broadcast %parallel_loop3A_251 : f32 to vector<16xf32>
      %parallel_loop3A_257 = arith.mulf %parallel_loop3A_255, %parallel_loop3A_256 : vector<16xf32>
      %parallel_loop3A_258 = arith.index_cast %parallel_loop3A_204 : i32 to index
      %parallel_loop3A_259 = arith.constant 32 : index
      %parallel_loop3A_260 = tpu.vector_load %arg10[%parallel_loop3A_258, %parallel_loop3A_259] {strides = array<i32>} : memref<40x144xf32, #tpu.memory_space<vmem>>, vector<1x16xf32>,
      %parallel_loop3A_261 = vector.shape_cast %parallel_loop3A_260 : vector<1x16xf32> to vector<16xf32>
      %parallel_loop3A_262 = vector.shape_cast %parallel_loop3A_257 : vector<16xf32> to vector<1x16xf32>
      tpu.vector_store %arg10[%parallel_loop3A_258, %parallel_loop3A_259], %parallel_loop3A_262 {strides = array<i32>} : memref<40x144xf32, #tpu.memory_space<vmem>>, vector<1x16xf32>,
      %parallel_loop3A_263 = vector.extract_strided_slice %parallel_loop3A_218 {offsets = [3], sizes = [1], strides = [1]} : vector<16xf32> to vector<1xf32>
      %parallel_loop3A_264 = vector.extract %parallel_loop3A_263[0] : f32 from vector<1xf32>
      %parallel_loop3A_265 = arith.index_cast %parallel_loop3A_204 : i32 to index
      %parallel_loop3A_266 = arith.constant 48 : index
      %parallel_loop3A_267 = tpu.vector_load %arg10[%parallel_loop3A_265, %parallel_loop3A_266] {strides = array<i32>} : memref<40x144xf32, #tpu.memory_space<vmem>>, vector<1x16xf32>,
      %parallel_loop3A_268 = vector.shape_cast %parallel_loop3A_267 : vector<1x16xf32> to vector<16xf32>
      %parallel_loop3A_269 = vector.broadcast %parallel_loop3A_264 : f32 to vector<16xf32>
      %parallel_loop3A_270 = arith.mulf %parallel_loop3A_268, %parallel_loop3A_269 : vector<16xf32>
      %parallel_loop3A_271 = arith.index_cast %parallel_loop3A_204 : i32 to index
      %parallel_loop3A_272 = arith.constant 48 : index
      %parallel_loop3A_273 = tpu.vector_load %arg10[%parallel_loop3A_271, %parallel_loop3A_272] {strides = array<i32>} : memref<40x144xf32, #tpu.memory_space<vmem>>, vector<1x16xf32>,
      %parallel_loop3A_274 = vector.shape_cast %parallel_loop3A_273 : vector<1x16xf32> to vector<16xf32>
      %parallel_loop3A_275 = vector.shape_cast %parallel_loop3A_270 : vector<16xf32> to vector<1x16xf32>
      tpu.vector_store %arg10[%parallel_loop3A_271, %parallel_loop3A_272], %parallel_loop3A_275 {strides = array<i32>} : memref<40x144xf32, #tpu.memory_space<vmem>>, vector<1x16xf32>,
      %parallel_loop3A_276 = vector.extract_strided_slice %parallel_loop3A_218 {offsets = [4], sizes = [1], strides = [1]} : vector<16xf32> to vector<1xf32>
      %parallel_loop3A_277 = vector.extract %parallel_loop3A_276[0] : f32 from vector<1xf32>
      %parallel_loop3A_278 = arith.index_cast %parallel_loop3A_204 : i32 to index
      %parallel_loop3A_279 = arith.constant 64 : index
      %parallel_loop3A_280 = tpu.vector_load %arg10[%parallel_loop3A_278, %parallel_loop3A_279] {strides = array<i32>} : memref<40x144xf32, #tpu.memory_space<vmem>>, vector<1x16xf32>,
      %parallel_loop3A_281 = vector.shape_cast %parallel_loop3A_280 : vector<1x16xf32> to vector<16xf32>
      %parallel_loop3A_282 = vector.broadcast %parallel_loop3A_277 : f32 to vector<16xf32>
      %parallel_loop3A_283 = arith.mulf %parallel_loop3A_281, %parallel_loop3A_282 : vector<16xf32>
      %parallel_loop3A_284 = arith.index_cast %parallel_loop3A_204 : i32 to index
      %parallel_loop3A_285 = arith.constant 64 : index
      %parallel_loop3A_286 = tpu.vector_load %arg10[%parallel_loop3A_284, %parallel_loop3A_285] {strides = array<i32>} : memref<40x144xf32, #tpu.memory_space<vmem>>, vector<1x16xf32>,
      %parallel_loop3A_287 = vector.shape_cast %parallel_loop3A_286 : vector<1x16xf32> to vector<16xf32>
      %parallel_loop3A_288 = vector.shape_cast %parallel_loop3A_283 : vector<16xf32> to vector<1x16xf32>
      tpu.vector_store %arg10[%parallel_loop3A_284, %parallel_loop3A_285], %parallel_loop3A_288 {strides = array<i32>} : memref<40x144xf32, #tpu.memory_space<vmem>>, vector<1x16xf32>,
      %parallel_loop3A_289 = vector.extract_strided_slice %parallel_loop3A_218 {offsets = [5], sizes = [1], strides = [1]} : vector<16xf32> to vector<1xf32>
      %parallel_loop3A_290 = vector.extract %parallel_loop3A_289[0] : f32 from vector<1xf32>
      %parallel_loop3A_291 = arith.index_cast %parallel_loop3A_204 : i32 to index
      %parallel_loop3A_292 = arith.constant 80 : index
      %parallel_loop3A_293 = tpu.vector_load %arg10[%parallel_loop3A_291, %parallel_loop3A_292] {strides = array<i32>} : memref<40x144xf32, #tpu.memory_space<vmem>>, vector<1x16xf32>,
      %parallel_loop3A_294 = vector.shape_cast %parallel_loop3A_293 : vector<1x16xf32> to vector<16xf32>
      %parallel_loop3A_295 = vector.broadcast %parallel_loop3A_290 : f32 to vector<16xf32>
      %parallel_loop3A_296 = arith.mulf %parallel_loop3A_294, %parallel_loop3A_295 : vector<16xf32>
      %parallel_loop3A_297 = arith.index_cast %parallel_loop3A_204 : i32 to index
      %parallel_loop3A_298 = arith.constant 80 : index
      %parallel_loop3A_299 = tpu.vector_load %arg10[%parallel_loop3A_297, %parallel_loop3A_298] {strides = array<i32>} : memref<40x144xf32, #tpu.memory_space<vmem>>, vector<1x16xf32>,
      %parallel_loop3A_300 = vector.shape_cast %parallel_loop3A_299 : vector<1x16xf32> to vector<16xf32>
      %parallel_loop3A_301 = vector.shape_cast %parallel_loop3A_296 : vector<16xf32> to vector<1x16xf32>
      tpu.vector_store %arg10[%parallel_loop3A_297, %parallel_loop3A_298], %parallel_loop3A_301 {strides = array<i32>} : memref<40x144xf32, #tpu.memory_space<vmem>>, vector<1x16xf32>,
      %parallel_loop3A_302 = vector.extract_strided_slice %parallel_loop3A_218 {offsets = [6], sizes = [1], strides = [1]} : vector<16xf32> to vector<1xf32>
      %parallel_loop3A_303 = vector.extract %parallel_loop3A_302[0] : f32 from vector<1xf32>
      %parallel_loop3A_304 = arith.index_cast %parallel_loop3A_204 : i32 to index
      %parallel_loop3A_305 = arith.constant 96 : index
      %parallel_loop3A_306 = tpu.vector_load %arg10[%parallel_loop3A_304, %parallel_loop3A_305] {strides = array<i32>} : memref<40x144xf32, #tpu.memory_space<vmem>>, vector<1x16xf32>,
      %parallel_loop3A_307 = vector.shape_cast %parallel_loop3A_306 : vector<1x16xf32> to vector<16xf32>
      %parallel_loop3A_308 = vector.broadcast %parallel_loop3A_303 : f32 to vector<16xf32>
      %parallel_loop3A_309 = arith.mulf %parallel_loop3A_307, %parallel_loop3A_308 : vector<16xf32>
      %parallel_loop3A_310 = arith.index_cast %parallel_loop3A_204 : i32 to index
      %parallel_loop3A_311 = arith.constant 96 : index
      %parallel_loop3A_312 = tpu.vector_load %arg10[%parallel_loop3A_310, %parallel_loop3A_311] {strides = array<i32>} : memref<40x144xf32, #tpu.memory_space<vmem>>, vector<1x16xf32>,
      %parallel_loop3A_313 = vector.shape_cast %parallel_loop3A_312 : vector<1x16xf32> to vector<16xf32>
      %parallel_loop3A_314 = vector.shape_cast %parallel_loop3A_309 : vector<16xf32> to vector<1x16xf32>
      tpu.vector_store %arg10[%parallel_loop3A_310, %parallel_loop3A_311], %parallel_loop3A_314 {strides = array<i32>} : memref<40x144xf32, #tpu.memory_space<vmem>>, vector<1x16xf32>,
      %parallel_loop3A_315 = vector.extract_strided_slice %parallel_loop3A_218 {offsets = [7], sizes = [1], strides = [1]} : vector<16xf32> to vector<1xf32>
      %parallel_loop3A_316 = vector.extract %parallel_loop3A_315[0] : f32 from vector<1xf32>
      %parallel_loop3A_317 = arith.index_cast %parallel_loop3A_204 : i32 to index
      %parallel_loop3A_318 = arith.constant 112 : index
      %parallel_loop3A_319 = tpu.vector_load %arg10[%parallel_loop3A_317, %parallel_loop3A_318] {strides = array<i32>} : memref<40x144xf32, #tpu.memory_space<vmem>>, vector<1x16xf32>,
      %parallel_loop3A_320 = vector.shape_cast %parallel_loop3A_319 : vector<1x16xf32> to vector<16xf32>
      %parallel_loop3A_321 = vector.broadcast %parallel_loop3A_316 : f32 to vector<16xf32>
      %parallel_loop3A_322 = arith.mulf %parallel_loop3A_320, %parallel_loop3A_321 : vector<16xf32>
      %parallel_loop3A_323 = arith.index_cast %parallel_loop3A_204 : i32 to index
      %parallel_loop3A_324 = arith.constant 112 : index
      %parallel_loop3A_325 = tpu.vector_load %arg10[%parallel_loop3A_323, %parallel_loop3A_324] {strides = array<i32>} : memref<40x144xf32, #tpu.memory_space<vmem>>, vector<1x16xf32>,
      %parallel_loop3A_326 = vector.shape_cast %parallel_loop3A_325 : vector<1x16xf32> to vector<16xf32>
      %parallel_loop3A_327 = vector.shape_cast %parallel_loop3A_322 : vector<16xf32> to vector<1x16xf32>
      tpu.vector_store %arg10[%parallel_loop3A_323, %parallel_loop3A_324], %parallel_loop3A_327 {strides = array<i32>} : memref<40x144xf32, #tpu.memory_space<vmem>>, vector<1x16xf32>,
    } {sc.loop_unroll_factor = 2 : i64, sc.parallel_access}
    %dma_start3A_184 = arith.constant 249 : i32
    %dma_start3A_185 = arith.constant 0 : i32
    %dma_start3A_186 = tpu.memref_slice %arg9[%dma_start3A_184, %dma_start3A_185] : memref<250x40xi32, #tpu.memory_space<vmem>> -> memref<1x40xi32, #tpu.memory_space<vmem>>
    %dma_start3A_187 = tpu.memref_squeeze %dma_start3A_186 : memref<1x40xi32, #tpu.memory_space<vmem>> -> memref<40xi32, #tpu.memory_space<vmem>>
    %dma_start3A_188 = arith.constant 0 : i32
    %dma_start3A_189 = arith.constant 0 : i32
    %dma_start3A_190 = tpu.memref_slice %arg16[%dma_start3A_188, %dma_start3A_189] : memref<10000x144xf32, #tpu.memory_space<vmem_shared>> -> memref<10000x144xf32, #tpu.memory_space<vmem_shared>>
    tpu.enqueue_indirect_dma source(%arg10 : memref<40x144xf32, #tpu.memory_space<vmem>>) target(%dma_start3A_190 : memref<10000x144xf32, #tpu.memory_space<vmem_shared>>) offsets(%dma_start3A_187 : memref<40xi32, #tpu.memory_space<vmem>>) semaphore(%arg20 : memref<!tpu.dma_semaphore, #tpu.memory_space<semaphore_mem>>) {add = true}
    %dma_wait3A_191 = arith.constant 0 : i32
    %dma_wait3A_192 = arith.constant 0 : i32
    %dma_wait3A_193 = tpu.memref_slice %arg9[%dma_wait3A_191, %dma_wait3A_192] : memref<250x40xi32, #tpu.memory_space<vmem>> -> memref<1x40xi32, #tpu.memory_space<vmem>>
    %dma_wait3A_194 = tpu.memref_squeeze %dma_wait3A_193 : memref<1x40xi32, #tpu.memory_space<vmem>> -> memref<40xi32, #tpu.memory_space<vmem>>
    %dma_wait3A_195 = arith.constant 0 : i32
    %dma_wait3A_196 = arith.constant 0 : i32
    %dma_wait3A_197 = tpu.memref_slice %arg16[%dma_wait3A_195, %dma_wait3A_196] : memref<10000x144xf32, #tpu.memory_space<vmem_shared>> -> memref<10000x144xf32, #tpu.memory_space<vmem_shared>>
    tpu.wait_indirect_dma semaphore(%arg20 : memref<!tpu.dma_semaphore, #tpu.memory_space<semaphore_mem>>) src(%arg10 : memref<40x144xf32, #tpu.memory_space<vmem>>) dst(%dma_wait3A_197 : memref<10000x144xf32, #tpu.memory_space<vmem_shared>>)
    %barrier3A_198 = arith.constant 0 : index
    tpu.barrier barrier_id(%barrier3A_198)
    "tpu.region"() ({
      %run_scoped3A = tpu.sem_alloc : memref<!tpu.dma_semaphore, #tpu.memory_space<semaphore_mem>>
      %dma_start3A_204 = arith.constant 0 : i32
      %dma_start3A_205 = tpu.memref_slice %arg7[%arg0, %mul3A_2, %dma_start3A_204] : memref<2x10000x144xf32, #tpu.memory_space<hbm>> -> memref<1x624x144xf32, #tpu.memory_space<hbm>>
      %dma_start3A_206 = tpu.memref_squeeze %dma_start3A_205 : memref<1x624x144xf32, #tpu.memory_space<hbm>> -> memref<624x144xf32, #tpu.memory_space<hbm>>
      %dma_start3A_207 = arith.constant 0 : i32
      %dma_start3A_208 = tpu.memref_slice %arg16[%mul3A_2, %dma_start3A_207] : memref<10000x144xf32, #tpu.memory_space<vmem_shared>> -> memref<624x144xf32, #tpu.memory_space<vmem_shared>>
      tpu.enqueue_dma source(%dma_start3A_208 : memref<624x144xf32, #tpu.memory_space<vmem_shared>>) target(%dma_start3A_206 : memref<624x144xf32, #tpu.memory_space<hbm>>) target_semaphore(%run_scoped3A : memref<!tpu.dma_semaphore, #tpu.memory_space<semaphore_mem>>)
      %dma_wait3A_209 = arith.constant 0 : i32
      %dma_wait3A_210 = tpu.memref_slice %arg7[%arg0, %mul3A_2, %dma_wait3A_209] : memref<2x10000x144xf32, #tpu.memory_space<hbm>> -> memref<1x624x144xf32, #tpu.memory_space<hbm>>
      %dma_wait3A_211 = tpu.memref_squeeze %dma_wait3A_210 : memref<1x624x144xf32, #tpu.memory_space<hbm>> -> memref<624x144xf32, #tpu.memory_space<hbm>>
      %dma_wait3A_212 = arith.constant 0 : i32
      %dma_wait3A_213 = tpu.memref_slice %arg16[%mul3A_2, %dma_wait3A_212] : memref<10000x144xf32, #tpu.memory_space<vmem_shared>> -> memref<624x144xf32, #tpu.memory_space<vmem_shared>>
      tpu.wait_dma2 semaphore(%run_scoped3A : memref<!tpu.dma_semaphore, #tpu.memory_space<semaphore_mem>>) src(%dma_wait3A_213 : memref<624x144xf32, #tpu.memory_space<vmem_shared>>) dst(%dma_wait3A_211 : memref<624x144xf32, #tpu.memory_space<hbm>>)
      tpu.yield
    }) : () -> ()
    %eq3A_199 = arith.constant 15 : i32
    %eq3A_200 = arith.cmpi eq, %arg1, %eq3A_199 : i32
    %convert_element_type3A_201 = arith.extui %eq3A_200 : i1 to i32
    %cond3A_202 = arith.constant 0 : i32
    %cond3A_203 = arith.cmpi ne, %convert_element_type3A_201, %cond3A_202 : i32
    scf.if %cond3A_203 {
      "tpu.region"() ({
        %run_scoped3A = tpu.sem_alloc : memref<!tpu.dma_semaphore, #tpu.memory_space<semaphore_mem>>
        %dma_start3A_204 = arith.constant 9984 : i32
        %dma_start3A_205 = arith.constant 0 : i32
        %dma_start3A_206 = tpu.memref_slice %arg7[%arg0, %dma_start3A_204, %dma_start3A_205] : memref<2x10000x144xf32, #tpu.memory_space<hbm>> -> memref<1x16x144xf32, #tpu.memory_space<hbm>>
        %dma_start3A_207 = tpu.memref_squeeze %dma_start3A_206 : memref<1x16x144xf32, #tpu.memory_space<hbm>> -> memref<16x144xf32, #tpu.memory_space<hbm>>
        %dma_start3A_208 = arith.constant 9984 : i32
        %dma_start3A_209 = arith.constant 0 : i32
        %dma_start3A_210 = tpu.memref_slice %arg16[%dma_start3A_208, %dma_start3A_209] : memref<10000x144xf32, #tpu.memory_space<vmem_shared>> -> memref<16x144xf32, #tpu.memory_space<vmem_shared>>
        tpu.enqueue_dma source(%dma_start3A_210 : memref<16x144xf32, #tpu.memory_space<vmem_shared>>) target(%dma_start3A_207 : memref<16x144xf32, #tpu.memory_space<hbm>>) target_semaphore(%run_scoped3A : memref<!tpu.dma_semaphore, #tpu.memory_space<semaphore_mem>>)
        %dma_wait3A_211 = arith.constant 9984 : i32
        %dma_wait3A_212 = arith.constant 0 : i32
        %dma_wait3A_213 = tpu.memref_slice %arg7[%arg0, %dma_wait3A_211, %dma_wait3A_212] : memref<2x10000x144xf32, #tpu.memory_space<hbm>> -> memref<1x16x144xf32, #tpu.memory_space<hbm>>
        %dma_wait3A_214 = tpu.memref_squeeze %dma_wait3A_213 : memref<1x16x144xf32, #tpu.memory_space<hbm>> -> memref<16x144xf32, #tpu.memory_space<hbm>>
        %dma_wait3A_215 = arith.constant 9984 : i32
        %dma_wait3A_216 = arith.constant 0 : i32
        %dma_wait3A_217 = tpu.memref_slice %arg16[%dma_wait3A_215, %dma_wait3A_216] : memref<10000x144xf32, #tpu.memory_space<vmem_shared>> -> memref<16x144xf32, #tpu.memory_space<vmem_shared>>
        tpu.wait_dma2 semaphore(%run_scoped3A : memref<!tpu.dma_semaphore, #tpu.memory_space<semaphore_mem>>) src(%dma_wait3A_217 : memref<16x144xf32, #tpu.memory_space<vmem_shared>>) dst(%dma_wait3A_214 : memref<16x144xf32, #tpu.memory_space<hbm>>)
        tpu.yield
      }) : () -> ()
    } else {
    }
    return
  }
}

module attributes {stable_mosaic.version = 14 : i64} {
  func.func @_proj_body(%arg0: i32, %arg1: memref<2000x128xf32, #tpu.memory_space<vmem>>, %arg2: memref<128x128xf32, #tpu.memory_space<vmem>>, %arg3: memref<128x16xf32, #tpu.memory_space<vmem>>, %arg4: memref<128x16xf32, #tpu.memory_space<vmem>>, %arg5: memref<2000x144xf32, #tpu.memory_space<vmem>>, %arg6: memref<2000x16xf32, #tpu.memory_space<vmem>>) attributes {dimension_semantics = [#tpu.dimension_semantics<arbitrary>], iteration_bounds = array<i64: 5>, scalar_prefetch = 0 : i64, scratch_operands = 0 : i64, tpu.core_type = #tpu.core_type<tc>, window_params = [{transform_indices = @transform_0, window_bounds = array<i64: 2000, 128>}, {pipeline_mode = #tpu.pipeline_mode<synchronous>, transform_indices = @transform_1, window_bounds = array<i64: 128, 128>}, {pipeline_mode = #tpu.pipeline_mode<synchronous>, transform_indices = @transform_2, window_bounds = array<i64: 128, 16>}, {pipeline_mode = #tpu.pipeline_mode<synchronous>, transform_indices = @transform_3, window_bounds = array<i64: 128, 16>}, {transform_indices = @transform_4, window_bounds = array<i64: 2000, 144>}, {transform_indices = @transform_5, window_bounds = array<i64: 2000, 16>}]} {
    %get3A = arith.constant 0 : index
    %get3A_0 = arith.constant 0 : index
    %get3A_1 = vector.load %arg1[%get3A, %get3A_0] : memref<2000x128xf32, #tpu.memory_space<vmem>>, vector<2000x128xf32>
    %get3A_2 = arith.constant 0 : index
    %get3A_3 = arith.constant 0 : index
    %get3A_4 = vector.load %arg2[%get3A_2, %get3A_3] : memref<128x128xf32, #tpu.memory_space<vmem>>, vector<128x128xf32>
    %dot_general3A = arith.constant dense<0.000000e+00> : vector<2000x128xf32>
    %dot_general3A_5 = tpu.matmul %get3A_1, %get3A_4, %dot_general3A {dimension_numbers = #tpu.dot_dimension_numbers<[1], [0], [0], [1], [0, 0, 1, 1], [], []>, transpose_lhs_hint = false} : vector<2000x128xf32>, vector<128x128xf32>, vector<2000x128xf32> -> vector<2000x128xf32>
    %swap3A = arith.constant 0 : index
    %swap3A_6 = arith.constant 0 : index
    %swap3A_7 = vector.load %arg5[%swap3A, %swap3A_6] : memref<2000x144xf32, #tpu.memory_space<vmem>>, vector<2000x128xf32>
    tpu.vector_store %arg5[%swap3A, %swap3A_6], %dot_general3A_5 {strides = array<i32>} : memref<2000x144xf32, #tpu.memory_space<vmem>>, vector<2000x128xf32>,
    %get3A_8 = arith.constant 0 : index
    %get3A_9 = arith.constant 0 : index
    %get3A_10 = vector.load %arg3[%get3A_8, %get3A_9] : memref<128x16xf32, #tpu.memory_space<vmem>>, vector<128x16xf32>
    %dot_general3A_11 = arith.constant dense<0.000000e+00> : vector<2000x16xf32>
    %dot_general3A_12 = tpu.matmul %dot_general3A_5, %get3A_10, %dot_general3A_11 {dimension_numbers = #tpu.dot_dimension_numbers<[1], [0], [0], [1], [0, 0, 1, 1], [], []>, transpose_lhs_hint = false} : vector<2000x128xf32>, vector<128x16xf32>, vector<2000x16xf32> -> vector<2000x16xf32>
    %swap3A_13 = arith.constant 0 : index
    %swap3A_14 = arith.constant 128 : index
    %swap3A_15 = vector.load %arg5[%swap3A_13, %swap3A_14] : memref<2000x144xf32, #tpu.memory_space<vmem>>, vector<2000x16xf32>
    tpu.vector_store %arg5[%swap3A_13, %swap3A_14], %dot_general3A_12 {strides = array<i32>} : memref<2000x144xf32, #tpu.memory_space<vmem>>, vector<2000x16xf32>,
    %get3A_16 = arith.constant 0 : index
    %get3A_17 = arith.constant 0 : index
    %get3A_18 = vector.load %arg4[%get3A_16, %get3A_17] : memref<128x16xf32, #tpu.memory_space<vmem>>, vector<128x16xf32>
    %dot_general3A_19 = arith.constant dense<0.000000e+00> : vector<2000x16xf32>
    %dot_general3A_20 = tpu.matmul %dot_general3A_5, %get3A_18, %dot_general3A_19 {dimension_numbers = #tpu.dot_dimension_numbers<[1], [0], [0], [1], [0, 0, 1, 1], [], []>, transpose_lhs_hint = false} : vector<2000x128xf32>, vector<128x16xf32>, vector<2000x16xf32> -> vector<2000x16xf32>
    %swap3A_21 = arith.constant 0 : index
    %swap3A_22 = arith.constant 0 : index
    %swap3A_23 = vector.load %arg6[%swap3A_21, %swap3A_22] : memref<2000x16xf32, #tpu.memory_space<vmem>>, vector<2000x16xf32>
    tpu.vector_store %arg6[%swap3A_21, %swap3A_22], %dot_general3A_20 {strides = array<i32>} : memref<2000x16xf32, #tpu.memory_space<vmem>>, vector<2000x16xf32>,
    return
  }
  func.func @transform_0(%arg0: i32) -> (i32, i32) {
    %c0_i32 = arith.constant 0 : i32
    %c0_i32_0 = arith.constant 0 : i32
    return %arg0, %c0_i32 : i32, i32
  }
  func.func @transform_1(%arg0: i32) -> (i32, i32) {
    %c0_i32 = arith.constant 0 : i32
    %c0_i32_0 = arith.constant 0 : i32
    %c0_i32_1 = arith.constant 0 : i32
    return %c0_i32, %c0_i32_0 : i32, i32
  }
  func.func @transform_2(%arg0: i32) -> (i32, i32) {
    %c0_i32 = arith.constant 0 : i32
    %c0_i32_0 = arith.constant 0 : i32
    %c0_i32_1 = arith.constant 0 : i32
    return %c0_i32, %c0_i32_0 : i32, i32
  }
  func.func @transform_3(%arg0: i32) -> (i32, i32) {
    %c0_i32 = arith.constant 0 : i32
    %c0_i32_0 = arith.constant 0 : i32
    %c0_i32_1 = arith.constant 0 : i32
    return %c0_i32, %c0_i32_0 : i32, i32
  }
  func.func @transform_4(%arg0: i32) -> (i32, i32) {
    %c0_i32 = arith.constant 0 : i32
    %c0_i32_0 = arith.constant 0 : i32
    return %arg0, %c0_i32 : i32, i32
  }
  func.func @transform_5(%arg0: i32) -> (i32, i32) {
    %c0_i32 = arith.constant 0 : i32
    %c0_i32_0 = arith.constant 0 : i32
    return %arg0, %c0_i32 : i32, i32
  }
}

module attributes {stable_mosaic.version = 14 : i64} {
  func.func @_combine_body(%arg0: i32, %arg1: memref<2x2000x144xf32, #tpu.memory_space<vmem>>, %arg2: memref<8x128xf32, #tpu.memory_space<vmem>>, %arg3: memref<1x128xf32, #tpu.memory_space<vmem>>, %arg4: memref<2000x128xf32, #tpu.memory_space<vmem>>) attributes {dimension_semantics = [#tpu.dimension_semantics<arbitrary>], iteration_bounds = array<i64: 5>, scalar_prefetch = 0 : i64, scratch_operands = 0 : i64, tpu.core_type = #tpu.core_type<tc>, window_params = [{transform_indices = @transform_0, window_bounds = array<i64: 2, 2000, 144>}, {pipeline_mode = #tpu.pipeline_mode<synchronous>, transform_indices = @transform_1, window_bounds = array<i64: 8, 128>}, {pipeline_mode = #tpu.pipeline_mode<synchronous>, transform_indices = @transform_2, window_bounds = array<i64: 1, 128>}, {transform_indices = @transform_3, window_bounds = array<i64: 2000, 128>}]} {
    %get3A = arith.constant 0 : index
    %get3A_0 = arith.constant 0 : index
    %get3A_1 = arith.constant 0 : index
    %get3A_2 = vector.load %arg1[%get3A, %get3A_0, %get3A_1] : memref<2x2000x144xf32, #tpu.memory_space<vmem>>, vector<1x2000x144xf32>
    %get3A_3 = vector.shape_cast %get3A_2 : vector<1x2000x144xf32> to vector<2000x144xf32>
    %get3A_4 = arith.constant 1 : index
    %get3A_5 = arith.constant 0 : index
    %get3A_6 = arith.constant 0 : index
    %get3A_7 = vector.load %arg1[%get3A_4, %get3A_5, %get3A_6] : memref<2x2000x144xf32, #tpu.memory_space<vmem>>, vector<1x2000x144xf32>
    %get3A_8 = vector.shape_cast %get3A_7 : vector<1x2000x144xf32> to vector<2000x144xf32>
    %add3A = arith.addf %get3A_3, %get3A_8 : vector<2000x144xf32>
    %slice3A = vector.extract_strided_slice %add3A {offsets = [0, 128], sizes = [2000, 8], strides = [1, 1]} : vector<2000x144xf32> to vector<2000x8xf32>
    %get3A_9 = arith.constant 0 : index
    %get3A_10 = arith.constant 0 : index
    %get3A_11 = vector.load %arg2[%get3A_9, %get3A_10] : memref<8x128xf32, #tpu.memory_space<vmem>>, vector<8x128xf32>
    %dot_general3A = arith.constant dense<0.000000e+00> : vector<2000x128xf32>
    %dot_general3A_12 = tpu.matmul %slice3A, %get3A_11, %dot_general3A {dimension_numbers = #tpu.dot_dimension_numbers<[1], [0], [0], [1], [0, 0, 1, 1], [], []>, transpose_lhs_hint = false} : vector<2000x8xf32>, vector<8x128xf32>, vector<2000x128xf32> -> vector<2000x128xf32>
    %slice3A_13 = vector.extract_strided_slice %add3A {offsets = [0, 0], sizes = [2000, 128], strides = [1, 1]} : vector<2000x144xf32> to vector<2000x128xf32>
    %add3A_14 = arith.constant 9.99999971E-10 : f32
    %add3A_15 = vector.broadcast %add3A_14 : f32 to vector<2000x128xf32>
    %add3A_16 = arith.addf %dot_general3A_12, %add3A_15 : vector<2000x128xf32>
    %div3A = arith.divf %slice3A_13, %add3A_16 : vector<2000x128xf32>
    %get3A_17 = arith.constant 0 : index
    %get3A_18 = arith.constant 0 : index
    %get3A_19 = vector.load %arg3[%get3A_17, %get3A_18] : memref<1x128xf32, #tpu.memory_space<vmem>>, vector<1x128xf32>
    %add3A_20 = vector.broadcast %get3A_19 : vector<1x128xf32> to vector<2000x128xf32>
    %add3A_21 = arith.addf %div3A, %add3A_20 : vector<2000x128xf32>
    %swap3A = arith.constant 0 : index
    %swap3A_22 = arith.constant 0 : index
    %swap3A_23 = vector.load %arg4[%swap3A, %swap3A_22] : memref<2000x128xf32, #tpu.memory_space<vmem>>, vector<2000x128xf32>
    tpu.vector_store %arg4[%swap3A, %swap3A_22], %add3A_21 {strides = array<i32>} : memref<2000x128xf32, #tpu.memory_space<vmem>>, vector<2000x128xf32>,
    return
  }
  func.func @transform_0(%arg0: i32) -> (i32, i32, i32) {
    %c0_i32 = arith.constant 0 : i32
    %c0_i32_0 = arith.constant 0 : i32
    %c0_i32_1 = arith.constant 0 : i32
    return %c0_i32, %arg0, %c0_i32_0 : i32, i32, i32
  }
  func.func @transform_1(%arg0: i32) -> (i32, i32) {
    %c0_i32 = arith.constant 0 : i32
    %c0_i32_0 = arith.constant 0 : i32
    %c0_i32_1 = arith.constant 0 : i32
    return %c0_i32, %c0_i32_0 : i32, i32
  }
  func.func @transform_2(%arg0: i32) -> (i32, i32) {
    %c0_i32 = arith.constant 0 : i32
    %c0_i32_0 = arith.constant 0 : i32
    %c0_i32_1 = arith.constant 0 : i32
    return %c0_i32, %c0_i32_0 : i32, i32
  }
  func.func @transform_3(%arg0: i32) -> (i32, i32) {
    %c0_i32 = arith.constant 0 : i32
    %c0_i32_0 = arith.constant 0 : i32
    return %arg0, %c0_i32 : i32, i32
  }
}

</mosaic_0001>

<sc_bundles>
// kernel: kernel.5.cloned.1.call-start
scs
__scs_entry_jumppad:
0x0: {  	(pc) =	sbr.rel $0x88, $3  }
0x1: {  	(tag) =	ssettag $0x0;
	lr =	simm.s32 $0x1  }
0x2: {  	[smem:$0x3F9B] =	sst lr;
	_ =	strace $0xD0000000  }
0x3: {  	_ = 	snop  }
0x4: {  	_ = 	snop  }
0x5: {  	_ = 	snop  }
0x6: {  	_ = 	snop  }
0x7: {  	_ = 	snop  }
__scs_overlays_trampoline_lowered:
0x8: {  	[smem:$0x3FAA] =	sst s0  }
0x9: {  	[smem:$0x3FAB] =	sst s1  }
0xa: {  	[smem:$0x3FAC] =	sst s2  }
0xb: {  	[smem:$0x3FAD] =	sst s3  }
0xc: {  	[smem:$0x3FAE] =	sst s4  }
0xd: {  	[smem:$0x3FAF] =	sst s5  }
0xe: {  	[smem:$0x3FB0] =	sst s6  }
0xf: {  	[smem:$0x3FB1] =	sst s7  }
0x10: {  	[smem:$0x3FB2] =	sst s8  }
0x11: {  	[smem:$0x3FB3] =	sst s9;
	s0 =	simm.s32 @!p0 $0x0  }
0x12: {  	s1 =	sld [smem:$0x3F99];
	s0 =	simm.s32 @p0 $0x1  }
0x13: {  	[smem:$0x3FB4] =	sst s0;
	s0 =	simm.s32 @!p1 $0x0  }
0x14: {  	s2 =	sld [smem:$0x3F98];
	s0 =	simm.s32 @p1 $0x1  }
0x15: {  	[smem:$0x3FB5] =	sst s0;
	s0 =	simm.s32 @!p2 $0x0  }
0x16: {  	s3 =	sld [smem:$0x3FDB];
	s0 =	simm.s32 @p2 $0x1  }
0x17: {  	s4 =	simm.s32 $0x1BF5;
	[smem:$0x3FB7] =	sst s0  }
0x18: {  	s0 =	sld [smem:$0x3F9A];
	_ =	swait.ge [sflag:s4], $0x0  }
0x19: {  	s7 =	sld [smem:$0x3F9B]  }
0x1a: {  	s8 =	sadd.s32 $0xFFFFE003, lr  }
0x1b: {  	s9 =	sadd.s32 $0xFFFFFEF7, lr;
	s5 =	simm.s32 $0xFFFFFFFF;
	p2 =	slt.u32 s8, $0xFFFFF086  }
0x1c: {  	p1 =	slt.u32 s9, $0xF7A;
	s5 =	simm.s32 @!p2 $0x0  }
0x1d: {  	s5 =	simm.s32 @p1 $0x1;
	p0 =	seq.s32 s7, s2  }
0x1e: {  	s7 =	smul.u32 @!p0 $0xF7A, s2;
	p2 =	seq.s32 @!p0 s5, $0x0  }
0x1f: {  	s9 =	smul.u32 $0xF7A, s1;
	s8 =	simm.s32 @!p0 $0x1BF5;
	p2 =	por !p2, p0  }
0x20: {  	[sflag:s8] =	ssyncset.s32 @!p0 $0xFFFFF086;
	s6 =	sadd.s32 @!p0 s3, s7;
	s7 =	simm.s32 @!p0 $0x108  }
0x21: {  	s3 =	sadd.s32 s3, s9;
	s6 =	sadd.s32 @!p0 $0x88, s6;
	s7 =	simm.s32 @p2 $0x1082  }
0x22: {  	[simem:s7], [sflag:s8] =	dma.local @!p0 [hbm:s6], $0xF7A  }
0x23: {  	s9 =	sor.u32 $0xD0000000, s2;
	s6 =	simm.s32 $0x108;
	_ =	swait.ge @!p0 [sflag:s8], $0x0  }
0x24: {  	s3 =	sadd.s32 $0x88, s3;
	s6 =	simm.s32 @!p1 $0x1082;
	[sflag:s4] =	ssyncset.s32 $0xFFFFF086  }
0x25: {  	[simem:s6], [sflag:s4] =	dma.local [hbm:s3], $0xF7A  }
0x26: {  	[smem:$0x3F9B] =	sst s1;
	(tag) =	ssettag s2;
	_ =	strace s9  }
0x27: {  	s1 =	sld [smem:$0x3FAB]  }
0x28: {  	s2 =	sld [smem:$0x3FAC]  }
0x29: {  	s4 =	sld [smem:$0x3FAE]  }
0x2a: {  	p0 =	seq.s32 s5, $0x0;
	s5 =	sld [smem:$0x3FAF]  }
0x2b: {  	s6 =	sld [smem:$0x3FB0]  }
0x2c: {  	s7 =	sld [smem:$0x3FB1]  }
0x2d: {  	s3 =	simm.s32 $0x108;
	s8 =	sld [smem:$0x3FB2]  }
0x2e: {  	s3 =	simm.s32 @!p0 $0x1082;
	s9 =	sld [smem:$0x3FB3]  }
0x2f: {  	lr =	sadd.s32 s0, s3;
	s0 =	sld [smem:$0x3FAA]  }
0x30: {  	s3 =	sld [smem:$0x3FAD]  }
0x31: {  	[smem:$0x3FB6] =	sst s10  }
0x32: {  	s10 =	sld [smem:$0x3FB4];
	_ =	sdelay $0x3  }
0x33: {  	p0 =	seq.s32 s10, $0x1;
	s10 =	sld [smem:$0x3FB6];
	_ =	sdelay $0x3  }
0x34: {  	[smem:$0x3FB6] =	sst s10  }
0x35: {  	s10 =	sld [smem:$0x3FB5];
	_ =	sdelay $0x3  }
0x36: {  	p1 =	seq.s32 s10, $0x1;
	s10 =	sld [smem:$0x3FB6];
	_ =	sdelay $0x3  }
0x37: {  	[smem:$0x3FB6] =	sst s10  }
0x38: {  	s10 =	sld [smem:$0x3FB7]  }
0x39: {  	_ = 	snop;
	(pc) =	sbr.ind lr, $3  }
0x3a: {  	_ = 	snop  }
0x3b: {  	_ = 	snop  }
0x3c: {  	p2 =	seq.s32 s10, $0x1;
	s10 =	sld [smem:$0x3FB6]  }
0x3d: {  	_ =	shalt  }
0x3e: {  	_ =	shalt  }
0x3f: {  	_ =	shalt  }
0x40: {  	_ =	shalt  }
0x41: {  	_ =	shalt  }
0x42: {  	_ =	shalt  }
0x43: {  	_ =	shalt  }
0x44: {  	_ =	shalt  }
0x45: {  	_ =	shalt  }
0x46: {  	_ =	shalt  }
0x47: {  	_ =	shalt  }
0x48: {  	_ =	shalt  }
0x49: {  	_ =	shalt  }
0x4a: {  	_ =	shalt  }
0x4b: {  	_ =	shalt  }
0x4c: {  	_ =	shalt  }
0x4d: {  	_ =	shalt  }
0x4e: {  	_ =	shalt  }
0x4f: {  	_ =	shalt  }
0x50: {  	_ =	shalt  }
0x51: {  	_ =	shalt  }
0x52: {  	_ =	shalt  }
0x53: {  	_ =	shalt  }
0x54: {  	_ =	shalt  }
0x55: {  	_ =	shalt  }
0x56: {  	_ =	shalt  }
0x57: {  	_ =	shalt  }
0x58: {  	_ =	shalt  }
0x59: {  	_ =	shalt  }
0x5a: {  	_ =	shalt  }
0x5b: {  	_ =	shalt  }
0x5c: {  	_ =	shalt  }
0x5d: {  	_ =	shalt  }
0x5e: {  	_ =	shalt  }
0x5f: {  	_ =	shalt  }
0x60: {  	_ =	shalt  }
0x61: {  	_ =	shalt  }
0x62: {  	_ =	shalt  }
0x63: {  	_ =	shalt  }
0x64: {  	_ =	shalt  }
0x65: {  	_ =	shalt  }
0x66: {  	_ =	shalt  }
0x67: {  	_ =	shalt  }
0x68: {  	_ =	shalt  }
0x69: {  	_ =	shalt  }
0x6a: {  	_ =	shalt  }
0x6b: {  	_ =	shalt  }
0x6c: {  	_ =	shalt  }
0x6d: {  	_ =	shalt  }
0x6e: {  	_ =	shalt  }
0x6f: {  	_ =	shalt  }
0x70: {  	_ =	shalt  }
0x71: {  	_ =	shalt  }
0x72: {  	_ =	shalt  }
0x73: {  	_ =	shalt  }
0x74: {  	_ =	shalt  }
0x75: {  	_ =	shalt  }
0x76: {  	_ =	shalt  }
0x77: {  	_ =	shalt  }
0x78: {  	_ =	shalt  }
0x79: {  	_ =	shalt  }
0x7a: {  	_ =	shalt  }
0x7b: {  	_ =	shalt  }
0x7c: {  	_ =	shalt  }
0x7d: {  	_ =	shalt  }
0x7e: {  	_ =	shalt  }
0x7f: {  	_ =	shalt  }
0x80: {  	_ =	shalt  }
0x81: {  	_ =	shalt  }
0x82: {  	_ =	shalt  }
0x83: {  	_ =	shalt  }
0x84: {  	_ =	shalt  }
0x85: {  	_ =	shalt  }
0x86: {  	_ =	shalt  }
0x87: {  	_ =	shalt  }
.Lfunc_end0:
.L_simem_size_0:
called_computation_lowered:
.L_overlay_start_0:
0x88: {  	s2 =	sld [smem:$0x3FD9]  }
0x89: {  	s3 =	sld [smem:$0x3FFE];
	_ =	sdelay $0x1  }
0x8a: {  	s1 =	srdreg.scid  }
0x8b: {  	s0 =	sand.u32 $0x1, s1  }
0x8c: {  	s17 =	sshll.u32 s0, $0xA;
	s2 =	sadd.s32 s3, s2  }
0x8d: {  	s2 =	sadd.s32 s2, s17  }
0x8e: {  	[smem:$0x3FC2] =	sst s2  }
0x8f: {  	_ = 	snop  }
0x90: {  	s2 =	sld [smem:$0x3FD0];
	(tm) =	ssettm $0x1  }
0x91: {  	s18 =	sld [smem:$0x3FFB];
	_ =	sdelay $0x3  }
0x92: {  	_ =	strace s18  }
0x93: {  	s3 =	sld [smem:$0x3FFC];
	_ =	sdelay $0x3  }
0x94: {  	_ =	strace s3  }
0x95: {  	s3 =	sld [smem:$0x3FFD];
	_ =	sdelay $0x3  }
0x96: {  	_ =	strace s3  }
0x97: {  	_ =	strace $0x8FFFFFFF  }
0x98: {  	s19 =	sld [smem:$0x3FDB];
	_ =	sdelay $0x1  }
0x99: {  	s4 =	simm.s32 $_scs_section_size  }
0x9a: {  	s5 =	simm.s32 $_size__tile_overlayer_lowered;
	s6 =	simm.s32 $_tile_overlayer_lowered  }
0x9b: {  	s22 =	simm.s32 $0x1BFF;
	s21 =	sshll.u32 s6, $0x1;
	s3 =	sadd.s32 s4, s19  }
0x9c: {  	s7 =	simm.s32 $0x0;
	s20 =	sshll.u32 s5, $0x1;
	s5 =	sadd.s32 s21, s3  }
0x9d: {  	[timem:s7], [sflag:s22] =	dma.local [hbm:s5], s20  }
0x9e: {  	_ =	swait.ge [sflag:s22], s20  }
0x9f: {  	s4 =	ssub.s32 $0x0, s20;
	[sflag:s22] =	ssyncset.done $0x0  }
0xa0: {  	[sflag:s22] =	ssyncadd.s32 s4;
	_ =	sdelay $0x1  }
0xa1: {  	s23 =	simm.s32 $0x1B8B  }
0xa2: {  	_ =	swait.ge [sflag:s23], $0x1  }
0xa3: {  	[sflag:s23] =	ssyncset.done $0x0  }
0xa4: {  	s25 =	simm.s32 $0x1B8E;
	s24 =	sld [smem:$0x3FFE];
	[sflag:s23] =	ssyncadd.s32 $0xFFFFFFFF  }
0xa5: {  	s26 =	simm.s32 $execute0_lowered;
	[smem:$0x3FD2] =	sst s25  }
0xa6: {  	s5 =	sshll.u32 s26, $0x1;
	_ =	strace $0x80000046;
	[dreg:$0x1] =	wrdreg $0xFFFFFFFF  }
0xa7: {  	s28 =	simm.s32 $_size_execute0_lowered;
	s3 =	sadd.s32 s3, s5;
	[dreg:$0x0] =	wrdreg $0x0  }
0xa8: {  	s5 =	sshll.u32 s28, $0x1;
	[dreg:$0x2] =	wrdreg s3  }
0xa9: {  	[dreg:$0x3] =	wrdreg s5  }
0xaa: {  	[dreg:$0x4] =	wrdreg $0xC0  }
0xab: {  	_ =	task [dreg:s7], $0x5FFFF  }
0xac: {  	[dreg:$0x1] =	wrdreg $0xFFFFFFFF  }
0xad: {  	[dreg:$0x0] =	wrdreg $0x60  }
0xae: {  	[dreg:$0x2] =	wrdreg s24  }
0xaf: {  	[dreg:$0x3] =	wrdreg s2  }
0xb0: {  	[dreg:$0x4] =	wrdreg $0x99200  }
0xb1: {  	[dreg:$0x5] =	wrdreg $0x9  }
0xb2: {  	_ =	task.clear_ibuf [dreg:s7], $0x6FFFF;
	_ =	strace $0x90000046  }
0xb3: {  	s29 =	simm.s32 $0x9;
	_ =	strace $0x80000048  }
0xb4: {  	_ =	swait.ge [sflag:s29], $0x1  }
0xb5: {  	[sflag:s29] =	ssyncadd.s32 $0xFFFFFFFF  }
0xb6: {  	_ =	strace $0x90000048  }
0xb7: {  	_ =	sfence  }
0xb8: {  	s30 =	sld [smem:$0x0];
	_ =	sdelay $0x2  }
0xb9: {  	s31 =	sshll.u32 s1, $0xD;
	s1 =	sshrl.u32 s1, $0x2  }
0xba: {  	s3 =	sand.u32 $0x4000, s31;
	s1 =	sadd.s32 s1, s30  }
0xbb: {  	s0 =	sor.u32 s3, s0;
	s1 =	sshll.u32 s1, $0x11  }
0xbc: {  	s0 =	sor.u32 s1, s0  }
0xbd: {  	s0 =	sadd.s32 $0x8F2B, s0  }
0xbe: {  	[sflag:s0] =	ssyncadd.remote.s32 $0x1  }
0xbf: {  	_ =	sfence.sel $0xFFFF  }
0xc0: {  	[dreg:$0x0] =	wrdreg $0xFFFFFFFF;
	(pc) =	sbr.abs _section_cstart, $3  }
0xc1: {  	[dreg:$0x1] =	wrdreg $0xFFFFFFFF  }
0xc2: {  	_ =	task.clear_ibuf [dreg:s7], $0x2FFFF;
	_ =	strace $0x9FFFFFFF  }
0xc3: {  	(tm) =	ssettm $0x7FFFFFFF  }
tec
execute0_lowered:
.L_overlay_start_1:
0x0: {  	(tag) =	ssettag $0x1  }
0x1: {  	s0 =	rddreg [dreg:$0x0]  }
0x2: {  	s1 =	srdreg.scid;
	s6 =	rddreg [dreg:$0x1]  }
0x3: {  	s2 =	rddreg [dreg:$0x2];
	s15 =	stileid.u32;
	s3 =	simm.s32 $0x0  }
0x4: {  	s18 =	simm.s32 $0x28;
	s19 =	simm.s32 $0x4E20;
	s20 =	simm.s32 $0x91A0  }
0x5: {  	s21 =	simm.s32 $0x64A0;
	s28 =	simm.s32 $0x2;
	s29 =	simm.s32 $0x4  }
0x6: {  	s30 =	simm.s32 $0x3;
	s31 =	simm.s32 $0x5;
	s17 =	simm.s32 $0x0  }
0x7: {  	s1 =	sand.u32 $0x1, s1;
	[smem:$0x7FF] =	sst s3;
	s9 =	smul.u32 $0x15F00, s15  }
0x8: {  	s5 =	sadd.s32 $0x2C800, s0;
	s13 =	sadd.s32 $0x67600, s0;
	s22 =	sshll.u32 s15, $0x6  }
0x9: {  	p0 =	sne.s32 s15, $0xF;
	s4 =	sshll.u32 s1, $0x4;
	_ =	strace $0x80000047  }
0xa: {  	s7 =	ssub.s32 $0x2, s1;
	s1 =	smul.u32 $0x15F900, s1;
	s4 =	sor.u32 s15, s4  }
0xb: {  	s11 =	sshrl.u32 s9, $0x3;
	s12 =	sshrl.u32 s7, $0x1;
	s14 =	sadd.s32 s9, s2  }
0xc: {  	s15 =	simm.s32 $0x7;
	s8 =	smul.u32 $0x4E2, s4;
	s4 =	sadd.s32 $0x800, s0  }
0xd: {  	s11 =	sadd.s32 s11, s0;
	s12 =	ssub.s32 s7, s12;
	s7 =	sor.u32 $0x1C07, s22  }
0xe: {  	s23 =	sadd.s32 s9, s1;
	s1 =	sshrl.u32 s1, $0x3;
	s14 =	sshrl.u32 s14, $0x3  }
0xf: {  	s11 =	sadd.s32 $0x3B600, s11;
	s1 =	sadd.s32 s13, s1;
	s26 =	smax.u32 s12, $0x1  }
0x10: {  	s10 =	sadd.s32 s8, s0;
	[dreg:$0x4] =	wrdreg s11;
	s11 =	sadd.s32 $0x15F000, s2  }
0x11: {  	s0 =	sadd.s32 $0x67400, s0;
	s6 =	sadd.s32 s6, s8;
	[dreg:$0xa] =	wrdreg s26  }
0x12: {  	s25 =	sadd.s32 $0x2BE00, s1;
	s26 =	simm.s32 $0x96A0;
	[dreg:$0x5] =	wrdreg s0  }
0x13: {  	s24 =	sadd.s32 $0x31800, s10;
	s0 =	sshrl.u32 s23, $0x3;
	[dreg:$0x7] =	wrdreg s6  }
0x14: {  	[dreg:$0x9] =	wrdreg s25;
	s16 =	sshrl.u32 @!p0 s11, $0x3;
	s23 =	simm.s32 $0x9420  }
0x15: {  	s25 =	simm.s32 $0x7B20;
	[dreg:$0x6] =	wrdreg s24;
	s0 =	sadd.s32 s13, s0  }
0x16: {  	s24 =	simm.s32 $0x1;
	[dreg:$0x8] =	wrdreg s0;
	s0 =	simm.s32 $0x6  }
.LBB2_1:
0x17: {  	s1 =	rddreg [dreg:$0x4]  }
0x18: {  	[spmem:s14], [sflag:s7] =	dma.local [hbm:s1], $0x2BE0  }
0x19: {  	_ =	swait.ge [sflag:s15], $0x2BE0  }
0x1a: {  	[sflag:s15] =	ssyncset.done $0x0  }
0x1b: {  	s1 =	rddreg [dreg:$0x5];
	[sflag:s15] =	ssyncadd.s32 $0xFFFFD420  }
0x1c: {  	[spmem:s16], [sflag:s7] =	dma.local @!p0 [hbm:s1], $0x120  }
0x1d: {  	s1 =	simm.s32 @!p0 $0x7  }
0x1e: {  	_ =	swait.ge @!p0 [sflag:s1], $0x120  }
0x1f: {  	[sflag:s1] =	ssyncset.done @!p0 $0x0  }
0x20: {  	s12 =	rddreg [dreg:$0x6];
	[sflag:s1] =	ssyncadd.s32 @!p0 $0xFFFFFEE0  }
0x21: {  	[tilespmem:s3], [sflag:$0x7] =	stream.linear.gather [hbm4b:s12+s3], $0x2710, $0x38;
	[tilespmem:$0x1F8B0] =	vst v63  }
0x22: {  	_ =	swait.ge [sflag:s15], $0x2710  }
0x23: {  	[sflag:s15] =	ssyncset.done $0x0  }
0x24: {  	s6 =	simm.s32 $0x2710;
	s13 =	rddreg [dreg:$0x7];
	[sflag:s15] =	ssyncadd.s32 $0xFFFFD8F0  }
0x25: {  	[tilespmem:s6], [sflag:$0x7] =	stream.linear.gather [hbm4b:s13+s3], $0x2710, $0x38;
	[tilespmem:$0x1F8B0] =	vst v63  }
0x26: {  	_ =	swait.ge [sflag:s15], $0x2710  }
0x27: {  	[sflag:s15] =	ssyncset.done $0x0  }
0x28: {  	[sflag:s15] =	ssyncadd.s32 $0xFFFFD8F0  }
0x29: {  	[bflag:$0x0] =	sbarrier.arrive $0xFFFF  }
0x2a: {  	[tilespmem:s19], [sflag:$0x1] =	stream.indirect.gather [hbm4b:s4+s18], $0x90, s3, s18, $0xb8;
	[tilespmem:$0x1F8B0] =	vst v63  }
0x2b: {  	_ = 	snop  }
0x2c: {  	[tilespmem:s20], [sflag:$0x1] =	stream.indirect.gather [hbm4b:s5+s18], $0x10, s6, s18, $0xb8;
	[tilespmem:$0x1F8B0] =	vst v63  }
0x2d: {  	_ = 	snop  }
0x2e: {  	[tilespmem:s21], [sflag:$0x2] =	stream.indirect.gather [hbm4b:s4+s18], $0x90, s18, s18, $0xb8;
	[tilespmem:$0x1F8B0] =	vst v63  }
0x2f: {  	s22 =	simm.s32 $0x2738  }
0x30: {  	[tilespmem:s23], [sflag:$0x2] =	stream.indirect.gather [hbm4b:s5+s18], $0x10, s22, s18, $0xb8;
	[tilespmem:$0x1F8B0] =	vst v63  }
0x31: {  	s22 =	simm.s32 $0x0  }
.LBB2_2:
0x32: {  	_ =	swait.ge [sflag:s24], $0x1680  }
0x33: {  	[sflag:s24] =	ssyncset.done $0x0  }
0x34: {  	[sflag:s24] =	ssyncadd.s32 $0xFFFFE980  }
0x35: {  	_ =	swait.ge [sflag:s24], $0x280  }
0x36: {  	p1 =	seq.s32 s22, $0x0;
	[sflag:s24] =	ssyncset.done $0x0  }
0x37: {  	s6 =	simm.s32 @!p1 $0x6;
	[sflag:s24] =	ssyncadd.s32 $0xFFFFFD80  }
0x38: {  	s1 =	smul.u32 $0x78, s22;
	_ =	swait.ge @!p1 [sflag:s6], $0x1680  }
0x39: {  	[sflag:s6] =	ssyncset.done @!p1 $0x0  }
0x3a: {  	s13 =	sadd.s32 $0x50, s1;
	[sflag:s6] =	ssyncadd.s32 @!p1 $0xFFFFE980  }
0x3b: {  	[tilespmem:s25], [sflag:$0x3] =	stream.indirect.gather [hbm4b:s4+s18], $0x90, s13, s18, $0xb8;
	[tilespmem:$0x1F8B0] =	vst v63  }
0x3c: {  	s8 =	simm.s32 $0x4EB0;
	s6 =	sadd.s32 $0x2760, s1  }
0x3d: {  	[tilespmem:s26], [sflag:$0x3] =	stream.indirect.gather [hbm4b:s5+s18], $0x10, s6, s18, $0xb8;
	[tilespmem:$0x1F8B0] =	vst v63  }
0x3e: {  	s9 =	simm.s32 $0x91B0;
	v0 =	vld [tilespmem:s8+$0x80]  }
0x3f: {  	v1 =	vld [tilespmem:s9+$0x0]  }
0x40: {  	v2 =	vld [tilespmem:s9+$0xFFFFFFF0]  }
0x41: {  	v3 =	vld [tilespmem:s8+$0xFFFFFFF0]  }
0x42: {  	v15 =	vld [tilespmem:s8+$0xFFFFFF70]  }
0x43: {  	v16 =	vld [tilespmem:s8+$0xFFFFFF80]  }
0x44: {  	v17 =	vld [tilespmem:s8+$0xFFFFFF90]  }
0x45: {  	v18 =	vld [tilespmem:s8+$0xFFFFFFA0];
	v0 =	vadd.f32 v1, v0  }
0x46: {  	v23 =	vld [tilespmem:s8+$0xFFFFFFB0];
	v1 =	vadd.f32 v2, v3  }
0x47: {  	v24 =	vld [tilespmem:s8+$0xFFFFFFC0];
	v2 =	vmul.f32 $2.000000030e-01, v0  }
0x48: {  	v25 =	vld [tilespmem:s8+$0xFFFFFFD0];
	v3 =	vmul.f32 $2.000000030e-01, v1  }
0x49: {  	s10 =	simm.s32 $0x91D0;
	v27 =	vld [tilespmem:s8+$0xFFFFFFE0];
	v0 =	vmax.f32 v0, v2  }
0x4a: {  	s9 =	simm.s32 $0x4FD0;
	v6 =	vld [tilespmem:s10+$0xFFFFFFF0];
	v1 =	vmax.f32 v1, v3;
	v0 =	vmul.f32 $1.442695020e+00, v0  }
0x4b: {  	v8 =	vld [tilespmem:s9+$0xFFFFFFF0];
	v1 =	vmul.f32 $1.442695020e+00, v1  }
0x4c: {  	v31 =	vld [tilespmem:s8+$0x0];
	(erf) = vpow2.f32 v0  }
0x4d: {  	v32 =	vld [tilespmem:s8+$0x10];
	(erf) = vpow2.f32 v1  }
0x4e: {  	v33 =	vld [tilespmem:s8+$0x20]  }
0x4f: {  	v10 =	vld [tilespmem:s8+$0x40]  }
0x50: {  	v7 =	vld [tilespmem:s8+$0x50];
	v11 =	vadd.f32 v6, v8  }
0x51: {  	v5 =	vld [tilespmem:s10+$0x0]  }
0x52: {  	v4 =	vld [tilespmem:s9+$0x80];
	v21 =	vmul.f32 $2.000000030e-01, v11  }
0x53: {  	v3 =	vld [tilespmem:s8+$0x70]  }
0x54: {  	v13 =	vld [tilespmem:s8+$0x60];
	v43 =	vmax.f32 v11, v21  }
0x55: {  	v6 =	vld [tilespmem:s9+$0xFFFFFFC0];
	v43 =	vmul.f32 $1.442695020e+00, v43;
	v26 =	vpop (erf)  }
0x56: {  	v8 =	vld [tilespmem:s9+$0xFFFFFFD0];
	v34 =	vbroadcast v26, $0x0;
	v9 =	vbroadcast v26, $0x7;
	v12 =	vpop (erf)  }
0x57: {  	v2 =	vld [tilespmem:s9+$0xFFFFFF80];
	v28 =	vbroadcast v12, $0x0;
	v29 =	vbroadcast v12, $0x1  }
0x58: {  	v11 =	vld [tilespmem:s9+$0x0];
	v30 =	vbroadcast v12, $0x2;
	v14 =	vmul.f32 v3, v9;
	v9 =	vadd.f32 v5, v4  }
0x59: {  	v0 =	vld [tilespmem:s8+$0x30];
	v37 =	vbroadcast v12, $0x3;
	v38 =	vbroadcast v12, $0x4  }
0x5a: {  	v1 =	vld [tilespmem:s9+$0xFFFFFF70];
	v39 =	vbroadcast v12, $0x5;
	v19 =	vmul.f32 $2.000000030e-01, v9  }
0x5b: {  	v40 =	vbroadcast v12, $0x6;
	v41 =	vbroadcast v12, $0x7;
	[tilespmem:s8+$0xFFFFFFF0] =	vst v12;
	v12 =	vld [tilespmem:s9+$0x20]  }
0x5c: {  	v35 =	vbroadcast v26, $0x1;
	v36 =	vbroadcast v26, $0x2;
	v3 =	vld [tilespmem:s9+$0xFFFFFF90];
	v20 =	vmax.f32 v9, v19  }
0x5d: {  	v22 =	vbroadcast v26, $0x5;
	v4 =	vld [tilespmem:s9+$0xFFFFFFA0];
	v42 =	vmul.f32 $1.442695020e+00, v20  }
0x5e: {  	v21 =	vbroadcast v26, $0x6;
	v5 =	vld [tilespmem:s9+$0xFFFFFFB0];
	v28 =	vmul.f32 v28, v15  }
0x5f: {  	v62 =	vmul.f32 v29, v16;
	v16 =	vld [tilespmem:s9+$0x30];
	(erf) = vpow2.f32 v42  }
0x60: {  	[tilespmem:s8+$0x80] =	vst v26;
	v63 =	vmul.f32 v30, v17;
	v15 =	vld [tilespmem:s9+$0x40];
	v37 =	vmul.f32 v18, v37  }
0x61: {  	v29 =	vmul.f32 v23, v38;
	v17 =	vld [tilespmem:s9+$0x50];
	[tilespmem:s8+$0x70] =	vst v14;
	(erf) = vpow2.f32 v43  }
0x62: {  	v30 =	vmul.f32 v24, v39;
	v18 =	vld [tilespmem:s9+$0x60];
	v24 =	vmul.f32 v34, v31;
	[tilespmem:s8+$0xFFFFFF70] =	vst v28  }
0x63: {  	v23 =	vmul.f32 v36, v33;
	v14 =	vld [tilespmem:s9+$0x10];
	[tilespmem:s8+$0xFFFFFF80] =	vst v62;
	v28 =	vmul.f32 v27, v41  }
0x64: {  	[tilespmem:s8+$0xFFFFFF90] =	vst v63;
	v19 =	vbroadcast v26, $0x3;
	v9 =	vld [tilespmem:s9+$0xFFFFFFE0];
	v20 =	vbroadcast v26, $0x4  }
0x65: {  	s11 =	simm.s32 $0x2;
	s12 =	simm.s32 $0x50F0;
	[tilespmem:s8+$0xFFFFFFA0] =	vst v37;
	v27 =	vmul.f32 v35, v32;
	v26 =	vmul.f32 v25, v40;
	v25 =	vld [tilespmem:s9+$0x70]  }
.LBB2_3:
0x66: {  	v31 =	vld [tilespmem:s12+$0x80];
	s10 =	sadd.s32 $0x20, s10;
	[tilespmem:s8+$0xFFFFFFB0] =	vst v29;
	v19 =	vmul.f32 v0, v19;
	v20 =	vmul.f32 v10, v20;
	v0 =	vmov v16  }
0x67: {  	s11 =	sadd.s32 $0x2, s11;
	v22 =	vmul.f32 v7, v22;
	v21 =	vmul.f32 v13, v21;
	v16 =	vld [tilespmem:s10+$0x0];
	[tilespmem:s8+$0xFFFFFFC0] =	vst v30;
	v10 =	vmov v15  }
0x68: {  	p1 =	slt.u32 s11, $0x26;
	v15 =	vld [tilespmem:s10+$0xFFFFFFF0];
	v29 =	vpop (erf);
	[tilespmem:s8+$0xFFFFFFD0] =	vst v26;
	v7 =	vmov v17  }
0x69: {  	v17 =	vld [tilespmem:s12+$0xFFFFFFF0];
	v32 =	vbroadcast v29, $0x0;
	v26 =	vbroadcast v29, $0x7;
	[tilespmem:s8+$0xFFFFFFE0] =	vst v28;
	v13 =	vmov v18  }
0x6a: {  	v33 =	vbroadcast v29, $0x1;
	v34 =	vbroadcast v29, $0x2;
	v18 =	vld [tilespmem:s12+$0xFFFFFF70];
	v28 =	vpop (erf);
	[tilespmem:s8+$0x0] =	vst v24  }
0x6b: {  	v24 =	vld [tilespmem:s12+$0xFFFFFF80];
	v30 =	vbroadcast v28, $0x0;
	v25 =	vmul.f32 v25, v26;
	[tilespmem:s8+$0x10] =	vst v27  }
0x6c: {  	v27 =	vbroadcast v28, $0x1;
	v26 =	vld [tilespmem:s12+$0xFFFFFF90];
	v16 =	vadd.f32 v16, v31;
	v31 =	vbroadcast v28, $0x2;
	[tilespmem:s8+$0x20] =	vst v23  }
0x6d: {  	v35 =	vbroadcast v28, $0x3;
	v36 =	vbroadcast v28, $0x4;
	v23 =	vld [tilespmem:s12+$0xFFFFFFA0];
	[tilespmem:s9+$0x70] =	vst v25  }
0x6e: {  	v37 =	vbroadcast v28, $0x5;
	v15 =	vadd.f32 v15, v17;
	v17 =	vld [tilespmem:s12+$0xFFFFFFB0];
	v25 =	vmul.f32 $2.000000030e-01, v16;
	[tilespmem:s8+$0x30] =	vst v19  }
0x6f: {  	v39 =	vbroadcast v28, $0x6;
	v40 =	vbroadcast v28, $0x7;
	v38 =	vld [tilespmem:s12+$0xFFFFFFC0];
	[tilespmem:s8+$0x40] =	vst v20  }
0x70: {  	v19 =	vbroadcast v29, $0x3;
	v41 =	vmul.f32 $2.000000030e-01, v15;
	v42 =	vld [tilespmem:s12+$0xFFFFFFD0];
	v16 =	vmax.f32 v16, v25;
	[tilespmem:s8+$0x50] =	vst v22  }
0x71: {  	v20 =	vbroadcast v29, $0x4;
	v25 =	vld [tilespmem:s12+$0xFFFFFFE0];
	v16 =	vmul.f32 $1.442695020e+00, v16;
	[tilespmem:s8+$0x60] =	vst v21;
	s8 =	smov.u32 s9;
	s9 =	smov.u32 s12  }
0x72: {  	v22 =	vbroadcast v29, $0x5;
	v21 =	vbroadcast v29, $0x6;
	v15 =	vmax.f32 v15, v41;
	v41 =	vld [tilespmem:s12+$0x0];
	[tilespmem:s8+$0xFFFFFFF0] =	vst v28  }
0x73: {  	v15 =	vmul.f32 $1.442695020e+00, v15;
	v43 =	vld [tilespmem:s12+$0x10];
	(erf) = vpow2.f32 v16;
	[tilespmem:s8+$0x80] =	vst v29  }
0x74: {  	v27 =	vmul.f32 v27, v2;
	v2 =	vmovc v24;
	v28 =	vmul.f32 v30, v1;
	v1 =	vmov v18;
	v44 =	vld [tilespmem:s12+$0x20]  }
.Ltmp0:
0x75: {  	v24 =	vmul.f32 v31, v3;
	v3 =	vmov v26;
	v16 =	vld [tilespmem:s12+$0x30];
	(erf) = vpow2.f32 v15;
	(pc) =	sbr.rel @p1 .LBB2_3-.Ltmp0, $4  }
0x76: {  	v31 =	vmul.f32 v4, v35;
	v4 =	vmovc v23;
	v29 =	vmul.f32 v5, v36;
	v5 =	vmov v17;
	v15 =	vld [tilespmem:s12+$0x40];
	[tilespmem:s8+$0xFFFFFF70] =	vst v28  }
0x77: {  	v26 =	vmul.f32 v8, v39;
	v30 =	vmul.f32 v6, v37;
	v6 =	vmovc v38;
	v8 =	vmov v42;
	v17 =	vld [tilespmem:s12+$0x50];
	[tilespmem:s8+$0xFFFFFF80] =	vst v27  }
0x78: {  	v28 =	vmul.f32 v9, v40;
	v9 =	vmovc v25;
	v18 =	vld [tilespmem:s12+$0x60];
	[tilespmem:s8+$0xFFFFFF90] =	vst v24;
	v24 =	vmul.f32 v32, v11;
	v11 =	vmov v41  }
0x79: {  	v23 =	vmul.f32 v34, v12;
	v27 =	vmul.f32 v33, v14;
	s12 =	sadd.s32 $0x120, s12;
	v14 =	vmovc v43;
	v25 =	vld [tilespmem:s9+$0x70];
	[tilespmem:s8+$0xFFFFFFA0] =	vst v31;
	v12 =	vmov v44  }
0x7a: {  	[tilespmem:s8+$0xFFFFFFB0] =	vst v29  }
0x7b: {  	[tilespmem:s8+$0xFFFFFFC0] =	vst v30  }
0x7c: {  	[tilespmem:s8+$0xFFFFFFD0] =	vst v26  }
0x7d: {  	[tilespmem:s8+$0xFFFFFFE0] =	vst v28  }
0x7e: {  	[tilespmem:s8+$0x0] =	vst v24  }
0x7f: {  	v0 =	vmul.f32 v0, v19;
	[tilespmem:s8+$0x10] =	vst v27  }
0x80: {  	v10 =	vmul.f32 v10, v20;
	[tilespmem:s8+$0x20] =	vst v23  }
0x81: {  	v7 =	vmul.f32 v7, v22;
	[tilespmem:s8+$0x30] =	vst v0  }
0x82: {  	v29 =	vpop (erf);
	[tilespmem:s8+$0x40] =	vst v10  }
0x83: {  	v0 =	vmul.f32 v13, v21;
	[tilespmem:s8+$0x50] =	vst v7;
	v26 =	vbroadcast v29, $0x7;
	v13 =	vpop (erf)  }
0x84: {  	[tilespmem:s9+$0x80] =	vst v29;
	v10 =	vbroadcast v13, $0x0  }
0x85: {  	[tilespmem:s8+$0x60] =	vst v0;
	v24 =	vmul.f32 v25, v26;
	v7 =	vbroadcast v13, $0x1  }
0x86: {  	v0 =	vbroadcast v13, $0x2;
	[tilespmem:s9+$0xFFFFFFF0] =	vst v13;
	v1 =	vmul.f32 v10, v1  }
0x87: {  	[tilespmem:s9+$0x70] =	vst v24;
	v10 =	vbroadcast v13, $0x3;
	v2 =	vmul.f32 v7, v2  }
0x88: {  	v7 =	vbroadcast v13, $0x4;
	v0 =	vmul.f32 v0, v3;
	[tilespmem:s9+$0xFFFFFF70] =	vst v1  }
0x89: {  	v1 =	vbroadcast v13, $0x5;
	v3 =	vmul.f32 v4, v10;
	[tilespmem:s9+$0xFFFFFF80] =	vst v2  }
0x8a: {  	v2 =	vbroadcast v13, $0x6;
	v4 =	vmul.f32 v5, v7;
	[tilespmem:s9+$0xFFFFFF90] =	vst v0  }
0x8b: {  	v0 =	vbroadcast v13, $0x7;
	v1 =	vmul.f32 v6, v1;
	[tilespmem:s9+$0xFFFFFFA0] =	vst v3  }
0x8c: {  	v3 =	vbroadcast v29, $0x0;
	v2 =	vmul.f32 v8, v2;
	[tilespmem:s9+$0xFFFFFFB0] =	vst v4  }
0x8d: {  	v4 =	vbroadcast v29, $0x1;
	v0 =	vmul.f32 v9, v0;
	[tilespmem:s9+$0xFFFFFFC0] =	vst v1  }
0x8e: {  	v1 =	vbroadcast v29, $0x2;
	v3 =	vmul.f32 v3, v11;
	[tilespmem:s9+$0xFFFFFFD0] =	vst v2  }
0x8f: {  	v2 =	vbroadcast v29, $0x3;
	v4 =	vmul.f32 v4, v14;
	[tilespmem:s9+$0xFFFFFFE0] =	vst v0  }
0x90: {  	v0 =	vbroadcast v29, $0x4;
	v1 =	vmul.f32 v1, v12;
	[tilespmem:s9+$0x0] =	vst v3  }
0x91: {  	v3 =	vbroadcast v29, $0x5;
	v2 =	vmul.f32 v16, v2;
	[tilespmem:s9+$0x10] =	vst v4  }
0x92: {  	v4 =	vbroadcast v29, $0x6;
	v0 =	vmul.f32 v15, v0;
	[tilespmem:s9+$0x20] =	vst v1  }
0x93: {  	s13 =	smul.u32 $0x1E0, s22;
	v1 =	vmul.f32 v17, v3;
	[tilespmem:s9+$0x30] =	vst v2  }
0x94: {  	v2 =	vmul.f32 v18, v4;
	[tilespmem:s9+$0x40] =	vst v0  }
0x95: {  	s8 =	sshra.s32 s13, $0x2;
	[tilespmem:s9+$0x50] =	vst v1  }
0x96: {  	s10 =	sadd.s32 $0x2710, s8;
	[tilespmem:s9+$0x60] =	vst v2  }
0x97: {  	[spmem:s2] =	stream.indirect.scatter.add.f32 [tilespmem:s19], [sflag:$0x4], $0x90, s10, s18, $0xb8;
	[tilespmem:$0x1F8B0] =	vst v63  }
0x98: {  	_ =	swait.ge [sflag:s28], $0x1680  }
0x99: {  	[sflag:s28] =	ssyncset.done $0x0  }
0x9a: {  	[sflag:s28] =	ssyncadd.s32 $0xFFFFE980  }
0x9b: {  	_ =	swait.ge [sflag:s28], $0x280  }
0x9c: {  	[sflag:s28] =	ssyncset.done $0x0  }
0x9d: {  	[sflag:s28] =	ssyncadd.s32 $0xFFFFFD80  }
0x9e: {  	_ =	swait.ge [sflag:s29], $0x1680  }
0x9f: {  	[sflag:s29] =	ssyncset.done $0x0  }
0xa0: {  	s11 =	sadd.s32 $0x78, s1;
	[sflag:s29] =	ssyncadd.s32 $0xFFFFE980  }
0xa1: {  	[tilespmem:s19], [sflag:$0x1] =	stream.indirect.gather [hbm4b:s4+s18], $0x90, s11, s18, $0xb8;
	[tilespmem:$0x1F8B0] =	vst v63  }
0xa2: {  	s12 =	sadd.s32 $0x2788, s1;
	s10 =	simm.s32 $0x6530  }
0xa3: {  	[tilespmem:s20], [sflag:$0x1] =	stream.indirect.gather [hbm4b:s5+s18], $0x10, s12, s18, $0xb8;
	[tilespmem:$0x1F8B0] =	vst v63  }
0xa4: {  	s13 =	simm.s32 $0x9430;
	v0 =	vld [tilespmem:s10+$0x80]  }
0xa5: {  	v1 =	vld [tilespmem:s13+$0x0]  }
0xa6: {  	v2 =	vld [tilespmem:s13+$0xFFFFFFF0]  }
0xa7: {  	v3 =	vld [tilespmem:s10+$0xFFFFFFF0]  }
0xa8: {  	v15 =	vld [tilespmem:s10+$0xFFFFFF70]  }
0xa9: {  	v16 =	vld [tilespmem:s10+$0xFFFFFF80]  }
0xaa: {  	v17 =	vld [tilespmem:s10+$0xFFFFFF90]  }
0xab: {  	v18 =	vld [tilespmem:s10+$0xFFFFFFA0];
	v0 =	vadd.f32 v1, v0  }
0xac: {  	v23 =	vld [tilespmem:s10+$0xFFFFFFB0];
	v1 =	vadd.f32 v2, v3  }
0xad: {  	v24 =	vld [tilespmem:s10+$0xFFFFFFC0];
	v2 =	vmul.f32 $2.000000030e-01, v0  }
0xae: {  	v25 =	vld [tilespmem:s10+$0xFFFFFFD0];
	v3 =	vmul.f32 $2.000000030e-01, v1  }
0xaf: {  	s11 =	simm.s32 $0x9450;
	v27 =	vld [tilespmem:s10+$0xFFFFFFE0];
	v0 =	vmax.f32 v0, v2  }
0xb0: {  	s9 =	simm.s32 $0x6650;
	v6 =	vld [tilespmem:s11+$0xFFFFFFF0];
	v1 =	vmax.f32 v1, v3;
	v0 =	vmul.f32 $1.442695020e+00, v0  }
0xb1: {  	v8 =	vld [tilespmem:s9+$0xFFFFFFF0];
	v1 =	vmul.f32 $1.442695020e+00, v1  }
0xb2: {  	v31 =	vld [tilespmem:s10+$0x0];
	(erf) = vpow2.f32 v0  }
0xb3: {  	v32 =	vld [tilespmem:s10+$0x10];
	(erf) = vpow2.f32 v1  }
0xb4: {  	v33 =	vld [tilespmem:s10+$0x20]  }
0xb5: {  	v10 =	vld [tilespmem:s10+$0x40]  }
0xb6: {  	v7 =	vld [tilespmem:s10+$0x50];
	v11 =	vadd.f32 v6, v8  }
0xb7: {  	v4 =	vld [tilespmem:s9+$0x80]  }
0xb8: {  	v5 =	vld [tilespmem:s11+$0x0];
	v21 =	vmul.f32 $2.000000030e-01, v11  }
0xb9: {  	v3 =	vld [tilespmem:s10+$0x70]  }
0xba: {  	v13 =	vld [tilespmem:s10+$0x60];
	v43 =	vmax.f32 v11, v21  }
0xbb: {  	v6 =	vld [tilespmem:s9+$0xFFFFFFC0];
	v43 =	vmul.f32 $1.442695020e+00, v43;
	v26 =	vpop (erf)  }
0xbc: {  	v8 =	vld [tilespmem:s9+$0xFFFFFFD0];
	v34 =	vbroadcast v26, $0x0;
	v9 =	vbroadcast v26, $0x7;
	v12 =	vpop (erf)  }
0xbd: {  	v2 =	vld [tilespmem:s9+$0xFFFFFF80];
	v28 =	vbroadcast v12, $0x0;
	v29 =	vbroadcast v12, $0x1  }
0xbe: {  	v11 =	vld [tilespmem:s9+$0x0];
	v30 =	vbroadcast v12, $0x2;
	v14 =	vmul.f32 v3, v9;
	v9 =	vadd.f32 v5, v4  }
0xbf: {  	v0 =	vld [tilespmem:s10+$0x30];
	v37 =	vbroadcast v12, $0x3;
	v38 =	vbroadcast v12, $0x4  }
0xc0: {  	v1 =	vld [tilespmem:s9+$0xFFFFFF70];
	v39 =	vbroadcast v12, $0x5;
	v19 =	vmul.f32 $2.000000030e-01, v9  }
0xc1: {  	v40 =	vbroadcast v12, $0x6;
	v41 =	vbroadcast v12, $0x7;
	[tilespmem:s10+$0xFFFFFFF0] =	vst v12;
	v12 =	vld [tilespmem:s9+$0x20]  }
0xc2: {  	v35 =	vbroadcast v26, $0x1;
	v36 =	vbroadcast v26, $0x2;
	v3 =	vld [tilespmem:s9+$0xFFFFFF90];
	v20 =	vmax.f32 v9, v19  }
0xc3: {  	v22 =	vbroadcast v26, $0x5;
	v4 =	vld [tilespmem:s9+$0xFFFFFFA0];
	v42 =	vmul.f32 $1.442695020e+00, v20  }
0xc4: {  	v21 =	vbroadcast v26, $0x6;
	v5 =	vld [tilespmem:s9+$0xFFFFFFB0];
	v28 =	vmul.f32 v28, v15  }
0xc5: {  	v62 =	vmul.f32 v29, v16;
	v16 =	vld [tilespmem:s9+$0x30];
	(erf) = vpow2.f32 v42  }
0xc6: {  	[tilespmem:s10+$0x80] =	vst v26;
	v63 =	vmul.f32 v30, v17;
	v15 =	vld [tilespmem:s9+$0x40];
	v37 =	vmul.f32 v18, v37  }
0xc7: {  	v29 =	vmul.f32 v23, v38;
	v17 =	vld [tilespmem:s9+$0x50];
	[tilespmem:s10+$0x70] =	vst v14;
	(erf) = vpow2.f32 v43  }
0xc8: {  	v30 =	vmul.f32 v24, v39;
	v18 =	vld [tilespmem:s9+$0x60];
	v24 =	vmul.f32 v34, v31;
	[tilespmem:s10+$0xFFFFFF70] =	vst v28  }
0xc9: {  	v23 =	vmul.f32 v36, v33;
	v14 =	vld [tilespmem:s9+$0x10];
	[tilespmem:s10+$0xFFFFFF80] =	vst v62;
	v28 =	vmul.f32 v27, v41  }
0xca: {  	[tilespmem:s10+$0xFFFFFF90] =	vst v63;
	v19 =	vbroadcast v26, $0x3;
	v9 =	vld [tilespmem:s9+$0xFFFFFFE0];
	v20 =	vbroadcast v26, $0x4  }
0xcb: {  	s12 =	simm.s32 $0x2;
	s13 =	simm.s32 $0x6770;
	[tilespmem:s10+$0xFFFFFFA0] =	vst v37;
	v27 =	vmul.f32 v35, v32;
	v26 =	vmul.f32 v25, v40;
	v25 =	vld [tilespmem:s9+$0x70]  }
.LBB2_5:
0xcc: {  	v31 =	vld [tilespmem:s13+$0x80];
	s11 =	sadd.s32 $0x20, s11;
	[tilespmem:s10+$0xFFFFFFB0] =	vst v29;
	v19 =	vmul.f32 v0, v19;
	v20 =	vmul.f32 v10, v20;
	v0 =	vmov v16  }
0xcd: {  	s12 =	sadd.s32 $0x2, s12;
	v22 =	vmul.f32 v7, v22;
	v21 =	vmul.f32 v13, v21;
	v16 =	vld [tilespmem:s11+$0x0];
	[tilespmem:s10+$0xFFFFFFC0] =	vst v30;
	v10 =	vmov v15  }
0xce: {  	p1 =	slt.u32 s12, $0x26;
	v15 =	vld [tilespmem:s11+$0xFFFFFFF0];
	v29 =	vpop (erf);
	[tilespmem:s10+$0xFFFFFFD0] =	vst v26;
	v7 =	vmov v17  }
0xcf: {  	v17 =	vld [tilespmem:s13+$0xFFFFFFF0];
	v32 =	vbroadcast v29, $0x0;
	v26 =	vbroadcast v29, $0x7;
	[tilespmem:s10+$0xFFFFFFE0] =	vst v28;
	v13 =	vmov v18  }
0xd0: {  	v33 =	vbroadcast v29, $0x1;
	v34 =	vbroadcast v29, $0x2;
	v18 =	vld [tilespmem:s13+$0xFFFFFF70];
	v28 =	vpop (erf);
	[tilespmem:s10+$0x0] =	vst v24  }
0xd1: {  	v24 =	vld [tilespmem:s13+$0xFFFFFF80];
	v30 =	vbroadcast v28, $0x0;
	v25 =	vmul.f32 v25, v26;
	[tilespmem:s10+$0x10] =	vst v27  }
0xd2: {  	v27 =	vbroadcast v28, $0x1;
	v26 =	vld [tilespmem:s13+$0xFFFFFF90];
	v16 =	vadd.f32 v16, v31;
	v31 =	vbroadcast v28, $0x2;
	[tilespmem:s10+$0x20] =	vst v23  }
0xd3: {  	v35 =	vbroadcast v28, $0x3;
	v36 =	vbroadcast v28, $0x4;
	v23 =	vld [tilespmem:s13+$0xFFFFFFA0];
	[tilespmem:s9+$0x70] =	vst v25  }
0xd4: {  	v37 =	vbroadcast v28, $0x5;
	v15 =	vadd.f32 v15, v17;
	v17 =	vld [tilespmem:s13+$0xFFFFFFB0];
	v25 =	vmul.f32 $2.000000030e-01, v16;
	[tilespmem:s10+$0x30] =	vst v19  }
0xd5: {  	v39 =	vbroadcast v28, $0x6;
	v40 =	vbroadcast v28, $0x7;
	v38 =	vld [tilespmem:s13+$0xFFFFFFC0];
	[tilespmem:s10+$0x40] =	vst v20  }
0xd6: {  	v19 =	vbroadcast v29, $0x3;
	v41 =	vmul.f32 $2.000000030e-01, v15;
	v42 =	vld [tilespmem:s13+$0xFFFFFFD0];
	v16 =	vmax.f32 v16, v25;
	[tilespmem:s10+$0x50] =	vst v22  }
0xd7: {  	v20 =	vbroadcast v29, $0x4;
	v25 =	vld [tilespmem:s13+$0xFFFFFFE0];
	v16 =	vmul.f32 $1.442695020e+00, v16;
	[tilespmem:s10+$0x60] =	vst v21;
	s10 =	smov.u32 s9;
	s9 =	smov.u32 s13  }
0xd8: {  	v22 =	vbroadcast v29, $0x5;
	v21 =	vbroadcast v29, $0x6;
	v15 =	vmax.f32 v15, v41;
	v41 =	vld [tilespmem:s13+$0x0];
	[tilespmem:s10+$0xFFFFFFF0] =	vst v28  }
0xd9: {  	v15 =	vmul.f32 $1.442695020e+00, v15;
	v43 =	vld [tilespmem:s13+$0x10];
	(erf) = vpow2.f32 v16;
	[tilespmem:s10+$0x80] =	vst v29  }
0xda: {  	v27 =	vmul.f32 v27, v2;
	v2 =	vmovc v24;
	v28 =	vmul.f32 v30, v1;
	v1 =	vmov v18;
	v44 =	vld [tilespmem:s13+$0x20]  }
.Ltmp1:
0xdb: {  	v24 =	vmul.f32 v31, v3;
	v3 =	vmov v26;
	v16 =	vld [tilespmem:s13+$0x30];
	(erf) = vpow2.f32 v15;
	(pc) =	sbr.rel @p1 .LBB2_5-.Ltmp1, $4  }
0xdc: {  	v31 =	vmul.f32 v4, v35;
	v4 =	vmovc v23;
	v29 =	vmul.f32 v5, v36;
	v5 =	vmov v17;
	v15 =	vld [tilespmem:s13+$0x40];
	[tilespmem:s10+$0xFFFFFF70] =	vst v28  }
0xdd: {  	v26 =	vmul.f32 v8, v39;
	v30 =	vmul.f32 v6, v37;
	v6 =	vmovc v38;
	v8 =	vmov v42;
	v17 =	vld [tilespmem:s13+$0x50];
	[tilespmem:s10+$0xFFFFFF80] =	vst v27  }
0xde: {  	v28 =	vmul.f32 v9, v40;
	v9 =	vmovc v25;
	v18 =	vld [tilespmem:s13+$0x60];
	[tilespmem:s10+$0xFFFFFF90] =	vst v24;
	v24 =	vmul.f32 v32, v11;
	v11 =	vmov v41  }
0xdf: {  	v23 =	vmul.f32 v34, v12;
	v27 =	vmul.f32 v33, v14;
	s13 =	sadd.s32 $0x120, s13;
	v14 =	vmovc v43;
	v25 =	vld [tilespmem:s9+$0x70];
	[tilespmem:s10+$0xFFFFFFA0] =	vst v31;
	v12 =	vmov v44  }
0xe0: {  	[tilespmem:s10+$0xFFFFFFB0] =	vst v29  }
0xe1: {  	[tilespmem:s10+$0xFFFFFFC0] =	vst v30  }
0xe2: {  	[tilespmem:s10+$0xFFFFFFD0] =	vst v26  }
0xe3: {  	[tilespmem:s10+$0xFFFFFFE0] =	vst v28  }
0xe4: {  	[tilespmem:s10+$0x0] =	vst v24  }
0xe5: {  	v0 =	vmul.f32 v0, v19;
	[tilespmem:s10+$0x10] =	vst v27  }
0xe6: {  	v10 =	vmul.f32 v10, v20;
	[tilespmem:s10+$0x20] =	vst v23  }
0xe7: {  	v7 =	vmul.f32 v7, v22;
	[tilespmem:s10+$0x30] =	vst v0  }
0xe8: {  	v29 =	vpop (erf);
	[tilespmem:s10+$0x40] =	vst v10  }
0xe9: {  	v0 =	vmul.f32 v13, v21;
	[tilespmem:s10+$0x50] =	vst v7;
	v26 =	vbroadcast v29, $0x7;
	v13 =	vpop (erf)  }
0xea: {  	[tilespmem:s9+$0x80] =	vst v29;
	v10 =	vbroadcast v13, $0x0  }
0xeb: {  	[tilespmem:s10+$0x60] =	vst v0;
	v24 =	vmul.f32 v25, v26;
	v7 =	vbroadcast v13, $0x1  }
0xec: {  	v0 =	vbroadcast v13, $0x2;
	[tilespmem:s9+$0xFFFFFFF0] =	vst v13;
	v1 =	vmul.f32 v10, v1  }
0xed: {  	[tilespmem:s9+$0x70] =	vst v24;
	v10 =	vbroadcast v13, $0x3;
	v2 =	vmul.f32 v7, v2  }
0xee: {  	v7 =	vbroadcast v13, $0x4;
	v0 =	vmul.f32 v0, v3;
	[tilespmem:s9+$0xFFFFFF70] =	vst v1  }
0xef: {  	v1 =	vbroadcast v13, $0x5;
	v3 =	vmul.f32 v4, v10;
	[tilespmem:s9+$0xFFFFFF80] =	vst v2  }
0xf0: {  	v2 =	vbroadcast v13, $0x6;
	v4 =	vmul.f32 v5, v7;
	[tilespmem:s9+$0xFFFFFF90] =	vst v0  }
0xf1: {  	v0 =	vbroadcast v13, $0x7;
	v1 =	vmul.f32 v6, v1;
	[tilespmem:s9+$0xFFFFFFA0] =	vst v3  }
0xf2: {  	v3 =	vbroadcast v29, $0x0;
	v2 =	vmul.f32 v8, v2;
	[tilespmem:s9+$0xFFFFFFB0] =	vst v4  }
0xf3: {  	v4 =	vbroadcast v29, $0x1;
	v0 =	vmul.f32 v9, v0;
	[tilespmem:s9+$0xFFFFFFC0] =	vst v1  }
0xf4: {  	v1 =	vbroadcast v29, $0x2;
	v3 =	vmul.f32 v3, v11;
	[tilespmem:s9+$0xFFFFFFD0] =	vst v2  }
0xf5: {  	v2 =	vbroadcast v29, $0x3;
	v4 =	vmul.f32 v4, v14;
	[tilespmem:s9+$0xFFFFFFE0] =	vst v0  }
0xf6: {  	v0 =	vbroadcast v29, $0x4;
	v1 =	vmul.f32 v1, v12;
	[tilespmem:s9+$0x0] =	vst v3  }
0xf7: {  	v3 =	vbroadcast v29, $0x5;
	v2 =	vmul.f32 v16, v2;
	[tilespmem:s9+$0x10] =	vst v4  }
0xf8: {  	v4 =	vbroadcast v29, $0x6;
	v0 =	vmul.f32 v15, v0;
	[tilespmem:s9+$0x20] =	vst v1  }
0xf9: {  	v1 =	vmul.f32 v17, v3;
	[tilespmem:s9+$0x30] =	vst v2  }
0xfa: {  	v2 =	vmul.f32 v18, v4;
	[tilespmem:s9+$0x40] =	vst v0  }
0xfb: {  	[tilespmem:s9+$0x50] =	vst v1  }
0xfc: {  	s8 =	sadd.s32 $0x2738, s8;
	[tilespmem:s9+$0x60] =	vst v2  }
0xfd: {  	[spmem:s2] =	stream.indirect.scatter.add.f32 [tilespmem:s21], [sflag:$0x5], $0x90, s8, s18, $0xb8;
	[tilespmem:$0x1F8B0] =	vst v63  }
0xfe: {  	_ =	swait.ge [sflag:s30], $0x1680  }
0xff: {  	[sflag:s30] =	ssyncset.done $0x0  }
0x100: {  	[sflag:s30] =	ssyncadd.s32 $0xFFFFE980  }
0x101: {  	_ =	swait.ge [sflag:s30], $0x280  }
0x102: {  	[sflag:s30] =	ssyncset.done $0x0  }
0x103: {  	[sflag:s30] =	ssyncadd.s32 $0xFFFFFD80  }
0x104: {  	_ =	swait.ge [sflag:s31], $0x1680  }
0x105: {  	[sflag:s31] =	ssyncset.done $0x0  }
0x106: {  	s11 =	sadd.s32 $0xA0, s1;
	[sflag:s31] =	ssyncadd.s32 $0xFFFFE980  }
0x107: {  	[tilespmem:s21], [sflag:$0x2] =	stream.indirect.gather [hbm4b:s4+s18], $0x90, s11, s18, $0xb8;
	[tilespmem:$0x1F8B0] =	vst v63  }
0x108: {  	s12 =	sadd.s32 $0x27B0, s1;
	s8 =	simm.s32 $0x7BB0  }
0x109: {  	[tilespmem:s23], [sflag:$0x2] =	stream.indirect.gather [hbm4b:s5+s18], $0x10, s12, s18, $0xb8;
	[tilespmem:$0x1F8B0] =	vst v63  }
0x10a: {  	s13 =	simm.s32 $0x96B0;
	v0 =	vld [tilespmem:s8+$0x80]  }
0x10b: {  	v1 =	vld [tilespmem:s13+$0x0]  }
0x10c: {  	v2 =	vld [tilespmem:s13+$0xFFFFFFF0]  }
0x10d: {  	v3 =	vld [tilespmem:s8+$0xFFFFFFF0]  }
0x10e: {  	v15 =	vld [tilespmem:s8+$0xFFFFFF70]  }
0x10f: {  	v16 =	vld [tilespmem:s8+$0xFFFFFF80]  }
0x110: {  	v17 =	vld [tilespmem:s8+$0xFFFFFF90]  }
0x111: {  	v18 =	vld [tilespmem:s8+$0xFFFFFFA0];
	v0 =	vadd.f32 v1, v0  }
0x112: {  	v23 =	vld [tilespmem:s8+$0xFFFFFFB0];
	v1 =	vadd.f32 v2, v3  }
0x113: {  	v24 =	vld [tilespmem:s8+$0xFFFFFFC0];
	v2 =	vmul.f32 $2.000000030e-01, v0  }
0x114: {  	v25 =	vld [tilespmem:s8+$0xFFFFFFD0];
	v3 =	vmul.f32 $2.000000030e-01, v1  }
0x115: {  	s9 =	simm.s32 $0x96D0;
	v27 =	vld [tilespmem:s8+$0xFFFFFFE0];
	v0 =	vmax.f32 v0, v2  }
0x116: {  	s1 =	simm.s32 $0x7CD0;
	v6 =	vld [tilespmem:s9+$0xFFFFFFF0];
	v1 =	vmax.f32 v1, v3;
	v0 =	vmul.f32 $1.442695020e+00, v0  }
0x117: {  	v8 =	vld [tilespmem:s1+$0xFFFFFFF0];
	v1 =	vmul.f32 $1.442695020e+00, v1  }
0x118: {  	v31 =	vld [tilespmem:s8+$0x0];
	(erf) = vpow2.f32 v0  }
0x119: {  	v32 =	vld [tilespmem:s8+$0x10];
	(erf) = vpow2.f32 v1  }
0x11a: {  	v33 =	vld [tilespmem:s8+$0x20]  }
0x11b: {  	v10 =	vld [tilespmem:s8+$0x40]  }
0x11c: {  	v7 =	vld [tilespmem:s8+$0x50];
	v11 =	vadd.f32 v6, v8  }
0x11d: {  	v4 =	vld [tilespmem:s1+$0x80]  }
0x11e: {  	v5 =	vld [tilespmem:s9+$0x0];
	v21 =	vmul.f32 $2.000000030e-01, v11  }
0x11f: {  	v3 =	vld [tilespmem:s8+$0x70]  }
0x120: {  	v13 =	vld [tilespmem:s8+$0x60];
	v43 =	vmax.f32 v11, v21  }
0x121: {  	v6 =	vld [tilespmem:s1+$0xFFFFFFC0];
	v43 =	vmul.f32 $1.442695020e+00, v43;
	v26 =	vpop (erf)  }
0x122: {  	v8 =	vld [tilespmem:s1+$0xFFFFFFD0];
	v34 =	vbroadcast v26, $0x0;
	v9 =	vbroadcast v26, $0x7;
	v12 =	vpop (erf)  }
0x123: {  	v2 =	vld [tilespmem:s1+$0xFFFFFF80];
	v28 =	vbroadcast v12, $0x0;
	v29 =	vbroadcast v12, $0x1  }
0x124: {  	v11 =	vld [tilespmem:s1+$0x0];
	v30 =	vbroadcast v12, $0x2;
	v14 =	vmul.f32 v3, v9;
	v9 =	vadd.f32 v5, v4  }
0x125: {  	v0 =	vld [tilespmem:s8+$0x30];
	v37 =	vbroadcast v12, $0x3;
	v38 =	vbroadcast v12, $0x4  }
0x126: {  	v1 =	vld [tilespmem:s1+$0xFFFFFF70];
	v39 =	vbroadcast v12, $0x5;
	v19 =	vmul.f32 $2.000000030e-01, v9  }
0x127: {  	v40 =	vbroadcast v12, $0x6;
	v41 =	vbroadcast v12, $0x7;
	[tilespmem:s8+$0xFFFFFFF0] =	vst v12;
	v12 =	vld [tilespmem:s1+$0x20]  }
0x128: {  	v35 =	vbroadcast v26, $0x1;
	v36 =	vbroadcast v26, $0x2;
	v3 =	vld [tilespmem:s1+$0xFFFFFF90];
	v20 =	vmax.f32 v9, v19  }
0x129: {  	v22 =	vbroadcast v26, $0x5;
	v4 =	vld [tilespmem:s1+$0xFFFFFFA0];
	v42 =	vmul.f32 $1.442695020e+00, v20  }
0x12a: {  	v21 =	vbroadcast v26, $0x6;
	v5 =	vld [tilespmem:s1+$0xFFFFFFB0];
	v28 =	vmul.f32 v28, v15  }
0x12b: {  	v62 =	vmul.f32 v29, v16;
	v16 =	vld [tilespmem:s1+$0x30];
	(erf) = vpow2.f32 v42  }
0x12c: {  	[tilespmem:s8+$0x80] =	vst v26;
	v63 =	vmul.f32 v30, v17;
	v15 =	vld [tilespmem:s1+$0x40];
	v37 =	vmul.f32 v18, v37  }
0x12d: {  	v29 =	vmul.f32 v23, v38;
	v17 =	vld [tilespmem:s1+$0x50];
	[tilespmem:s8+$0x70] =	vst v14;
	(erf) = vpow2.f32 v43  }
0x12e: {  	v30 =	vmul.f32 v24, v39;
	v18 =	vld [tilespmem:s1+$0x60];
	v24 =	vmul.f32 v34, v31;
	[tilespmem:s8+$0xFFFFFF70] =	vst v28  }
0x12f: {  	v23 =	vmul.f32 v36, v33;
	v14 =	vld [tilespmem:s1+$0x10];
	[tilespmem:s8+$0xFFFFFF80] =	vst v62;
	v28 =	vmul.f32 v27, v41  }
0x130: {  	[tilespmem:s8+$0xFFFFFF90] =	vst v63;
	v19 =	vbroadcast v26, $0x3;
	v9 =	vld [tilespmem:s1+$0xFFFFFFE0];
	v20 =	vbroadcast v26, $0x4  }
0x131: {  	s10 =	simm.s32 $0x2;
	s11 =	simm.s32 $0x7DF0;
	[tilespmem:s8+$0xFFFFFFA0] =	vst v37;
	v27 =	vmul.f32 v35, v32;
	v26 =	vmul.f32 v25, v40;
	v25 =	vld [tilespmem:s1+$0x70]  }
.LBB2_7:
0x132: {  	v31 =	vld [tilespmem:s11+$0x80];
	s9 =	sadd.s32 $0x20, s9;
	[tilespmem:s8+$0xFFFFFFB0] =	vst v29;
	v19 =	vmul.f32 v0, v19;
	v20 =	vmul.f32 v10, v20;
	v0 =	vmov v16  }
0x133: {  	s10 =	sadd.s32 $0x2, s10;
	v22 =	vmul.f32 v7, v22;
	v21 =	vmul.f32 v13, v21;
	v16 =	vld [tilespmem:s9+$0x0];
	[tilespmem:s8+$0xFFFFFFC0] =	vst v30;
	v10 =	vmov v15  }
0x134: {  	p1 =	slt.u32 s10, $0x26;
	v15 =	vld [tilespmem:s9+$0xFFFFFFF0];
	v29 =	vpop (erf);
	[tilespmem:s8+$0xFFFFFFD0] =	vst v26;
	v7 =	vmov v17  }
0x135: {  	v17 =	vld [tilespmem:s11+$0xFFFFFFF0];
	v32 =	vbroadcast v29, $0x0;
	v26 =	vbroadcast v29, $0x7;
	[tilespmem:s8+$0xFFFFFFE0] =	vst v28;
	v13 =	vmov v18  }
0x136: {  	v33 =	vbroadcast v29, $0x1;
	v34 =	vbroadcast v29, $0x2;
	v18 =	vld [tilespmem:s11+$0xFFFFFF70];
	v28 =	vpop (erf);
	[tilespmem:s8+$0x0] =	vst v24  }
0x137: {  	v24 =	vld [tilespmem:s11+$0xFFFFFF80];
	v30 =	vbroadcast v28, $0x0;
	v25 =	vmul.f32 v25, v26;
	[tilespmem:s8+$0x10] =	vst v27  }
0x138: {  	v27 =	vbroadcast v28, $0x1;
	v26 =	vld [tilespmem:s11+$0xFFFFFF90];
	v16 =	vadd.f32 v16, v31;
	v31 =	vbroadcast v28, $0x2;
	[tilespmem:s8+$0x20] =	vst v23  }
0x139: {  	v35 =	vbroadcast v28, $0x3;
	v36 =	vbroadcast v28, $0x4;
	v23 =	vld [tilespmem:s11+$0xFFFFFFA0];
	[tilespmem:s1+$0x70] =	vst v25  }
0x13a: {  	v37 =	vbroadcast v28, $0x5;
	v15 =	vadd.f32 v15, v17;
	v17 =	vld [tilespmem:s11+$0xFFFFFFB0];
	v25 =	vmul.f32 $2.000000030e-01, v16;
	[tilespmem:s8+$0x30] =	vst v19  }
0x13b: {  	v39 =	vbroadcast v28, $0x6;
	v40 =	vbroadcast v28, $0x7;
	v38 =	vld [tilespmem:s11+$0xFFFFFFC0];
	[tilespmem:s8+$0x40] =	vst v20  }
0x13c: {  	v19 =	vbroadcast v29, $0x3;
	v41 =	vmul.f32 $2.000000030e-01, v15;
	v42 =	vld [tilespmem:s11+$0xFFFFFFD0];
	v16 =	vmax.f32 v16, v25;
	[tilespmem:s8+$0x50] =	vst v22  }
0x13d: {  	v20 =	vbroadcast v29, $0x4;
	v25 =	vld [tilespmem:s11+$0xFFFFFFE0];
	v16 =	vmul.f32 $1.442695020e+00, v16;
	[tilespmem:s8+$0x60] =	vst v21;
	s8 =	smov.u32 s1;
	s1 =	smov.u32 s11  }
0x13e: {  	v22 =	vbroadcast v29, $0x5;
	v21 =	vbroadcast v29, $0x6;
	v15 =	vmax.f32 v15, v41;
	v41 =	vld [tilespmem:s11+$0x0];
	[tilespmem:s8+$0xFFFFFFF0] =	vst v28  }
0x13f: {  	v15 =	vmul.f32 $1.442695020e+00, v15;
	v43 =	vld [tilespmem:s11+$0x10];
	(erf) = vpow2.f32 v16;
	[tilespmem:s8+$0x80] =	vst v29  }
0x140: {  	v27 =	vmul.f32 v27, v2;
	v2 =	vmovc v24;
	v28 =	vmul.f32 v30, v1;
	v1 =	vmov v18;
	v44 =	vld [tilespmem:s11+$0x20]  }
.Ltmp2:
0x141: {  	v24 =	vmul.f32 v31, v3;
	v3 =	vmov v26;
	v16 =	vld [tilespmem:s11+$0x30];
	(erf) = vpow2.f32 v15;
	(pc) =	sbr.rel @p1 .LBB2_7-.Ltmp2, $4  }
0x142: {  	v31 =	vmul.f32 v4, v35;
	v4 =	vmovc v23;
	v29 =	vmul.f32 v5, v36;
	v5 =	vmov v17;
	v15 =	vld [tilespmem:s11+$0x40];
	[tilespmem:s8+$0xFFFFFF70] =	vst v28  }
0x143: {  	v26 =	vmul.f32 v8, v39;
	v30 =	vmul.f32 v6, v37;
	v6 =	vmovc v38;
	v8 =	vmov v42;
	v17 =	vld [tilespmem:s11+$0x50];
	[tilespmem:s8+$0xFFFFFF80] =	vst v27  }
0x144: {  	v28 =	vmul.f32 v9, v40;
	v9 =	vmovc v25;
	v18 =	vld [tilespmem:s11+$0x60];
	[tilespmem:s8+$0xFFFFFF90] =	vst v24;
	v24 =	vmul.f32 v32, v11;
	v11 =	vmov v41  }
0x145: {  	v23 =	vmul.f32 v34, v12;
	v27 =	vmul.f32 v33, v14;
	s11 =	sadd.s32 $0x120, s11;
	v14 =	vmovc v43;
	v25 =	vld [tilespmem:s1+$0x70];
	[tilespmem:s8+$0xFFFFFFA0] =	vst v31;
	v12 =	vmov v44  }
0x146: {  	[tilespmem:s8+$0xFFFFFFB0] =	vst v29  }
0x147: {  	[tilespmem:s8+$0xFFFFFFC0] =	vst v30  }
0x148: {  	[tilespmem:s8+$0xFFFFFFD0] =	vst v26  }
0x149: {  	[tilespmem:s8+$0xFFFFFFE0] =	vst v28  }
0x14a: {  	[tilespmem:s8+$0x0] =	vst v24  }
0x14b: {  	v0 =	vmul.f32 v0, v19;
	[tilespmem:s8+$0x10] =	vst v27  }
0x14c: {  	v10 =	vmul.f32 v10, v20;
	[tilespmem:s8+$0x20] =	vst v23  }
0x14d: {  	v7 =	vmul.f32 v7, v22;
	[tilespmem:s8+$0x30] =	vst v0  }
0x14e: {  	v43 =	vmul.f32 v13, v21;
	v40 =	vpop (erf);
	[tilespmem:s8+$0x40] =	vst v10  }
0x14f: {  	[tilespmem:s8+$0x50] =	vst v7;
	v41 =	vbroadcast v40, $0x7  }
0x150: {  	[tilespmem:s8+$0x60] =	vst v43;
	v60 =	vbroadcast v40, $0x5  }
0x151: {  	[tilespmem:s1+$0x80] =	vst v40;
	v61 =	vbroadcast v40, $0x6;
	v44 =	vpop (erf);
	v42 =	vmul.f32 v25, v41  }
0x152: {  	v45 =	vbroadcast v44, $0x0;
	[tilespmem:s1+$0xFFFFFFF0] =	vst v44;
	v62 =	vmul.f32 v17, v60  }
0x153: {  	v46 =	vbroadcast v44, $0x1;
	v63 =	vmul.f32 v18, v61;
	[tilespmem:s1+$0x70] =	vst v42  }
0x154: {  	v47 =	vbroadcast v44, $0x2;
	v1 =	vmul.f32 v45, v1;
	[tilespmem:s1+$0x50] =	vst v62  }
0x155: {  	v48 =	vbroadcast v44, $0x3;
	v2 =	vmul.f32 v46, v2;
	[tilespmem:s1+$0x60] =	vst v63  }
0x156: {  	v49 =	vbroadcast v44, $0x4;
	v0 =	vmul.f32 v47, v3;
	[tilespmem:s1+$0xFFFFFF70] =	vst v1  }
0x157: {  	v55 =	vbroadcast v40, $0x0;
	v51 =	vmul.f32 v4, v48;
	[tilespmem:s1+$0xFFFFFF80] =	vst v2  }
0x158: {  	v56 =	vbroadcast v40, $0x1;
	v53 =	vmul.f32 v5, v49;
	[tilespmem:s1+$0xFFFFFF90] =	vst v0  }
0x159: {  	v50 =	vbroadcast v44, $0x5;
	v3 =	vmul.f32 v55, v11;
	[tilespmem:s1+$0xFFFFFFA0] =	vst v51  }
0x15a: {  	v52 =	vbroadcast v44, $0x6;
	v4 =	vmul.f32 v56, v14;
	[tilespmem:s1+$0xFFFFFFB0] =	vst v53  }
0x15b: {  	v54 =	vbroadcast v44, $0x7;
	v1 =	vmul.f32 v6, v50;
	[tilespmem:s1+$0x0] =	vst v3  }
0x15c: {  	v57 =	vbroadcast v40, $0x2;
	v2 =	vmul.f32 v8, v52;
	[tilespmem:s1+$0x10] =	vst v4  }
0x15d: {  	s22 =	sadd.s32 $0x1, s22;
	v58 =	vbroadcast v40, $0x3;
	v0 =	vmul.f32 v9, v54;
	[tilespmem:s1+$0xFFFFFFC0] =	vst v1  }
0x15e: {  	p1 =	sne.s32 s22, $0x52;
	v59 =	vbroadcast v40, $0x4;
	[tilespmem:s1+$0xFFFFFFD0] =	vst v2;
	v1 =	vmul.f32 v57, v12  }
.Ltmp3:
0x15f: {  	[tilespmem:s1+$0xFFFFFFE0] =	vst v0;
	v2 =	vmul.f32 v16, v58;
	(pc) =	sbr.rel @p1 .LBB2_2-.Ltmp3, $4  }
0x160: {  	v0 =	vmul.f32 v15, v59;
	[tilespmem:s1+$0x20] =	vst v1  }
0x161: {  	[tilespmem:s1+$0x30] =	vst v2  }
0x162: {  	[tilespmem:s1+$0x40] =	vst v0  }
0x163: {  	[spmem:s2] =	stream.indirect.scatter.add.f32 [tilespmem:s25], [sflag:$0x6], $0x90, s6, s18, $0xb8;
	[tilespmem:$0x1F8B0] =	vst v63  }
0x164: {  	_ =	swait.ge [sflag:s24], $0x1680  }
0x165: {  	[sflag:s24] =	ssyncset.done $0x0  }
0x166: {  	[sflag:s24] =	ssyncadd.s32 $0xFFFFE980  }
0x167: {  	_ =	swait.ge [sflag:s24], $0x280  }
0x168: {  	[sflag:s24] =	ssyncset.done $0x0  }
0x169: {  	[sflag:s24] =	ssyncadd.s32 $0xFFFFFD80  }
0x16a: {  	_ =	swait.ge [sflag:s0], $0x1680  }
0x16b: {  	[sflag:s0] =	ssyncset.done $0x0  }
0x16c: {  	s1 =	simm.s32 $0x26C0;
	[sflag:s0] =	ssyncadd.s32 $0xFFFFE980  }
0x16d: {  	[tilespmem:s25], [sflag:$0x3] =	stream.indirect.gather [hbm4b:s4+s18], $0x90, s1, s18, $0xb8;
	[tilespmem:$0x1F8B0] =	vst v63  }
0x16e: {  	s11 =	simm.s32 $0x4DD0;
	s6 =	simm.s32 $0x4EB0  }
0x16f: {  	[tilespmem:s26], [sflag:$0x3] =	stream.indirect.gather [hbm4b:s5+s18], $0x10, s11, s18, $0xb8;
	[tilespmem:$0x1F8B0] =	vst v63  }
0x170: {  	s22 =	simm.s32 $0x91B0;
	v0 =	vld [tilespmem:s6+$0x80]  }
0x171: {  	v1 =	vld [tilespmem:s22+$0x0]  }
0x172: {  	v2 =	vld [tilespmem:s22+$0xFFFFFFF0]  }
0x173: {  	v3 =	vld [tilespmem:s6+$0xFFFFFFF0]  }
0x174: {  	v15 =	vld [tilespmem:s6+$0xFFFFFF70]  }
0x175: {  	v16 =	vld [tilespmem:s6+$0xFFFFFF80]  }
0x176: {  	v17 =	vld [tilespmem:s6+$0xFFFFFF90]  }
0x177: {  	v18 =	vld [tilespmem:s6+$0xFFFFFFA0];
	v0 =	vadd.f32 v1, v0  }
0x178: {  	v23 =	vld [tilespmem:s6+$0xFFFFFFB0];
	v1 =	vadd.f32 v2, v3  }
0x179: {  	v24 =	vld [tilespmem:s6+$0xFFFFFFC0];
	v2 =	vmul.f32 $2.000000030e-01, v0  }
0x17a: {  	v25 =	vld [tilespmem:s6+$0xFFFFFFD0];
	v3 =	vmul.f32 $2.000000030e-01, v1  }
0x17b: {  	s8 =	simm.s32 $0x91D0;
	v27 =	vld [tilespmem:s6+$0xFFFFFFE0];
	v0 =	vmax.f32 v0, v2  }
0x17c: {  	s1 =	simm.s32 $0x4FD0;
	v6 =	vld [tilespmem:s8+$0xFFFFFFF0];
	v1 =	vmax.f32 v1, v3;
	v0 =	vmul.f32 $1.442695020e+00, v0  }
0x17d: {  	v8 =	vld [tilespmem:s1+$0xFFFFFFF0];
	v1 =	vmul.f32 $1.442695020e+00, v1  }
0x17e: {  	v31 =	vld [tilespmem:s6+$0x0];
	(erf) = vpow2.f32 v0  }
0x17f: {  	v32 =	vld [tilespmem:s6+$0x10];
	(erf) = vpow2.f32 v1  }
0x180: {  	v33 =	vld [tilespmem:s6+$0x20]  }
0x181: {  	v10 =	vld [tilespmem:s6+$0x40]  }
0x182: {  	v7 =	vld [tilespmem:s6+$0x50];
	v11 =	vadd.f32 v6, v8  }
0x183: {  	v4 =	vld [tilespmem:s1+$0x80]  }
0x184: {  	v5 =	vld [tilespmem:s8+$0x0];
	v21 =	vmul.f32 $2.000000030e-01, v11  }
0x185: {  	v3 =	vld [tilespmem:s6+$0x70]  }
0x186: {  	v13 =	vld [tilespmem:s6+$0x60];
	v43 =	vmax.f32 v11, v21  }
0x187: {  	v6 =	vld [tilespmem:s1+$0xFFFFFFC0];
	v43 =	vmul.f32 $1.442695020e+00, v43;
	v26 =	vpop (erf)  }
0x188: {  	v8 =	vld [tilespmem:s1+$0xFFFFFFD0];
	v34 =	vbroadcast v26, $0x0;
	v9 =	vbroadcast v26, $0x7;
	v12 =	vpop (erf)  }
0x189: {  	v2 =	vld [tilespmem:s1+$0xFFFFFF80];
	v28 =	vbroadcast v12, $0x0;
	v29 =	vbroadcast v12, $0x1  }
0x18a: {  	v11 =	vld [tilespmem:s1+$0x0];
	v30 =	vbroadcast v12, $0x2;
	v14 =	vmul.f32 v3, v9;
	v9 =	vadd.f32 v5, v4  }
0x18b: {  	v0 =	vld [tilespmem:s6+$0x30];
	v37 =	vbroadcast v12, $0x3;
	v38 =	vbroadcast v12, $0x4  }
0x18c: {  	v1 =	vld [tilespmem:s1+$0xFFFFFF70];
	v39 =	vbroadcast v12, $0x5;
	v19 =	vmul.f32 $2.000000030e-01, v9  }
0x18d: {  	v40 =	vbroadcast v12, $0x6;
	v41 =	vbroadcast v12, $0x7;
	[tilespmem:s6+$0xFFFFFFF0] =	vst v12;
	v12 =	vld [tilespmem:s1+$0x20]  }
0x18e: {  	v35 =	vbroadcast v26, $0x1;
	v36 =	vbroadcast v26, $0x2;
	v3 =	vld [tilespmem:s1+$0xFFFFFF90];
	v20 =	vmax.f32 v9, v19  }
0x18f: {  	v22 =	vbroadcast v26, $0x5;
	v4 =	vld [tilespmem:s1+$0xFFFFFFA0];
	v42 =	vmul.f32 $1.442695020e+00, v20  }
0x190: {  	v21 =	vbroadcast v26, $0x6;
	v5 =	vld [tilespmem:s1+$0xFFFFFFB0];
	v28 =	vmul.f32 v28, v15  }
0x191: {  	v62 =	vmul.f32 v29, v16;
	v16 =	vld [tilespmem:s1+$0x30];
	(erf) = vpow2.f32 v42  }
0x192: {  	[tilespmem:s6+$0x80] =	vst v26;
	v63 =	vmul.f32 v30, v17;
	v15 =	vld [tilespmem:s1+$0x40];
	v37 =	vmul.f32 v18, v37  }
0x193: {  	v29 =	vmul.f32 v23, v38;
	v17 =	vld [tilespmem:s1+$0x50];
	[tilespmem:s6+$0x70] =	vst v14;
	(erf) = vpow2.f32 v43  }
0x194: {  	v30 =	vmul.f32 v24, v39;
	v18 =	vld [tilespmem:s1+$0x60];
	v24 =	vmul.f32 v34, v31;
	[tilespmem:s6+$0xFFFFFF70] =	vst v28  }
0x195: {  	v23 =	vmul.f32 v36, v33;
	v14 =	vld [tilespmem:s1+$0x10];
	[tilespmem:s6+$0xFFFFFF80] =	vst v62;
	v28 =	vmul.f32 v27, v41  }
0x196: {  	[tilespmem:s6+$0xFFFFFF90] =	vst v63;
	v19 =	vbroadcast v26, $0x3;
	v9 =	vld [tilespmem:s1+$0xFFFFFFE0];
	v20 =	vbroadcast v26, $0x4  }
0x197: {  	s9 =	simm.s32 $0x2;
	s10 =	simm.s32 $0x50F0;
	[tilespmem:s6+$0xFFFFFFA0] =	vst v37;
	v27 =	vmul.f32 v35, v32;
	v26 =	vmul.f32 v25, v40;
	v25 =	vld [tilespmem:s1+$0x70]  }
.LBB2_10:
0x198: {  	v31 =	vld [tilespmem:s10+$0x80];
	s8 =	sadd.s32 $0x20, s8;
	[tilespmem:s6+$0xFFFFFFB0] =	vst v29;
	v19 =	vmul.f32 v0, v19;
	v20 =	vmul.f32 v10, v20;
	v0 =	vmov v16  }
0x199: {  	s9 =	sadd.s32 $0x2, s9;
	v22 =	vmul.f32 v7, v22;
	v21 =	vmul.f32 v13, v21;
	v16 =	vld [tilespmem:s8+$0x0];
	[tilespmem:s6+$0xFFFFFFC0] =	vst v30;
	v10 =	vmov v15  }
0x19a: {  	p1 =	slt.u32 s9, $0x26;
	v15 =	vld [tilespmem:s8+$0xFFFFFFF0];
	v29 =	vpop (erf);
	[tilespmem:s6+$0xFFFFFFD0] =	vst v26;
	v7 =	vmov v17  }
0x19b: {  	v17 =	vld [tilespmem:s10+$0xFFFFFFF0];
	v32 =	vbroadcast v29, $0x0;
	v26 =	vbroadcast v29, $0x7;
	[tilespmem:s6+$0xFFFFFFE0] =	vst v28;
	v13 =	vmov v18  }
0x19c: {  	v33 =	vbroadcast v29, $0x1;
	v34 =	vbroadcast v29, $0x2;
	v18 =	vld [tilespmem:s10+$0xFFFFFF70];
	v28 =	vpop (erf);
	[tilespmem:s6+$0x0] =	vst v24  }
0x19d: {  	v24 =	vld [tilespmem:s10+$0xFFFFFF80];
	v30 =	vbroadcast v28, $0x0;
	v25 =	vmul.f32 v25, v26;
	[tilespmem:s6+$0x10] =	vst v27  }
0x19e: {  	v27 =	vbroadcast v28, $0x1;
	v26 =	vld [tilespmem:s10+$0xFFFFFF90];
	v16 =	vadd.f32 v16, v31;
	v31 =	vbroadcast v28, $0x2;
	[tilespmem:s6+$0x20] =	vst v23  }
0x19f: {  	v35 =	vbroadcast v28, $0x3;
	v36 =	vbroadcast v28, $0x4;
	v23 =	vld [tilespmem:s10+$0xFFFFFFA0];
	[tilespmem:s1+$0x70] =	vst v25  }
0x1a0: {  	v37 =	vbroadcast v28, $0x5;
	v15 =	vadd.f32 v15, v17;
	v17 =	vld [tilespmem:s10+$0xFFFFFFB0];
	v25 =	vmul.f32 $2.000000030e-01, v16;
	[tilespmem:s6+$0x30] =	vst v19  }
0x1a1: {  	v39 =	vbroadcast v28, $0x6;
	v40 =	vbroadcast v28, $0x7;
	v38 =	vld [tilespmem:s10+$0xFFFFFFC0];
	[tilespmem:s6+$0x40] =	vst v20  }
0x1a2: {  	v19 =	vbroadcast v29, $0x3;
	v41 =	vmul.f32 $2.000000030e-01, v15;
	v42 =	vld [tilespmem:s10+$0xFFFFFFD0];
	v16 =	vmax.f32 v16, v25;
	[tilespmem:s6+$0x50] =	vst v22  }
0x1a3: {  	v20 =	vbroadcast v29, $0x4;
	v25 =	vld [tilespmem:s10+$0xFFFFFFE0];
	v16 =	vmul.f32 $1.442695020e+00, v16;
	[tilespmem:s6+$0x60] =	vst v21;
	s6 =	smov.u32 s1;
	s1 =	smov.u32 s10  }
0x1a4: {  	v22 =	vbroadcast v29, $0x5;
	v21 =	vbroadcast v29, $0x6;
	v15 =	vmax.f32 v15, v41;
	v41 =	vld [tilespmem:s10+$0x0];
	[tilespmem:s6+$0xFFFFFFF0] =	vst v28  }
0x1a5: {  	v15 =	vmul.f32 $1.442695020e+00, v15;
	v43 =	vld [tilespmem:s10+$0x10];
	(erf) = vpow2.f32 v16;
	[tilespmem:s6+$0x80] =	vst v29  }
0x1a6: {  	v27 =	vmul.f32 v27, v2;
	v2 =	vmovc v24;
	v28 =	vmul.f32 v30, v1;
	v1 =	vmov v18;
	v44 =	vld [tilespmem:s10+$0x20]  }
.Ltmp4:
0x1a7: {  	v24 =	vmul.f32 v31, v3;
	v3 =	vmov v26;
	v16 =	vld [tilespmem:s10+$0x30];
	(erf) = vpow2.f32 v15;
	(pc) =	sbr.rel @p1 .LBB2_10-.Ltmp4, $4  }
0x1a8: {  	v31 =	vmul.f32 v4, v35;
	v4 =	vmovc v23;
	v29 =	vmul.f32 v5, v36;
	v5 =	vmov v17;
	v15 =	vld [tilespmem:s10+$0x40];
	[tilespmem:s6+$0xFFFFFF70] =	vst v28  }
0x1a9: {  	v26 =	vmul.f32 v8, v39;
	v30 =	vmul.f32 v6, v37;
	v6 =	vmovc v38;
	v8 =	vmov v42;
	v17 =	vld [tilespmem:s10+$0x50];
	[tilespmem:s6+$0xFFFFFF80] =	vst v27  }
0x1aa: {  	v28 =	vmul.f32 v9, v40;
	v9 =	vmovc v25;
	v18 =	vld [tilespmem:s10+$0x60];
	[tilespmem:s6+$0xFFFFFF90] =	vst v24;
	v24 =	vmul.f32 v32, v11;
	v11 =	vmov v41  }
0x1ab: {  	v23 =	vmul.f32 v34, v12;
	v27 =	vmul.f32 v33, v14;
	s10 =	sadd.s32 $0x120, s10;
	v14 =	vmovc v43;
	v25 =	vld [tilespmem:s1+$0x70];
	[tilespmem:s6+$0xFFFFFFA0] =	vst v31;
	v12 =	vmov v44  }
0x1ac: {  	[tilespmem:s6+$0xFFFFFFB0] =	vst v29  }
0x1ad: {  	[tilespmem:s6+$0xFFFFFFC0] =	vst v30  }
0x1ae: {  	[tilespmem:s6+$0xFFFFFFD0] =	vst v26  }
0x1af: {  	[tilespmem:s6+$0xFFFFFFE0] =	vst v28  }
0x1b0: {  	[tilespmem:s6+$0x0] =	vst v24  }
0x1b1: {  	v0 =	vmul.f32 v0, v19;
	[tilespmem:s6+$0x10] =	vst v27  }
0x1b2: {  	v10 =	vmul.f32 v10, v20;
	[tilespmem:s6+$0x20] =	vst v23  }
0x1b3: {  	v7 =	vmul.f32 v7, v22;
	[tilespmem:s6+$0x30] =	vst v0  }
0x1b4: {  	v29 =	vpop (erf);
	[tilespmem:s6+$0x40] =	vst v10  }
0x1b5: {  	v0 =	vmul.f32 v13, v21;
	[tilespmem:s6+$0x50] =	vst v7;
	v26 =	vbroadcast v29, $0x7;
	v13 =	vpop (erf)  }
0x1b6: {  	[tilespmem:s1+$0x80] =	vst v29;
	v10 =	vbroadcast v13, $0x0  }
0x1b7: {  	[tilespmem:s6+$0x60] =	vst v0;
	v24 =	vmul.f32 v25, v26;
	v7 =	vbroadcast v13, $0x1  }
0x1b8: {  	v0 =	vbroadcast v13, $0x2;
	[tilespmem:s1+$0xFFFFFFF0] =	vst v13;
	v1 =	vmul.f32 v10, v1  }
0x1b9: {  	[tilespmem:s1+$0x70] =	vst v24;
	v10 =	vbroadcast v13, $0x3;
	v2 =	vmul.f32 v7, v2  }
0x1ba: {  	v7 =	vbroadcast v13, $0x4;
	v0 =	vmul.f32 v0, v3;
	[tilespmem:s1+$0xFFFFFF70] =	vst v1  }
0x1bb: {  	v1 =	vbroadcast v13, $0x5;
	v3 =	vmul.f32 v4, v10;
	[tilespmem:s1+$0xFFFFFF80] =	vst v2  }
0x1bc: {  	v2 =	vbroadcast v13, $0x6;
	v4 =	vmul.f32 v5, v7;
	[tilespmem:s1+$0xFFFFFF90] =	vst v0  }
0x1bd: {  	v0 =	vbroadcast v13, $0x7;
	v1 =	vmul.f32 v6, v1;
	[tilespmem:s1+$0xFFFFFFA0] =	vst v3  }
0x1be: {  	v3 =	vbroadcast v29, $0x0;
	v2 =	vmul.f32 v8, v2;
	[tilespmem:s1+$0xFFFFFFB0] =	vst v4  }
0x1bf: {  	v4 =	vbroadcast v29, $0x1;
	v0 =	vmul.f32 v9, v0;
	[tilespmem:s1+$0xFFFFFFC0] =	vst v1  }
0x1c0: {  	v1 =	vbroadcast v29, $0x2;
	v3 =	vmul.f32 v3, v11;
	[tilespmem:s1+$0xFFFFFFD0] =	vst v2  }
0x1c1: {  	v2 =	vbroadcast v29, $0x3;
	v4 =	vmul.f32 v4, v14;
	[tilespmem:s1+$0xFFFFFFE0] =	vst v0  }
0x1c2: {  	v0 =	vbroadcast v29, $0x4;
	v1 =	vmul.f32 v1, v12;
	[tilespmem:s1+$0x0] =	vst v3  }
0x1c3: {  	v3 =	vbroadcast v29, $0x5;
	v2 =	vmul.f32 v16, v2;
	[tilespmem:s1+$0x10] =	vst v4  }
0x1c4: {  	v4 =	vbroadcast v29, $0x6;
	v0 =	vmul.f32 v15, v0;
	[tilespmem:s1+$0x20] =	vst v1  }
0x1c5: {  	v1 =	vmul.f32 v17, v3;
	[tilespmem:s1+$0x30] =	vst v2  }
0x1c6: {  	v2 =	vmul.f32 v18, v4;
	[tilespmem:s1+$0x40] =	vst v0  }
0x1c7: {  	[tilespmem:s1+$0x50] =	vst v1  }
0x1c8: {  	s12 =	simm.s32 $0x4D80;
	[tilespmem:s1+$0x60] =	vst v2  }
0x1c9: {  	[spmem:s2] =	stream.indirect.scatter.add.f32 [tilespmem:s19], [sflag:$0x4], $0x90, s12, s18, $0xb8;
	[tilespmem:$0x1F8B0] =	vst v63  }
0x1ca: {  	_ =	swait.ge [sflag:s28], $0x1680  }
0x1cb: {  	[sflag:s28] =	ssyncset.done $0x0  }
0x1cc: {  	[sflag:s28] =	ssyncadd.s32 $0xFFFFE980  }
0x1cd: {  	_ =	swait.ge [sflag:s28], $0x280  }
0x1ce: {  	[sflag:s28] =	ssyncset.done $0x0  }
0x1cf: {  	[sflag:s28] =	ssyncadd.s32 $0xFFFFFD80  }
0x1d0: {  	_ =	swait.ge [sflag:s29], $0x1680  }
0x1d1: {  	[sflag:s29] =	ssyncset.done $0x0  }
0x1d2: {  	s13 =	simm.s32 $0x26E8;
	[sflag:s29] =	ssyncadd.s32 $0xFFFFE980  }
0x1d3: {  	[tilespmem:s19], [sflag:$0x1] =	stream.indirect.gather [hbm4b:s4+s18], $0x90, s13, s18, $0xb8;
	[tilespmem:$0x1F8B0] =	vst v63  }
0x1d4: {  	s6 =	simm.s32 $0x6530;
	s12 =	simm.s32 $0x4DF8  }
0x1d5: {  	[tilespmem:s20], [sflag:$0x1] =	stream.indirect.gather [hbm4b:s5+s18], $0x10, s12, s18, $0xb8;
	[tilespmem:$0x1F8B0] =	vst v63  }
0x1d6: {  	s22 =	simm.s32 $0x9430;
	v0 =	vld [tilespmem:s6+$0x80]  }
0x1d7: {  	v1 =	vld [tilespmem:s22+$0x0]  }
0x1d8: {  	v2 =	vld [tilespmem:s22+$0xFFFFFFF0]  }
0x1d9: {  	v3 =	vld [tilespmem:s6+$0xFFFFFFF0]  }
0x1da: {  	v15 =	vld [tilespmem:s6+$0xFFFFFF70]  }
0x1db: {  	v16 =	vld [tilespmem:s6+$0xFFFFFF80]  }
0x1dc: {  	v17 =	vld [tilespmem:s6+$0xFFFFFF90]  }
0x1dd: {  	v18 =	vld [tilespmem:s6+$0xFFFFFFA0];
	v0 =	vadd.f32 v1, v0  }
0x1de: {  	v23 =	vld [tilespmem:s6+$0xFFFFFFB0];
	v1 =	vadd.f32 v2, v3  }
0x1df: {  	v24 =	vld [tilespmem:s6+$0xFFFFFFC0];
	v2 =	vmul.f32 $2.000000030e-01, v0  }
0x1e0: {  	v25 =	vld [tilespmem:s6+$0xFFFFFFD0];
	v3 =	vmul.f32 $2.000000030e-01, v1  }
0x1e1: {  	s8 =	simm.s32 $0x9450;
	v27 =	vld [tilespmem:s6+$0xFFFFFFE0];
	v0 =	vmax.f32 v0, v2  }
0x1e2: {  	s1 =	simm.s32 $0x6650;
	v6 =	vld [tilespmem:s8+$0xFFFFFFF0];
	v1 =	vmax.f32 v1, v3;
	v0 =	vmul.f32 $1.442695020e+00, v0  }
0x1e3: {  	v8 =	vld [tilespmem:s1+$0xFFFFFFF0];
	v1 =	vmul.f32 $1.442695020e+00, v1  }
0x1e4: {  	v31 =	vld [tilespmem:s6+$0x0];
	(erf) = vpow2.f32 v0  }
0x1e5: {  	v32 =	vld [tilespmem:s6+$0x10];
	(erf) = vpow2.f32 v1  }
0x1e6: {  	v33 =	vld [tilespmem:s6+$0x20]  }
0x1e7: {  	v10 =	vld [tilespmem:s6+$0x40]  }
0x1e8: {  	v7 =	vld [tilespmem:s6+$0x50];
	v11 =	vadd.f32 v6, v8  }
0x1e9: {  	v4 =	vld [tilespmem:s1+$0x80]  }
0x1ea: {  	v5 =	vld [tilespmem:s8+$0x0];
	v21 =	vmul.f32 $2.000000030e-01, v11  }
0x1eb: {  	v3 =	vld [tilespmem:s6+$0x70]  }
0x1ec: {  	v13 =	vld [tilespmem:s6+$0x60];
	v43 =	vmax.f32 v11, v21  }
0x1ed: {  	v6 =	vld [tilespmem:s1+$0xFFFFFFC0];
	v43 =	vmul.f32 $1.442695020e+00, v43;
	v26 =	vpop (erf)  }
0x1ee: {  	v8 =	vld [tilespmem:s1+$0xFFFFFFD0];
	v34 =	vbroadcast v26, $0x0;
	v9 =	vbroadcast v26, $0x7;
	v12 =	vpop (erf)  }
0x1ef: {  	v2 =	vld [tilespmem:s1+$0xFFFFFF80];
	v28 =	vbroadcast v12, $0x0;
	v29 =	vbroadcast v12, $0x1  }
0x1f0: {  	v11 =	vld [tilespmem:s1+$0x0];
	v30 =	vbroadcast v12, $0x2;
	v14 =	vmul.f32 v3, v9;
	v9 =	vadd.f32 v5, v4  }
0x1f1: {  	v0 =	vld [tilespmem:s6+$0x30];
	v37 =	vbroadcast v12, $0x3;
	v38 =	vbroadcast v12, $0x4  }
0x1f2: {  	v1 =	vld [tilespmem:s1+$0xFFFFFF70];
	v39 =	vbroadcast v12, $0x5;
	v19 =	vmul.f32 $2.000000030e-01, v9  }
0x1f3: {  	v40 =	vbroadcast v12, $0x6;
	v41 =	vbroadcast v12, $0x7;
	[tilespmem:s6+$0xFFFFFFF0] =	vst v12;
	v12 =	vld [tilespmem:s1+$0x20]  }
0x1f4: {  	v35 =	vbroadcast v26, $0x1;
	v36 =	vbroadcast v26, $0x2;
	v3 =	vld [tilespmem:s1+$0xFFFFFF90];
	v20 =	vmax.f32 v9, v19  }
0x1f5: {  	v22 =	vbroadcast v26, $0x5;
	v4 =	vld [tilespmem:s1+$0xFFFFFFA0];
	v42 =	vmul.f32 $1.442695020e+00, v20  }
0x1f6: {  	v21 =	vbroadcast v26, $0x6;
	v5 =	vld [tilespmem:s1+$0xFFFFFFB0];
	v28 =	vmul.f32 v28, v15  }
0x1f7: {  	v62 =	vmul.f32 v29, v16;
	v16 =	vld [tilespmem:s1+$0x30];
	(erf) = vpow2.f32 v42  }
0x1f8: {  	[tilespmem:s6+$0x80] =	vst v26;
	v63 =	vmul.f32 v30, v17;
	v15 =	vld [tilespmem:s1+$0x40];
	v37 =	vmul.f32 v18, v37  }
0x1f9: {  	v29 =	vmul.f32 v23, v38;
	v17 =	vld [tilespmem:s1+$0x50];
	[tilespmem:s6+$0x70] =	vst v14;
	(erf) = vpow2.f32 v43  }
0x1fa: {  	v30 =	vmul.f32 v24, v39;
	v18 =	vld [tilespmem:s1+$0x60];
	v24 =	vmul.f32 v34, v31;
	[tilespmem:s6+$0xFFFFFF70] =	vst v28  }
0x1fb: {  	v23 =	vmul.f32 v36, v33;
	v14 =	vld [tilespmem:s1+$0x10];
	[tilespmem:s6+$0xFFFFFF80] =	vst v62;
	v28 =	vmul.f32 v27, v41  }
0x1fc: {  	[tilespmem:s6+$0xFFFFFF90] =	vst v63;
	v19 =	vbroadcast v26, $0x3;
	v9 =	vld [tilespmem:s1+$0xFFFFFFE0];
	v20 =	vbroadcast v26, $0x4  }
0x1fd: {  	s9 =	simm.s32 $0x2;
	s10 =	simm.s32 $0x6770;
	[tilespmem:s6+$0xFFFFFFA0] =	vst v37;
	v27 =	vmul.f32 v35, v32;
	v26 =	vmul.f32 v25, v40;
	v25 =	vld [tilespmem:s1+$0x70]  }
.LBB2_12:
0x1fe: {  	v31 =	vld [tilespmem:s10+$0x80];
	s8 =	sadd.s32 $0x20, s8;
	[tilespmem:s6+$0xFFFFFFB0] =	vst v29;
	v19 =	vmul.f32 v0, v19;
	v20 =	vmul.f32 v10, v20;
	v0 =	vmov v16  }
0x1ff: {  	s9 =	sadd.s32 $0x2, s9;
	v22 =	vmul.f32 v7, v22;
	v21 =	vmul.f32 v13, v21;
	v16 =	vld [tilespmem:s8+$0x0];
	[tilespmem:s6+$0xFFFFFFC0] =	vst v30;
	v10 =	vmov v15  }
0x200: {  	p1 =	slt.u32 s9, $0x26;
	v15 =	vld [tilespmem:s8+$0xFFFFFFF0];
	v29 =	vpop (erf);
	[tilespmem:s6+$0xFFFFFFD0] =	vst v26;
	v7 =	vmov v17  }
0x201: {  	v17 =	vld [tilespmem:s10+$0xFFFFFFF0];
	v32 =	vbroadcast v29, $0x0;
	v26 =	vbroadcast v29, $0x7;
	[tilespmem:s6+$0xFFFFFFE0] =	vst v28;
	v13 =	vmov v18  }
0x202: {  	v33 =	vbroadcast v29, $0x1;
	v34 =	vbroadcast v29, $0x2;
	v18 =	vld [tilespmem:s10+$0xFFFFFF70];
	v28 =	vpop (erf);
	[tilespmem:s6+$0x0] =	vst v24  }
0x203: {  	v24 =	vld [tilespmem:s10+$0xFFFFFF80];
	v30 =	vbroadcast v28, $0x0;
	v25 =	vmul.f32 v25, v26;
	[tilespmem:s6+$0x10] =	vst v27  }
0x204: {  	v27 =	vbroadcast v28, $0x1;
	v26 =	vld [tilespmem:s10+$0xFFFFFF90];
	v16 =	vadd.f32 v16, v31;
	v31 =	vbroadcast v28, $0x2;
	[tilespmem:s6+$0x20] =	vst v23  }
0x205: {  	v35 =	vbroadcast v28, $0x3;
	v36 =	vbroadcast v28, $0x4;
	v23 =	vld [tilespmem:s10+$0xFFFFFFA0];
	[tilespmem:s1+$0x70] =	vst v25  }
0x206: {  	v37 =	vbroadcast v28, $0x5;
	v15 =	vadd.f32 v15, v17;
	v17 =	vld [tilespmem:s10+$0xFFFFFFB0];
	v25 =	vmul.f32 $2.000000030e-01, v16;
	[tilespmem:s6+$0x30] =	vst v19  }
0x207: {  	v39 =	vbroadcast v28, $0x6;
	v40 =	vbroadcast v28, $0x7;
	v38 =	vld [tilespmem:s10+$0xFFFFFFC0];
	[tilespmem:s6+$0x40] =	vst v20  }
0x208: {  	v19 =	vbroadcast v29, $0x3;
	v41 =	vmul.f32 $2.000000030e-01, v15;
	v42 =	vld [tilespmem:s10+$0xFFFFFFD0];
	v16 =	vmax.f32 v16, v25;
	[tilespmem:s6+$0x50] =	vst v22  }
0x209: {  	v20 =	vbroadcast v29, $0x4;
	v25 =	vld [tilespmem:s10+$0xFFFFFFE0];
	v16 =	vmul.f32 $1.442695020e+00, v16;
	[tilespmem:s6+$0x60] =	vst v21;
	s6 =	smov.u32 s1;
	s1 =	smov.u32 s10  }
0x20a: {  	v22 =	vbroadcast v29, $0x5;
	v21 =	vbroadcast v29, $0x6;
	v15 =	vmax.f32 v15, v41;
	v41 =	vld [tilespmem:s10+$0x0];
	[tilespmem:s6+$0xFFFFFFF0] =	vst v28  }
0x20b: {  	v15 =	vmul.f32 $1.442695020e+00, v15;
	v43 =	vld [tilespmem:s10+$0x10];
	(erf) = vpow2.f32 v16;
	[tilespmem:s6+$0x80] =	vst v29  }
0x20c: {  	v27 =	vmul.f32 v27, v2;
	v2 =	vmovc v24;
	v28 =	vmul.f32 v30, v1;
	v1 =	vmov v18;
	v44 =	vld [tilespmem:s10+$0x20]  }
.Ltmp5:
0x20d: {  	v24 =	vmul.f32 v31, v3;
	v3 =	vmov v26;
	v16 =	vld [tilespmem:s10+$0x30];
	(erf) = vpow2.f32 v15;
	(pc) =	sbr.rel @p1 .LBB2_12-.Ltmp5, $4  }
0x20e: {  	v31 =	vmul.f32 v4, v35;
	v4 =	vmovc v23;
	v29 =	vmul.f32 v5, v36;
	v5 =	vmov v17;
	v15 =	vld [tilespmem:s10+$0x40];
	[tilespmem:s6+$0xFFFFFF70] =	vst v28  }
0x20f: {  	v26 =	vmul.f32 v8, v39;
	v30 =	vmul.f32 v6, v37;
	v6 =	vmovc v38;
	v8 =	vmov v42;
	v17 =	vld [tilespmem:s10+$0x50];
	[tilespmem:s6+$0xFFFFFF80] =	vst v27  }
0x210: {  	v28 =	vmul.f32 v9, v40;
	v9 =	vmovc v25;
	v18 =	vld [tilespmem:s10+$0x60];
	[tilespmem:s6+$0xFFFFFF90] =	vst v24;
	v24 =	vmul.f32 v32, v11;
	v11 =	vmov v41  }
0x211: {  	v23 =	vmul.f32 v34, v12;
	v27 =	vmul.f32 v33, v14;
	s10 =	sadd.s32 $0x120, s10;
	v14 =	vmovc v43;
	v25 =	vld [tilespmem:s1+$0x70];
	[tilespmem:s6+$0xFFFFFFA0] =	vst v31;
	v12 =	vmov v44  }
0x212: {  	[tilespmem:s6+$0xFFFFFFB0] =	vst v29  }
0x213: {  	[tilespmem:s6+$0xFFFFFFC0] =	vst v30  }
0x214: {  	[tilespmem:s6+$0xFFFFFFD0] =	vst v26  }
0x215: {  	[tilespmem:s6+$0xFFFFFFE0] =	vst v28  }
0x216: {  	[tilespmem:s6+$0x0] =	vst v24  }
0x217: {  	v0 =	vmul.f32 v0, v19;
	[tilespmem:s6+$0x10] =	vst v27  }
0x218: {  	v10 =	vmul.f32 v10, v20;
	[tilespmem:s6+$0x20] =	vst v23  }
0x219: {  	v7 =	vmul.f32 v7, v22;
	[tilespmem:s6+$0x30] =	vst v0  }
0x21a: {  	v29 =	vpop (erf);
	[tilespmem:s6+$0x40] =	vst v10  }
0x21b: {  	v0 =	vmul.f32 v13, v21;
	[tilespmem:s6+$0x50] =	vst v7;
	v26 =	vbroadcast v29, $0x7;
	v13 =	vpop (erf)  }
0x21c: {  	[tilespmem:s1+$0x80] =	vst v29;
	v10 =	vbroadcast v13, $0x0  }
0x21d: {  	[tilespmem:s6+$0x60] =	vst v0;
	v24 =	vmul.f32 v25, v26;
	v7 =	vbroadcast v13, $0x1  }
0x21e: {  	v0 =	vbroadcast v13, $0x2;
	[tilespmem:s1+$0xFFFFFFF0] =	vst v13;
	v1 =	vmul.f32 v10, v1  }
0x21f: {  	[tilespmem:s1+$0x70] =	vst v24;
	v10 =	vbroadcast v13, $0x3;
	v2 =	vmul.f32 v7, v2  }
0x220: {  	v7 =	vbroadcast v13, $0x4;
	v0 =	vmul.f32 v0, v3;
	[tilespmem:s1+$0xFFFFFF70] =	vst v1  }
0x221: {  	v1 =	vbroadcast v13, $0x5;
	v3 =	vmul.f32 v4, v10;
	[tilespmem:s1+$0xFFFFFF80] =	vst v2  }
0x222: {  	v2 =	vbroadcast v13, $0x6;
	v4 =	vmul.f32 v5, v7;
	[tilespmem:s1+$0xFFFFFF90] =	vst v0  }
0x223: {  	v0 =	vbroadcast v13, $0x7;
	v1 =	vmul.f32 v6, v1;
	[tilespmem:s1+$0xFFFFFFA0] =	vst v3  }
0x224: {  	v3 =	vbroadcast v29, $0x0;
	v2 =	vmul.f32 v8, v2;
	[tilespmem:s1+$0xFFFFFFB0] =	vst v4  }
0x225: {  	v4 =	vbroadcast v29, $0x1;
	v0 =	vmul.f32 v9, v0;
	[tilespmem:s1+$0xFFFFFFC0] =	vst v1  }
0x226: {  	v1 =	vbroadcast v29, $0x2;
	v3 =	vmul.f32 v3, v11;
	[tilespmem:s1+$0xFFFFFFD0] =	vst v2  }
0x227: {  	v2 =	vbroadcast v29, $0x3;
	v4 =	vmul.f32 v4, v14;
	[tilespmem:s1+$0xFFFFFFE0] =	vst v0  }
0x228: {  	v0 =	vbroadcast v29, $0x4;
	v1 =	vmul.f32 v1, v12;
	[tilespmem:s1+$0x0] =	vst v3  }
0x229: {  	v3 =	vbroadcast v29, $0x5;
	v2 =	vmul.f32 v16, v2;
	[tilespmem:s1+$0x10] =	vst v4  }
0x22a: {  	v4 =	vbroadcast v29, $0x6;
	v0 =	vmul.f32 v15, v0;
	[tilespmem:s1+$0x20] =	vst v1  }
0x22b: {  	v1 =	vmul.f32 v17, v3;
	[tilespmem:s1+$0x30] =	vst v2  }
0x22c: {  	v2 =	vmul.f32 v18, v4;
	[tilespmem:s1+$0x40] =	vst v0  }
0x22d: {  	[tilespmem:s1+$0x50] =	vst v1  }
0x22e: {  	s13 =	simm.s32 $0x4DA8;
	[tilespmem:s1+$0x60] =	vst v2  }
0x22f: {  	[spmem:s2] =	stream.indirect.scatter.add.f32 [tilespmem:s21], [sflag:$0x5], $0x90, s13, s18, $0xb8;
	[tilespmem:$0x1F8B0] =	vst v63  }
0x230: {  	_ =	swait.ge [sflag:s30], $0x1680  }
0x231: {  	[sflag:s30] =	ssyncset.done $0x0  }
0x232: {  	[sflag:s30] =	ssyncadd.s32 $0xFFFFE980  }
0x233: {  	_ =	swait.ge [sflag:s30], $0x280  }
0x234: {  	[sflag:s30] =	ssyncset.done $0x0  }
0x235: {  	[sflag:s30] =	ssyncadd.s32 $0xFFFFFD80  }
0x236: {  	_ =	swait.ge [sflag:s31], $0x1680  }
0x237: {  	[sflag:s31] =	ssyncset.done $0x0  }
0x238: {  	s6 =	simm.s32 $0x7BB0;
	[sflag:s31] =	ssyncadd.s32 $0xFFFFE980  }
0x239: {  	s22 =	simm.s32 $0x96B0;
	v0 =	vld [tilespmem:s6+$0x80]  }
0x23a: {  	v1 =	vld [tilespmem:s22+$0x0]  }
0x23b: {  	v2 =	vld [tilespmem:s22+$0xFFFFFFF0]  }
0x23c: {  	v3 =	vld [tilespmem:s6+$0xFFFFFFF0]  }
0x23d: {  	v15 =	vld [tilespmem:s6+$0xFFFFFF70]  }
0x23e: {  	v16 =	vld [tilespmem:s6+$0xFFFFFF80]  }
0x23f: {  	v17 =	vld [tilespmem:s6+$0xFFFFFF90]  }
0x240: {  	v18 =	vld [tilespmem:s6+$0xFFFFFFA0];
	v0 =	vadd.f32 v1, v0  }
0x241: {  	v23 =	vld [tilespmem:s6+$0xFFFFFFB0];
	v1 =	vadd.f32 v2, v3  }
0x242: {  	v24 =	vld [tilespmem:s6+$0xFFFFFFC0];
	v2 =	vmul.f32 $2.000000030e-01, v0  }
0x243: {  	v25 =	vld [tilespmem:s6+$0xFFFFFFD0];
	v3 =	vmul.f32 $2.000000030e-01, v1  }
0x244: {  	s8 =	simm.s32 $0x96D0;
	v27 =	vld [tilespmem:s6+$0xFFFFFFE0];
	v0 =	vmax.f32 v0, v2  }
0x245: {  	s1 =	simm.s32 $0x7CD0;
	v6 =	vld [tilespmem:s8+$0xFFFFFFF0];
	v1 =	vmax.f32 v1, v3;
	v0 =	vmul.f32 $1.442695020e+00, v0  }
0x246: {  	v8 =	vld [tilespmem:s1+$0xFFFFFFF0];
	v1 =	vmul.f32 $1.442695020e+00, v1  }
0x247: {  	v31 =	vld [tilespmem:s6+$0x0];
	(erf) = vpow2.f32 v0  }
0x248: {  	v32 =	vld [tilespmem:s6+$0x10];
	(erf) = vpow2.f32 v1  }
0x249: {  	v33 =	vld [tilespmem:s6+$0x20]  }
0x24a: {  	v10 =	vld [tilespmem:s6+$0x40]  }
0x24b: {  	v7 =	vld [tilespmem:s6+$0x50];
	v11 =	vadd.f32 v6, v8  }
0x24c: {  	v4 =	vld [tilespmem:s1+$0x80]  }
0x24d: {  	v5 =	vld [tilespmem:s8+$0x0];
	v21 =	vmul.f32 $2.000000030e-01, v11  }
0x24e: {  	v3 =	vld [tilespmem:s6+$0x70]  }
0x24f: {  	v13 =	vld [tilespmem:s6+$0x60];
	v43 =	vmax.f32 v11, v21  }
0x250: {  	v6 =	vld [tilespmem:s1+$0xFFFFFFC0];
	v43 =	vmul.f32 $1.442695020e+00, v43;
	v26 =	vpop (erf)  }
0x251: {  	v8 =	vld [tilespmem:s1+$0xFFFFFFD0];
	v34 =	vbroadcast v26, $0x0;
	v9 =	vbroadcast v26, $0x7;
	v12 =	vpop (erf)  }
0x252: {  	v2 =	vld [tilespmem:s1+$0xFFFFFF80];
	v28 =	vbroadcast v12, $0x0;
	v29 =	vbroadcast v12, $0x1  }
0x253: {  	v11 =	vld [tilespmem:s1+$0x0];
	v30 =	vbroadcast v12, $0x2;
	v14 =	vmul.f32 v3, v9;
	v9 =	vadd.f32 v5, v4  }
0x254: {  	v0 =	vld [tilespmem:s6+$0x30];
	v37 =	vbroadcast v12, $0x3;
	v38 =	vbroadcast v12, $0x4  }
0x255: {  	v1 =	vld [tilespmem:s1+$0xFFFFFF70];
	v39 =	vbroadcast v12, $0x5;
	v19 =	vmul.f32 $2.000000030e-01, v9  }
0x256: {  	v40 =	vbroadcast v12, $0x6;
	v41 =	vbroadcast v12, $0x7;
	[tilespmem:s6+$0xFFFFFFF0] =	vst v12;
	v12 =	vld [tilespmem:s1+$0x20]  }
0x257: {  	v35 =	vbroadcast v26, $0x1;
	v36 =	vbroadcast v26, $0x2;
	v3 =	vld [tilespmem:s1+$0xFFFFFF90];
	v20 =	vmax.f32 v9, v19  }
0x258: {  	v22 =	vbroadcast v26, $0x5;
	v4 =	vld [tilespmem:s1+$0xFFFFFFA0];
	v42 =	vmul.f32 $1.442695020e+00, v20  }
0x259: {  	v21 =	vbroadcast v26, $0x6;
	v5 =	vld [tilespmem:s1+$0xFFFFFFB0];
	v28 =	vmul.f32 v28, v15  }
0x25a: {  	v62 =	vmul.f32 v29, v16;
	v16 =	vld [tilespmem:s1+$0x30];
	(erf) = vpow2.f32 v42  }
0x25b: {  	[tilespmem:s6+$0x80] =	vst v26;
	v63 =	vmul.f32 v30, v17;
	v15 =	vld [tilespmem:s1+$0x40];
	v37 =	vmul.f32 v18, v37  }
0x25c: {  	v29 =	vmul.f32 v23, v38;
	v17 =	vld [tilespmem:s1+$0x50];
	[tilespmem:s6+$0x70] =	vst v14;
	(erf) = vpow2.f32 v43  }
0x25d: {  	v30 =	vmul.f32 v24, v39;
	v18 =	vld [tilespmem:s1+$0x60];
	v24 =	vmul.f32 v34, v31;
	[tilespmem:s6+$0xFFFFFF70] =	vst v28  }
0x25e: {  	v23 =	vmul.f32 v36, v33;
	v14 =	vld [tilespmem:s1+$0x10];
	[tilespmem:s6+$0xFFFFFF80] =	vst v62;
	v28 =	vmul.f32 v27, v41  }
0x25f: {  	[tilespmem:s6+$0xFFFFFF90] =	vst v63;
	v19 =	vbroadcast v26, $0x3;
	v9 =	vld [tilespmem:s1+$0xFFFFFFE0];
	v20 =	vbroadcast v26, $0x4  }
0x260: {  	s9 =	simm.s32 $0x2;
	s10 =	simm.s32 $0x7DF0;
	[tilespmem:s6+$0xFFFFFFA0] =	vst v37;
	v27 =	vmul.f32 v35, v32;
	v26 =	vmul.f32 v25, v40;
	v25 =	vld [tilespmem:s1+$0x70]  }
.LBB2_14:
0x261: {  	v31 =	vld [tilespmem:s10+$0x80];
	s8 =	sadd.s32 $0x20, s8;
	[tilespmem:s6+$0xFFFFFFB0] =	vst v29;
	v19 =	vmul.f32 v0, v19;
	v20 =	vmul.f32 v10, v20;
	v0 =	vmov v16  }
0x262: {  	s9 =	sadd.s32 $0x2, s9;
	v22 =	vmul.f32 v7, v22;
	v21 =	vmul.f32 v13, v21;
	v16 =	vld [tilespmem:s8+$0x0];
	[tilespmem:s6+$0xFFFFFFC0] =	vst v30;
	v10 =	vmov v15  }
0x263: {  	p1 =	slt.u32 s9, $0x26;
	v15 =	vld [tilespmem:s8+$0xFFFFFFF0];
	v29 =	vpop (erf);
	[tilespmem:s6+$0xFFFFFFD0] =	vst v26;
	v7 =	vmov v17  }
0x264: {  	v17 =	vld [tilespmem:s10+$0xFFFFFFF0];
	v32 =	vbroadcast v29, $0x0;
	v26 =	vbroadcast v29, $0x7;
	[tilespmem:s6+$0xFFFFFFE0] =	vst v28;
	v13 =	vmov v18  }
0x265: {  	v33 =	vbroadcast v29, $0x1;
	v34 =	vbroadcast v29, $0x2;
	v18 =	vld [tilespmem:s10+$0xFFFFFF70];
	v28 =	vpop (erf);
	[tilespmem:s6+$0x0] =	vst v24  }
0x266: {  	v24 =	vld [tilespmem:s10+$0xFFFFFF80];
	v30 =	vbroadcast v28, $0x0;
	v25 =	vmul.f32 v25, v26;
	[tilespmem:s6+$0x10] =	vst v27  }
0x267: {  	v27 =	vbroadcast v28, $0x1;
	v26 =	vld [tilespmem:s10+$0xFFFFFF90];
	v16 =	vadd.f32 v16, v31;
	v31 =	vbroadcast v28, $0x2;
	[tilespmem:s6+$0x20] =	vst v23  }
0x268: {  	v35 =	vbroadcast v28, $0x3;
	v36 =	vbroadcast v28, $0x4;
	v23 =	vld [tilespmem:s10+$0xFFFFFFA0];
	[tilespmem:s1+$0x70] =	vst v25  }
0x269: {  	v37 =	vbroadcast v28, $0x5;
	v15 =	vadd.f32 v15, v17;
	v17 =	vld [tilespmem:s10+$0xFFFFFFB0];
	v25 =	vmul.f32 $2.000000030e-01, v16;
	[tilespmem:s6+$0x30] =	vst v19  }
0x26a: {  	v39 =	vbroadcast v28, $0x6;
	v40 =	vbroadcast v28, $0x7;
	v38 =	vld [tilespmem:s10+$0xFFFFFFC0];
	[tilespmem:s6+$0x40] =	vst v20  }
0x26b: {  	v19 =	vbroadcast v29, $0x3;
	v41 =	vmul.f32 $2.000000030e-01, v15;
	v42 =	vld [tilespmem:s10+$0xFFFFFFD0];
	v16 =	vmax.f32 v16, v25;
	[tilespmem:s6+$0x50] =	vst v22  }
0x26c: {  	v20 =	vbroadcast v29, $0x4;
	v25 =	vld [tilespmem:s10+$0xFFFFFFE0];
	v16 =	vmul.f32 $1.442695020e+00, v16;
	[tilespmem:s6+$0x60] =	vst v21;
	s6 =	smov.u32 s1;
	s1 =	smov.u32 s10  }
0x26d: {  	v22 =	vbroadcast v29, $0x5;
	v21 =	vbroadcast v29, $0x6;
	v15 =	vmax.f32 v15, v41;
	v41 =	vld [tilespmem:s10+$0x0];
	[tilespmem:s6+$0xFFFFFFF0] =	vst v28  }
0x26e: {  	v15 =	vmul.f32 $1.442695020e+00, v15;
	v43 =	vld [tilespmem:s10+$0x10];
	(erf) = vpow2.f32 v16;
	[tilespmem:s6+$0x80] =	vst v29  }
0x26f: {  	v27 =	vmul.f32 v27, v2;
	v2 =	vmovc v24;
	v28 =	vmul.f32 v30, v1;
	v1 =	vmov v18;
	v44 =	vld [tilespmem:s10+$0x20]  }
.Ltmp6:
0x270: {  	v24 =	vmul.f32 v31, v3;
	v3 =	vmov v26;
	v16 =	vld [tilespmem:s10+$0x30];
	(erf) = vpow2.f32 v15;
	(pc) =	sbr.rel @p1 .LBB2_14-.Ltmp6, $4  }
0x271: {  	v31 =	vmul.f32 v4, v35;
	v4 =	vmovc v23;
	v29 =	vmul.f32 v5, v36;
	v5 =	vmov v17;
	v15 =	vld [tilespmem:s10+$0x40];
	[tilespmem:s6+$0xFFFFFF70] =	vst v28  }
0x272: {  	v26 =	vmul.f32 v8, v39;
	v30 =	vmul.f32 v6, v37;
	v6 =	vmovc v38;
	v8 =	vmov v42;
	v17 =	vld [tilespmem:s10+$0x50];
	[tilespmem:s6+$0xFFFFFF80] =	vst v27  }
0x273: {  	v28 =	vmul.f32 v9, v40;
	v9 =	vmovc v25;
	v18 =	vld [tilespmem:s10+$0x60];
	[tilespmem:s6+$0xFFFFFF90] =	vst v24;
	v24 =	vmul.f32 v32, v11;
	v11 =	vmov v41  }
0x274: {  	v23 =	vmul.f32 v34, v12;
	v27 =	vmul.f32 v33, v14;
	s10 =	sadd.s32 $0x120, s10;
	v14 =	vmovc v43;
	v25 =	vld [tilespmem:s1+$0x70];
	[tilespmem:s6+$0xFFFFFFA0] =	vst v31;
	v12 =	vmov v44  }
0x275: {  	[tilespmem:s6+$0xFFFFFFB0] =	vst v29  }
0x276: {  	[tilespmem:s6+$0xFFFFFFC0] =	vst v30  }
0x277: {  	[tilespmem:s6+$0xFFFFFFD0] =	vst v26  }
0x278: {  	[tilespmem:s6+$0xFFFFFFE0] =	vst v28  }
0x279: {  	[tilespmem:s6+$0x0] =	vst v24  }
0x27a: {  	v0 =	vmul.f32 v0, v19;
	[tilespmem:s6+$0x10] =	vst v27  }
0x27b: {  	v10 =	vmul.f32 v10, v20;
	[tilespmem:s6+$0x20] =	vst v23  }
0x27c: {  	v7 =	vmul.f32 v7, v22;
	[tilespmem:s6+$0x30] =	vst v0  }
0x27d: {  	v29 =	vpop (erf);
	[tilespmem:s6+$0x40] =	vst v10  }
0x27e: {  	v0 =	vmul.f32 v13, v21;
	[tilespmem:s6+$0x50] =	vst v7;
	v26 =	vbroadcast v29, $0x7;
	v13 =	vpop (erf)  }
0x27f: {  	[tilespmem:s1+$0x80] =	vst v29;
	v10 =	vbroadcast v13, $0x0  }
0x280: {  	[tilespmem:s6+$0x60] =	vst v0;
	v24 =	vmul.f32 v25, v26;
	v7 =	vbroadcast v13, $0x1  }
0x281: {  	v0 =	vbroadcast v13, $0x2;
	[tilespmem:s1+$0xFFFFFFF0] =	vst v13;
	v1 =	vmul.f32 v10, v1  }
0x282: {  	[tilespmem:s1+$0x70] =	vst v24;
	v10 =	vbroadcast v13, $0x3;
	v2 =	vmul.f32 v7, v2  }
0x283: {  	v7 =	vbroadcast v13, $0x4;
	v0 =	vmul.f32 v0, v3;
	[tilespmem:s1+$0xFFFFFF70] =	vst v1  }
0x284: {  	v1 =	vbroadcast v13, $0x5;
	v3 =	vmul.f32 v4, v10;
	[tilespmem:s1+$0xFFFFFF80] =	vst v2  }
0x285: {  	v2 =	vbroadcast v13, $0x6;
	v4 =	vmul.f32 v5, v7;
	[tilespmem:s1+$0xFFFFFF90] =	vst v0  }
0x286: {  	v0 =	vbroadcast v13, $0x7;
	v1 =	vmul.f32 v6, v1;
	[tilespmem:s1+$0xFFFFFFA0] =	vst v3  }
0x287: {  	v3 =	vbroadcast v29, $0x0;
	v2 =	vmul.f32 v8, v2;
	[tilespmem:s1+$0xFFFFFFB0] =	vst v4  }
0x288: {  	v4 =	vbroadcast v29, $0x1;
	v0 =	vmul.f32 v9, v0;
	[tilespmem:s1+$0xFFFFFFC0] =	vst v1  }
0x289: {  	v1 =	vbroadcast v29, $0x2;
	v3 =	vmul.f32 v3, v11;
	[tilespmem:s1+$0xFFFFFFD0] =	vst v2  }
0x28a: {  	v2 =	vbroadcast v29, $0x3;
	v4 =	vmul.f32 v4, v14;
	[tilespmem:s1+$0xFFFFFFE0] =	vst v0  }
0x28b: {  	v0 =	vbroadcast v29, $0x4;
	v1 =	vmul.f32 v1, v12;
	[tilespmem:s1+$0x0] =	vst v3  }
0x28c: {  	v3 =	vbroadcast v29, $0x5;
	v2 =	vmul.f32 v16, v2;
	[tilespmem:s1+$0x10] =	vst v4  }
0x28d: {  	v4 =	vbroadcast v29, $0x6;
	v0 =	vmul.f32 v15, v0;
	[tilespmem:s1+$0x20] =	vst v1  }
0x28e: {  	v1 =	vmul.f32 v17, v3;
	[tilespmem:s1+$0x30] =	vst v2  }
0x28f: {  	v2 =	vmul.f32 v18, v4;
	[tilespmem:s1+$0x40] =	vst v0  }
0x290: {  	[tilespmem:s1+$0x50] =	vst v1  }
0x291: {  	[tilespmem:s1+$0x60] =	vst v2  }
0x292: {  	[spmem:s2] =	stream.indirect.scatter.add.f32 [tilespmem:s25], [sflag:$0x6], $0x90, s11, s18, $0xb8;
	[tilespmem:$0x1F8B0] =	vst v63  }
0x293: {  	_ =	swait.ge [sflag:s24], $0x1680  }
0x294: {  	[sflag:s24] =	ssyncset.done $0x0  }
0x295: {  	[sflag:s24] =	ssyncadd.s32 $0xFFFFE980  }
0x296: {  	_ =	swait.ge [sflag:s24], $0x280  }
0x297: {  	[sflag:s24] =	ssyncset.done $0x0  }
0x298: {  	[sflag:s24] =	ssyncadd.s32 $0xFFFFFD80  }
0x299: {  	_ =	swait.ge [sflag:s0], $0x1680  }
0x29a: {  	[sflag:s0] =	ssyncset.done $0x0  }
0x29b: {  	s6 =	simm.s32 $0x4EB0;
	[sflag:s0] =	ssyncadd.s32 $0xFFFFE980  }
0x29c: {  	s22 =	simm.s32 $0x91B0;
	v0 =	vld [tilespmem:s6+$0x80]  }
0x29d: {  	v1 =	vld [tilespmem:s22+$0x0]  }
0x29e: {  	v2 =	vld [tilespmem:s22+$0xFFFFFFF0]  }
0x29f: {  	v3 =	vld [tilespmem:s6+$0xFFFFFFF0]  }
0x2a0: {  	v15 =	vld [tilespmem:s6+$0xFFFFFF70]  }
0x2a1: {  	v16 =	vld [tilespmem:s6+$0xFFFFFF80]  }
0x2a2: {  	v17 =	vld [tilespmem:s6+$0xFFFFFF90]  }
0x2a3: {  	v18 =	vld [tilespmem:s6+$0xFFFFFFA0];
	v0 =	vadd.f32 v1, v0  }
0x2a4: {  	v23 =	vld [tilespmem:s6+$0xFFFFFFB0];
	v1 =	vadd.f32 v2, v3  }
0x2a5: {  	v24 =	vld [tilespmem:s6+$0xFFFFFFC0];
	v2 =	vmul.f32 $2.000000030e-01, v0  }
0x2a6: {  	v25 =	vld [tilespmem:s6+$0xFFFFFFD0];
	v3 =	vmul.f32 $2.000000030e-01, v1  }
0x2a7: {  	s8 =	simm.s32 $0x91D0;
	v27 =	vld [tilespmem:s6+$0xFFFFFFE0];
	v0 =	vmax.f32 v0, v2  }
0x2a8: {  	s1 =	simm.s32 $0x4FD0;
	v6 =	vld [tilespmem:s8+$0xFFFFFFF0];
	v1 =	vmax.f32 v1, v3;
	v0 =	vmul.f32 $1.442695020e+00, v0  }
0x2a9: {  	v8 =	vld [tilespmem:s1+$0xFFFFFFF0];
	v1 =	vmul.f32 $1.442695020e+00, v1  }
0x2aa: {  	v31 =	vld [tilespmem:s6+$0x0];
	(erf) = vpow2.f32 v0  }
0x2ab: {  	v32 =	vld [tilespmem:s6+$0x10];
	(erf) = vpow2.f32 v1  }
0x2ac: {  	v33 =	vld [tilespmem:s6+$0x20]  }
0x2ad: {  	v10 =	vld [tilespmem:s6+$0x40]  }
0x2ae: {  	v7 =	vld [tilespmem:s6+$0x50];
	v11 =	vadd.f32 v6, v8  }
0x2af: {  	v4 =	vld [tilespmem:s1+$0x80]  }
0x2b0: {  	v5 =	vld [tilespmem:s8+$0x0];
	v21 =	vmul.f32 $2.000000030e-01, v11  }
0x2b1: {  	v3 =	vld [tilespmem:s6+$0x70]  }
0x2b2: {  	v13 =	vld [tilespmem:s6+$0x60];
	v43 =	vmax.f32 v11, v21  }
0x2b3: {  	v6 =	vld [tilespmem:s1+$0xFFFFFFC0];
	v43 =	vmul.f32 $1.442695020e+00, v43;
	v26 =	vpop (erf)  }
0x2b4: {  	v8 =	vld [tilespmem:s1+$0xFFFFFFD0];
	v34 =	vbroadcast v26, $0x0;
	v9 =	vbroadcast v26, $0x7;
	v12 =	vpop (erf)  }
0x2b5: {  	v2 =	vld [tilespmem:s1+$0xFFFFFF80];
	v28 =	vbroadcast v12, $0x0;
	v29 =	vbroadcast v12, $0x1  }
0x2b6: {  	v11 =	vld [tilespmem:s1+$0x0];
	v30 =	vbroadcast v12, $0x2;
	v14 =	vmul.f32 v3, v9;
	v9 =	vadd.f32 v5, v4  }
0x2b7: {  	v0 =	vld [tilespmem:s6+$0x30];
	v37 =	vbroadcast v12, $0x3;
	v38 =	vbroadcast v12, $0x4  }
0x2b8: {  	v1 =	vld [tilespmem:s1+$0xFFFFFF70];
	v39 =	vbroadcast v12, $0x5;
	v19 =	vmul.f32 $2.000000030e-01, v9  }
0x2b9: {  	v40 =	vbroadcast v12, $0x6;
	v41 =	vbroadcast v12, $0x7;
	[tilespmem:s6+$0xFFFFFFF0] =	vst v12;
	v12 =	vld [tilespmem:s1+$0x20]  }
0x2ba: {  	v35 =	vbroadcast v26, $0x1;
	v36 =	vbroadcast v26, $0x2;
	v3 =	vld [tilespmem:s1+$0xFFFFFF90];
	v20 =	vmax.f32 v9, v19  }
0x2bb: {  	v22 =	vbroadcast v26, $0x5;
	v4 =	vld [tilespmem:s1+$0xFFFFFFA0];
	v42 =	vmul.f32 $1.442695020e+00, v20  }
0x2bc: {  	v21 =	vbroadcast v26, $0x6;
	v5 =	vld [tilespmem:s1+$0xFFFFFFB0];
	v28 =	vmul.f32 v28, v15  }
0x2bd: {  	v62 =	vmul.f32 v29, v16;
	v16 =	vld [tilespmem:s1+$0x30];
	(erf) = vpow2.f32 v42  }
0x2be: {  	[tilespmem:s6+$0x80] =	vst v26;
	v63 =	vmul.f32 v30, v17;
	v15 =	vld [tilespmem:s1+$0x40];
	v37 =	vmul.f32 v18, v37  }
0x2bf: {  	v29 =	vmul.f32 v23, v38;
	v17 =	vld [tilespmem:s1+$0x50];
	[tilespmem:s6+$0x70] =	vst v14;
	(erf) = vpow2.f32 v43  }
0x2c0: {  	v30 =	vmul.f32 v24, v39;
	v18 =	vld [tilespmem:s1+$0x60];
	v24 =	vmul.f32 v34, v31;
	[tilespmem:s6+$0xFFFFFF70] =	vst v28  }
0x2c1: {  	v23 =	vmul.f32 v36, v33;
	v14 =	vld [tilespmem:s1+$0x10];
	[tilespmem:s6+$0xFFFFFF80] =	vst v62;
	v28 =	vmul.f32 v27, v41  }
0x2c2: {  	[tilespmem:s6+$0xFFFFFF90] =	vst v63;
	v19 =	vbroadcast v26, $0x3;
	v9 =	vld [tilespmem:s1+$0xFFFFFFE0];
	v20 =	vbroadcast v26, $0x4  }
0x2c3: {  	s9 =	simm.s32 $0x2;
	s10 =	simm.s32 $0x50F0;
	[tilespmem:s6+$0xFFFFFFA0] =	vst v37;
	v27 =	vmul.f32 v35, v32;
	v26 =	vmul.f32 v25, v40;
	v25 =	vld [tilespmem:s1+$0x70]  }
.LBB2_16:
0x2c4: {  	v31 =	vld [tilespmem:s10+$0x80];
	s8 =	sadd.s32 $0x20, s8;
	[tilespmem:s6+$0xFFFFFFB0] =	vst v29;
	v19 =	vmul.f32 v0, v19;
	v20 =	vmul.f32 v10, v20;
	v0 =	vmov v16  }
0x2c5: {  	s9 =	sadd.s32 $0x2, s9;
	v22 =	vmul.f32 v7, v22;
	v21 =	vmul.f32 v13, v21;
	v16 =	vld [tilespmem:s8+$0x0];
	[tilespmem:s6+$0xFFFFFFC0] =	vst v30;
	v10 =	vmov v15  }
0x2c6: {  	p1 =	slt.u32 s9, $0x26;
	v15 =	vld [tilespmem:s8+$0xFFFFFFF0];
	v29 =	vpop (erf);
	[tilespmem:s6+$0xFFFFFFD0] =	vst v26;
	v7 =	vmov v17  }
0x2c7: {  	v17 =	vld [tilespmem:s10+$0xFFFFFFF0];
	v32 =	vbroadcast v29, $0x0;
	v26 =	vbroadcast v29, $0x7;
	[tilespmem:s6+$0xFFFFFFE0] =	vst v28;
	v13 =	vmov v18  }
0x2c8: {  	v33 =	vbroadcast v29, $0x1;
	v34 =	vbroadcast v29, $0x2;
	v18 =	vld [tilespmem:s10+$0xFFFFFF70];
	v28 =	vpop (erf);
	[tilespmem:s6+$0x0] =	vst v24  }
0x2c9: {  	v24 =	vld [tilespmem:s10+$0xFFFFFF80];
	v30 =	vbroadcast v28, $0x0;
	v25 =	vmul.f32 v25, v26;
	[tilespmem:s6+$0x10] =	vst v27  }
0x2ca: {  	v27 =	vbroadcast v28, $0x1;
	v26 =	vld [tilespmem:s10+$0xFFFFFF90];
	v16 =	vadd.f32 v16, v31;
	v31 =	vbroadcast v28, $0x2;
	[tilespmem:s6+$0x20] =	vst v23  }
0x2cb: {  	v35 =	vbroadcast v28, $0x3;
	v36 =	vbroadcast v28, $0x4;
	v23 =	vld [tilespmem:s10+$0xFFFFFFA0];
	[tilespmem:s1+$0x70] =	vst v25  }
0x2cc: {  	v37 =	vbroadcast v28, $0x5;
	v15 =	vadd.f32 v15, v17;
	v17 =	vld [tilespmem:s10+$0xFFFFFFB0];
	v25 =	vmul.f32 $2.000000030e-01, v16;
	[tilespmem:s6+$0x30] =	vst v19  }
0x2cd: {  	v39 =	vbroadcast v28, $0x6;
	v40 =	vbroadcast v28, $0x7;
	v38 =	vld [tilespmem:s10+$0xFFFFFFC0];
	[tilespmem:s6+$0x40] =	vst v20  }
0x2ce: {  	v19 =	vbroadcast v29, $0x3;
	v41 =	vmul.f32 $2.000000030e-01, v15;
	v42 =	vld [tilespmem:s10+$0xFFFFFFD0];
	v16 =	vmax.f32 v16, v25;
	[tilespmem:s6+$0x50] =	vst v22  }
0x2cf: {  	v20 =	vbroadcast v29, $0x4;
	v25 =	vld [tilespmem:s10+$0xFFFFFFE0];
	v16 =	vmul.f32 $1.442695020e+00, v16;
	[tilespmem:s6+$0x60] =	vst v21;
	s6 =	smov.u32 s1;
	s1 =	smov.u32 s10  }
0x2d0: {  	v22 =	vbroadcast v29, $0x5;
	v21 =	vbroadcast v29, $0x6;
	v15 =	vmax.f32 v15, v41;
	v41 =	vld [tilespmem:s10+$0x0];
	[tilespmem:s6+$0xFFFFFFF0] =	vst v28  }
0x2d1: {  	v15 =	vmul.f32 $1.442695020e+00, v15;
	v43 =	vld [tilespmem:s10+$0x10];
	(erf) = vpow2.f32 v16;
	[tilespmem:s6+$0x80] =	vst v29  }
0x2d2: {  	v27 =	vmul.f32 v27, v2;
	v2 =	vmovc v24;
	v28 =	vmul.f32 v30, v1;
	v1 =	vmov v18;
	v44 =	vld [tilespmem:s10+$0x20]  }
.Ltmp7:
0x2d3: {  	v24 =	vmul.f32 v31, v3;
	v3 =	vmov v26;
	v16 =	vld [tilespmem:s10+$0x30];
	(erf) = vpow2.f32 v15;
	(pc) =	sbr.rel @p1 .LBB2_16-.Ltmp7, $4  }
0x2d4: {  	v31 =	vmul.f32 v4, v35;
	v4 =	vmovc v23;
	v29 =	vmul.f32 v5, v36;
	v5 =	vmov v17;
	v15 =	vld [tilespmem:s10+$0x40];
	[tilespmem:s6+$0xFFFFFF70] =	vst v28  }
0x2d5: {  	v26 =	vmul.f32 v8, v39;
	v30 =	vmul.f32 v6, v37;
	v6 =	vmovc v38;
	v8 =	vmov v42;
	v17 =	vld [tilespmem:s10+$0x50];
	[tilespmem:s6+$0xFFFFFF80] =	vst v27  }
0x2d6: {  	v28 =	vmul.f32 v9, v40;
	v9 =	vmovc v25;
	v18 =	vld [tilespmem:s10+$0x60];
	[tilespmem:s6+$0xFFFFFF90] =	vst v24;
	v24 =	vmul.f32 v32, v11;
	v11 =	vmov v41  }
0x2d7: {  	v23 =	vmul.f32 v34, v12;
	v27 =	vmul.f32 v33, v14;
	s10 =	sadd.s32 $0x120, s10;
	v14 =	vmovc v43;
	v25 =	vld [tilespmem:s1+$0x70];
	[tilespmem:s6+$0xFFFFFFA0] =	vst v31;
	v12 =	vmov v44  }
0x2d8: {  	[tilespmem:s6+$0xFFFFFFB0] =	vst v29  }
0x2d9: {  	[tilespmem:s6+$0xFFFFFFC0] =	vst v30  }
0x2da: {  	[tilespmem:s6+$0xFFFFFFD0] =	vst v26  }
0x2db: {  	[tilespmem:s6+$0xFFFFFFE0] =	vst v28  }
0x2dc: {  	[tilespmem:s6+$0x0] =	vst v24  }
0x2dd: {  	v0 =	vmul.f32 v0, v19;
	[tilespmem:s6+$0x10] =	vst v27  }
0x2de: {  	v10 =	vmul.f32 v10, v20;
	[tilespmem:s6+$0x20] =	vst v23  }
0x2df: {  	v7 =	vmul.f32 v7, v22;
	[tilespmem:s6+$0x30] =	vst v0  }
0x2e0: {  	v43 =	vmul.f32 v13, v21;
	v40 =	vpop (erf);
	[tilespmem:s6+$0x40] =	vst v10  }
0x2e1: {  	[tilespmem:s6+$0x50] =	vst v7;
	v41 =	vbroadcast v40, $0x7  }
0x2e2: {  	[tilespmem:s6+$0x60] =	vst v43;
	v60 =	vbroadcast v40, $0x5  }
0x2e3: {  	[tilespmem:s1+$0x80] =	vst v40;
	v61 =	vbroadcast v40, $0x6;
	v44 =	vpop (erf);
	v42 =	vmul.f32 v25, v41  }
0x2e4: {  	v45 =	vbroadcast v44, $0x0;
	[tilespmem:s1+$0xFFFFFFF0] =	vst v44;
	v62 =	vmul.f32 v17, v60  }
0x2e5: {  	v46 =	vbroadcast v44, $0x1;
	v63 =	vmul.f32 v18, v61;
	[tilespmem:s1+$0x70] =	vst v42  }
0x2e6: {  	v47 =	vbroadcast v44, $0x2;
	v1 =	vmul.f32 v45, v1;
	[tilespmem:s1+$0x50] =	vst v62  }
0x2e7: {  	v48 =	vbroadcast v44, $0x3;
	v2 =	vmul.f32 v46, v2;
	[tilespmem:s1+$0x60] =	vst v63  }
0x2e8: {  	v49 =	vbroadcast v44, $0x4;
	v0 =	vmul.f32 v47, v3;
	[tilespmem:s1+$0xFFFFFF70] =	vst v1  }
0x2e9: {  	v55 =	vbroadcast v40, $0x0;
	v51 =	vmul.f32 v4, v48;
	[tilespmem:s1+$0xFFFFFF80] =	vst v2  }
0x2ea: {  	v56 =	vbroadcast v40, $0x1;
	v53 =	vmul.f32 v5, v49;
	[tilespmem:s1+$0xFFFFFF90] =	vst v0  }
0x2eb: {  	v50 =	vbroadcast v44, $0x5;
	v3 =	vmul.f32 v55, v11;
	[tilespmem:s1+$0xFFFFFFA0] =	vst v51  }
0x2ec: {  	v52 =	vbroadcast v44, $0x6;
	v4 =	vmul.f32 v56, v14;
	[tilespmem:s1+$0xFFFFFFB0] =	vst v53  }
0x2ed: {  	v54 =	vbroadcast v44, $0x7;
	v1 =	vmul.f32 v6, v50;
	[tilespmem:s1+$0x0] =	vst v3  }
0x2ee: {  	v57 =	vbroadcast v40, $0x2;
	v2 =	vmul.f32 v8, v52;
	[tilespmem:s1+$0x10] =	vst v4  }
0x2ef: {  	v58 =	vbroadcast v40, $0x3;
	v0 =	vmul.f32 v9, v54;
	[tilespmem:s1+$0xFFFFFFC0] =	vst v1  }
0x2f0: {  	v59 =	vbroadcast v40, $0x4;
	[tilespmem:s1+$0xFFFFFFD0] =	vst v2;
	v1 =	vmul.f32 v57, v12  }
0x2f1: {  	[tilespmem:s1+$0xFFFFFFE0] =	vst v0;
	v2 =	vmul.f32 v16, v58  }
0x2f2: {  	v0 =	vmul.f32 v15, v59;
	[tilespmem:s1+$0x20] =	vst v1  }
0x2f3: {  	[tilespmem:s1+$0x30] =	vst v2  }
0x2f4: {  	[tilespmem:s1+$0x40] =	vst v0  }
0x2f5: {  	[spmem:s2] =	stream.indirect.scatter.add.f32 [tilespmem:s19], [sflag:$0x4], $0x90, s12, s18, $0xb8;
	[tilespmem:$0x1F8B0] =	vst v63  }
0x2f6: {  	_ =	swait.ge [sflag:s29], $0x1680  }
0x2f7: {  	[sflag:s29] =	ssyncset.done $0x0  }
0x2f8: {  	[sflag:s29] =	ssyncadd.s32 $0xFFFFE980  }
0x2f9: {  	[bflag:$0x0] =	sbarrier.arrive $0xFFFF  }
0x2fa: {  	s13 =	rddreg [dreg:$0x8]  }
0x2fb: {  	[hbm:s13], [sflag:s7] =	dma.local [spmem:s14], $0x2BE0  }
0x2fc: {  	_ =	swait.ge [sflag:s15], $0x2BE0  }
0x2fd: {  	[sflag:s15] =	ssyncset.done $0x0  }
0x2fe: {  	s1 =	rddreg [dreg:$0x9];
	[sflag:s15] =	ssyncadd.s32 $0xFFFFD420  }
0x2ff: {  	[hbm:s1], [sflag:s7] =	dma.local @!p0 [spmem:s16], $0x120  }
0x300: {  	s1 =	simm.s32 @!p0 $0x7  }
0x301: {  	_ =	swait.ge @!p0 [sflag:s1], $0x120  }
0x302: {  	s17 =	sadd.s32 $0x1, s17;
	s22 =	rddreg [dreg:$0xa]  }
0x303: {  	p1 =	sne.s32 s17, s22  }
.Ltmp8:
0x304: {  	_ = 	snop;
	(pc) =	sbr.rel @p1 .LBB2_1-.Ltmp8, $3  }
0x305: {  	_ =	sdelay $0x1  }
0x306: {  	[sflag:s1] =	ssyncset.done @!p0 $0x0  }
0x307: {  	[sflag:s1] =	ssyncadd.s32 @!p0 $0xFFFFFEE0  }
0x308: {  	_ =	sfence.sel $0x180000  }
0x309: {  	[bflag:$0x0] =	sbarrier.arrive $0xFFFF  }
0x30a: {  	_ =	strace $0x90000047  }
0x30b: {  	s0 =	stileid.u32;
	[bflag:$0x2] =	sbarrier.arrive $0xFFFF  }
0x30c: {  	p0 =	sne.s32 s0, $0x0;
	s0 =	rddreg [dreg:$0x3]  }
0x30d: {  	s0 =	sadd.s32 @!p0 $0x100000, s0  }
0x30e: {  	[sflag:s0] =	ssyncadd.tile.s32 @!p0 $0x1;
	_ =	shalt  }
.Lfunc_end2:
_tile_overlayer_lowered:
.L_overlay_start_2:
0x30f: {  	(tag) =	ssettag $0x2  }
0x310: {  	s0 =	rddreg [dreg:$0x0];
	s2 =	stileid.u32  }
0x311: {  	s1 =	rddreg [dreg:$0x1];
	p0 =	sne.s32 s2, $0x0  }
0x312: {  	s3 =	rddreg [dreg:$0x2];
	[bflag:$0x3] =	sbarrier.arrive $0xFFFF;
	s2 =	simm.s32 @!p0 $0x1C07  }
0x313: {  	[timem:s3], [sflag:s2] =	dma.local @!p0 [hbm:s0], s1  }
0x314: {  	s0 =	simm.s32 @!p0 $0x7  }
0x315: {  	_ =	swait.ge @!p0 [sflag:s0], s1  }
0x316: {  	s1 =	ssub.s32 @!p0 $0x0, s1;
	[sflag:s0] =	ssyncset.done @!p0 $0x0  }
0x317: {  	[sflag:s0] =	ssyncadd.s32 @!p0 s1  }
0x318: {  	[bflag:$0x3] =	sbarrier.arrive $0xFFFF  }
0x319: {  	_ =	shalt  }

</sc_bundles>
